<compile_context>
chip_gen: v7x
topology: tpu7x:2x2x1
jax: 0.10.2.dev20260603
libtpu: 0.0.44.dev20260713+nightly
codegen_flags: <defaults>
</compile_context>

<pallas_src>
import jax
import jax.numpy as jnp
import numpy as np
from jax import lax
from jax.experimental import pallas as pl
from jax.experimental.pallas import tpu as pltpu
from jax.experimental.pallas import tpu_sc as plsc

N_NODES = 10000
D = 128
NC, NS = 2, 16
NW = NC * NS
C = 128
NCHUNK = 80
ROUNDS = 5
CH = NCHUNK // ROUNDS
E_PAD = NW * NCHUNK * C
N_PAD = 10240
TRASH = N_NODES
ROWS_PER_SUB = N_PAD // NS
RCHUNKS = ROWS_PER_SUB // C
HROWS = N_PAD // C
FBASE = NC * N_PAD


def _sc_body(xt, sd, outf, src_v, dst_v, buf0, buf1, hist, acc,
             sem0, sem1, ssem0, ssem1):
  c = lax.axis_index("c")
  s = lax.axis_index("s")
  wid = c * NS + s
  base = s * ROWS_PER_SUB
  z16 = jnp.zeros((16,), jnp.float32)

  @pl.loop(0, C)
  def _(r):
    for k in range(D // 16):
      buf0[r, pl.ds(k * 16, 16)] = z16

  @pl.loop(0, HROWS)
  def _(r):
    for k in range(C // 16):
      hist[r, pl.ds(k * 16, 16)] = z16

  for t in range(RCHUNKS):
    pltpu.sync_copy(buf0, acc.at[pl.ds(base + t * C, C)])

  plsc.subcore_barrier()

  for r in range(ROUNDS):
    pltpu.sync_copy(sd.at[pl.ds(wid * NCHUNK + r * CH, CH)], src_v)
    pltpu.sync_copy(
        sd.at[pl.ds(NW * NCHUNK + wid * NCHUNK + r * CH, CH)], dst_v)

    pltpu.async_copy(xt.at[src_v.at[0]], buf0, sem0)
    pltpu.async_copy(xt.at[src_v.at[1]], buf1, sem1)

    @pl.loop(0, CH // 2)
    def _(i):
      j0 = i * 2
      for b, (buf, sem, ssem) in enumerate(
          ((buf0, sem0, ssem0), (buf1, sem1, ssem1))):
        j = j0 + b
        pltpu.make_async_copy(xt.at[src_v.at[j]], buf, sem).wait()
        pltpu.async_copy(buf, acc.at[dst_v.at[j]], ssem, add=True)
        for k in range(C // 16):
          v = dst_v[j, pl.ds(k * 16, 16)]
          cnt, lastm = plsc.scan_count(v)
          plsc.addupdate_scatter(
              hist,
              [lax.shift_right_logical(v, 7), jnp.bitwise_and(v, 127)],
              cnt.astype(jnp.float32), mask=lastm)
        pltpu.make_async_copy(buf, acc.at[dst_v.at[j]], ssem).wait()
        jn = jnp.minimum(j + 2, CH - 1)
        pltpu.async_copy(xt.at[src_v.at[jn]], buf, sem)

    pltpu.make_async_copy(xt.at[src_v.at[CH - 1]], buf0, sem0).wait()
    pltpu.make_async_copy(xt.at[src_v.at[CH - 1]], buf1, sem1).wait()

  pltpu.sync_copy(hist, outf.at[pl.ds(FBASE + wid * HROWS, HROWS)])

  plsc.subcore_barrier()

  pltpu.sync_copy(acc.at[pl.ds(base, ROWS_PER_SUB)],
                  outf.at[pl.ds(c * N_PAD + base, ROWS_PER_SUB)])


_sc_scatter_cache = []


def _sc_scatter(*args):
  if not _sc_scatter_cache:
    mesh = plsc.VectorSubcoreMesh(
        core_axis_name="c", subcore_axis_name="s",
        num_cores=NC, num_subcores=NS)
    _sc_scatter_cache.append(pl.kernel(
        _sc_body,
        out_type=jax.ShapeDtypeStruct((FBASE + NW * HROWS, D), jnp.float32),
        mesh=mesh,
        compiler_params=pltpu.CompilerParams(needs_layout_passes=False),
        scratch_types=[
            pltpu.VMEM((CH, C), jnp.int32),
            pltpu.VMEM((CH, C), jnp.int32),
            pltpu.VMEM((C, D), jnp.float32),
            pltpu.VMEM((C, D), jnp.float32),
            pltpu.VMEM((HROWS, C), jnp.float32),
            pltpu.VMEM_SHARED((N_PAD, D), jnp.float32),
            pltpu.SemaphoreType.DMA,
            pltpu.SemaphoreType.DMA,
            pltpu.SemaphoreType.DMA,
            pltpu.SemaphoreType.DMA,
        ],
    ))
  return _sc_scatter_cache[0](*args)


NCHK = NW * NCHUNK
PADCH = NCHK - 320000 // C


def _prep_body(e_ref, pad_ref, o_ref):
  e = e_ref.shape[1]
  src = e_ref[0].reshape(e // C, C)
  dst = e_ref[1].reshape(e // C, C)
  o_ref[...] = jnp.concatenate([src, pad_ref[0], dst, pad_ref[1]], axis=0)


def _prep(ei, pads):
  e = ei.shape[1]
  return pl.pallas_call(
      _prep_body,
      grid=(1,),
      in_specs=[
          pl.BlockSpec((2, e), lambda i: (0, 0)),
          pl.BlockSpec((2, PADCH, C), lambda i: (0, 0, 0)),
      ],
      out_specs=pl.BlockSpec((2 * NCHK, C), lambda i: (0, 0)),
      out_shape=jax.ShapeDtypeStruct((2 * NCHK, C), jnp.int32),
  )(ei, pads)


BN = 1024


def _mlp_body(p0_ref, p1_ref, dp_ref, w1t_ref, b1_ref, w2t_ref, b2_ref,
              o_ref):
  agr = p0_ref[...] + p1_ref[...]
  deg = jnp.sum(dp_ref[...], axis=0)[:, None]
  xn = agr / (deg + 1e-8)
  h = jnp.tanh(
      jnp.dot(xn, w1t_ref[...], preferred_element_type=jnp.float32)
      + b1_ref[...])
  o_ref[...] = (
      jnp.dot(h, w2t_ref[...], preferred_element_type=jnp.float32)
      + b2_ref[...])


def _mlp(outf, dp, w1t, b1, w2t, b2):
  grid = N_PAD // BN
  return pl.pallas_call(
      _mlp_body,
      grid=(grid,),
      in_specs=[
          pl.BlockSpec((BN, D), lambda i: (i, 0)),
          pl.BlockSpec((BN, D), lambda i: (N_PAD // BN + i, 0)),
          pl.BlockSpec((NW, BN), lambda i: (0, i)),
          pl.BlockSpec((D, D), lambda i: (0, 0)),
          pl.BlockSpec((1, D), lambda i: (0, 0)),
          pl.BlockSpec((D, D), lambda i: (0, 0)),
          pl.BlockSpec((1, D), lambda i: (0, 0)),
      ],
      out_specs=pl.BlockSpec((BN, D), lambda i: (i, 0)),
      out_shape=jax.ShapeDtypeStruct((N_PAD, D), jnp.float32),
  )(outf, outf, dp, w1t, b1, w2t, b2)


def kernel(x, edge_index, W1, b1, W2, b2):
  ei = edge_index.astype(jnp.int32)
  pad_i = np.arange(PADCH * C, dtype=np.int32)
  pads = jnp.asarray(np.stack([
      pad_i % N_NODES,
      TRASH + pad_i % (N_PAD - N_NODES),
  ]).reshape(2, PADCH, C))
  sd = _prep(ei, pads)
  outf = _sc_scatter(x, sd)
  dp = outf[FBASE:].reshape(NW, N_PAD)
  out = _mlp(outf, dp, W1.T, b1.reshape(1, D), W2.T, b2.reshape(1, D))
  return out[:N_NODES]

# --- scband reference (transcript-rebuilt; emitter-appended) ---
"""Pipeline reference for scband-first-conv-71502615544008 (READ-ONLY COPY).

The authoritative reference and input builder live on the scoring server;
editing this copy changes nothing except your own understanding.
"""

import jax, jax.numpy as jnp
import numpy as np

N_NODES = 10000
N_EDGES = 320000
D_IN = 128
D_HID = 128
D_OUT = 128


def setup_inputs(seed: int = 0) -> dict:
    key = jax.random.key(seed)
    k1, k2, k3, k4, k5, k6 = jax.random.split(key, 6)
    x = jax.random.normal(k1, (N_NODES, D_IN), dtype=jnp.float32)
    edge_index = jax.random.randint(k2, (2, N_EDGES), 0, N_NODES, dtype=jnp.int64)
    # MLP parameters (nn.Linear default init style: uniform in +/- 1/sqrt(fan_in))
    b_in = 1.0 / np.sqrt(D_IN)
    b_hid = 1.0 / np.sqrt(D_HID)
    W1 = jax.random.uniform(k3, (D_HID, D_IN), minval=-b_in, maxval=b_in, dtype=jnp.float32)
    b1 = jax.random.uniform(k4, (D_HID,), minval=-b_in, maxval=b_in, dtype=jnp.float32)
    W2 = jax.random.uniform(k5, (D_OUT, D_HID), minval=-b_hid, maxval=b_hid, dtype=jnp.float32)
    b2 = jax.random.uniform(k6, (D_OUT,), minval=-b_hid, maxval=b_hid, dtype=jnp.float32)
    return {"x": x, "edge_index": edge_index, "W1": W1, "b1": b1, "W2": W2, "b2": b2}


def reference(x, edge_index, W1, b1, W2, b2):
    # edge_index[atr].t() @ x  ==  scatter-add of source feats into dst nodes
    src = edge_index[0]
    dst = edge_index[1]
    n = x.shape[0]
    gathered = jnp.take(x, src, axis=0)                      # gather [E, d]
    agr = jax.ops.segment_sum(gathered, dst, num_segments=n)  # scatter-add [N, d]
    # degree(col) per dst node
    deg = jax.ops.segment_sum(jnp.ones((edge_index.shape[1],), dtype=x.dtype), dst, num_segments=n)
    agr = agr / (deg[:, None] + 1e-08)
    # MLP: lin1 -> tanh -> lin2
    h = jnp.tanh(agr @ W1.T + b1)
    out = h @ W2.T + b2
    return out

if __name__ == "__main__":
    import jax
    _d = setup_inputs()
    print(jax.jit(kernel)(*tuple(_d.values())))

</pallas_src>

<mosaic_0001>
#map = affine_map<(d0, d1) -> (0, 0)>
module attributes {stable_mosaic.version = 14 : i64} {
  func.func @_sc_body(%arg0: i32, %arg1: i32, %arg2: memref<10000x128xf32, #tpu.memory_space<hbm>>, %arg3: memref<5120x128xi32, #tpu.memory_space<hbm>>, %arg4: memref<23040x128xf32, #tpu.memory_space<hbm>>, %arg5: memref<16x128xi32, #tpu.memory_space<vmem>>, %arg6: memref<16x128xi32, #tpu.memory_space<vmem>>, %arg7: memref<128x128xf32, #tpu.memory_space<vmem>>, %arg8: memref<128x128xf32, #tpu.memory_space<vmem>>, %arg9: memref<80x128xf32, #tpu.memory_space<vmem>>, %arg10: memref<10240x128xf32, #tpu.memory_space<vmem_shared>>, %arg11: memref<!tpu.dma_semaphore, #tpu.memory_space<semaphore_mem>>, %arg12: memref<!tpu.dma_semaphore, #tpu.memory_space<semaphore_mem>>, %arg13: memref<!tpu.dma_semaphore, #tpu.memory_space<semaphore_mem>>, %arg14: memref<!tpu.dma_semaphore, #tpu.memory_space<semaphore_mem>>) attributes {dimension_semantics = [#tpu.dimension_semantics<core_parallel>, #tpu.dimension_semantics<subcore_parallel>], iteration_bounds = array<i64: 2, 16>, scalar_prefetch = 0 : i64, scratch_operands = 10 : i64, tpu.core_type = #tpu.core_type<sc_vector_subcore>, window_params = [{transform_indices = #map}, {transform_indices = #map}, {transform_indices = #map}]} {
    %mul3A = arith.constant 16 : i32
    %mul3A_0 = arith.muli %arg0, %mul3A : i32
    %add3A = arith.addi %mul3A_0, %arg1 : i32
    %mul3A_1 = arith.constant 640 : i32
    %mul3A_2 = arith.muli %arg1, %mul3A_1 : i32
    %broadcast_in_dim3A = arith.constant 0.000000e+00 : f32
    %broadcast_in_dim3A_3 = vector.broadcast %broadcast_in_dim3A : f32 to vector<16xf32>
    %scan3A = arith.constant 0 : i32
    %scan3A_4 = arith.constant 128 : i32
    %scan3A_5 = arith.addi %scan3A, %scan3A_4 : i32
    %scan3A_6 = arith.constant 1 : i32
    scf.for %scan3A_244 = %scan3A to %scan3A_5 step %scan3A_6  : i32 {
      %mul3A_245 = arith.constant 1 : i32
      %mul3A_246 = arith.muli %scan3A_244, %mul3A_245 : i32
      %add3A_247 = arith.constant 0 : i32
      %add3A_248 = arith.addi %add3A_247, %mul3A_246 : i32
      %swap3A = arith.index_cast %add3A_248 : i32 to index
      %swap3A_249 = arith.constant 0 : index
      %swap3A_250 = tpu.vector_load %arg7[%swap3A, %swap3A_249] {strides = array<i32>} : memref<128x128xf32, #tpu.memory_space<vmem>>, vector<16xf32>,
      tpu.vector_store %arg7[%swap3A, %swap3A_249], %broadcast_in_dim3A_3 {strides = array<i32>} : memref<128x128xf32, #tpu.memory_space<vmem>>, vector<16xf32>,
      %swap3A_251 = arith.index_cast %add3A_248 : i32 to index
      %swap3A_252 = arith.constant 16 : index
      %swap3A_253 = tpu.vector_load %arg7[%swap3A_251, %swap3A_252] {strides = array<i32>} : memref<128x128xf32, #tpu.memory_space<vmem>>, vector<16xf32>,
      tpu.vector_store %arg7[%swap3A_251, %swap3A_252], %broadcast_in_dim3A_3 {strides = array<i32>} : memref<128x128xf32, #tpu.memory_space<vmem>>, vector<16xf32>,
      %swap3A_254 = arith.index_cast %add3A_248 : i32 to index
      %swap3A_255 = arith.constant 32 : index
      %swap3A_256 = tpu.vector_load %arg7[%swap3A_254, %swap3A_255] {strides = array<i32>} : memref<128x128xf32, #tpu.memory_space<vmem>>, vector<16xf32>,
      tpu.vector_store %arg7[%swap3A_254, %swap3A_255], %broadcast_in_dim3A_3 {strides = array<i32>} : memref<128x128xf32, #tpu.memory_space<vmem>>, vector<16xf32>,
      %swap3A_257 = arith.index_cast %add3A_248 : i32 to index
      %swap3A_258 = arith.constant 48 : index
      %swap3A_259 = tpu.vector_load %arg7[%swap3A_257, %swap3A_258] {strides = array<i32>} : memref<128x128xf32, #tpu.memory_space<vmem>>, vector<16xf32>,
      tpu.vector_store %arg7[%swap3A_257, %swap3A_258], %broadcast_in_dim3A_3 {strides = array<i32>} : memref<128x128xf32, #tpu.memory_space<vmem>>, vector<16xf32>,
      %swap3A_260 = arith.index_cast %add3A_248 : i32 to index
      %swap3A_261 = arith.constant 64 : index
      %swap3A_262 = tpu.vector_load %arg7[%swap3A_260, %swap3A_261] {strides = array<i32>} : memref<128x128xf32, #tpu.memory_space<vmem>>, vector<16xf32>,
      tpu.vector_store %arg7[%swap3A_260, %swap3A_261], %broadcast_in_dim3A_3 {strides = array<i32>} : memref<128x128xf32, #tpu.memory_space<vmem>>, vector<16xf32>,
      %swap3A_263 = arith.index_cast %add3A_248 : i32 to index
      %swap3A_264 = arith.constant 80 : index
      %swap3A_265 = tpu.vector_load %arg7[%swap3A_263, %swap3A_264] {strides = array<i32>} : memref<128x128xf32, #tpu.memory_space<vmem>>, vector<16xf32>,
      tpu.vector_store %arg7[%swap3A_263, %swap3A_264], %broadcast_in_dim3A_3 {strides = array<i32>} : memref<128x128xf32, #tpu.memory_space<vmem>>, vector<16xf32>,
      %swap3A_266 = arith.index_cast %add3A_248 : i32 to index
      %swap3A_267 = arith.constant 96 : index
      %swap3A_268 = tpu.vector_load %arg7[%swap3A_266, %swap3A_267] {strides = array<i32>} : memref<128x128xf32, #tpu.memory_space<vmem>>, vector<16xf32>,
      tpu.vector_store %arg7[%swap3A_266, %swap3A_267], %broadcast_in_dim3A_3 {strides = array<i32>} : memref<128x128xf32, #tpu.memory_space<vmem>>, vector<16xf32>,
      %swap3A_269 = arith.index_cast %add3A_248 : i32 to index
      %swap3A_270 = arith.constant 112 : index
      %swap3A_271 = tpu.vector_load %arg7[%swap3A_269, %swap3A_270] {strides = array<i32>} : memref<128x128xf32, #tpu.memory_space<vmem>>, vector<16xf32>,
      tpu.vector_store %arg7[%swap3A_269, %swap3A_270], %broadcast_in_dim3A_3 {strides = array<i32>} : memref<128x128xf32, #tpu.memory_space<vmem>>, vector<16xf32>,
    }
    %scan3A_7 = arith.constant 128 : i32
    %scan3A_8 = arith.constant 0 : i32
    %scan3A_9 = arith.constant 80 : i32
    %scan3A_10 = arith.addi %scan3A_8, %scan3A_9 : i32
    %scan3A_11 = arith.constant 1 : i32
    scf.for %scan3A_244 = %scan3A_8 to %scan3A_10 step %scan3A_11  : i32 {
      %mul3A_245 = arith.constant 1 : i32
      %mul3A_246 = arith.muli %scan3A_244, %mul3A_245 : i32
      %add3A_247 = arith.constant 0 : i32
      %add3A_248 = arith.addi %add3A_247, %mul3A_246 : i32
      %swap3A = arith.index_cast %add3A_248 : i32 to index
      %swap3A_249 = arith.constant 0 : index
      %swap3A_250 = tpu.vector_load %arg9[%swap3A, %swap3A_249] {strides = array<i32>} : memref<80x128xf32, #tpu.memory_space<vmem>>, vector<16xf32>,
      tpu.vector_store %arg9[%swap3A, %swap3A_249], %broadcast_in_dim3A_3 {strides = array<i32>} : memref<80x128xf32, #tpu.memory_space<vmem>>, vector<16xf32>,
      %swap3A_251 = arith.index_cast %add3A_248 : i32 to index
      %swap3A_252 = arith.constant 16 : index
      %swap3A_253 = tpu.vector_load %arg9[%swap3A_251, %swap3A_252] {strides = array<i32>} : memref<80x128xf32, #tpu.memory_space<vmem>>, vector<16xf32>,
      tpu.vector_store %arg9[%swap3A_251, %swap3A_252], %broadcast_in_dim3A_3 {strides = array<i32>} : memref<80x128xf32, #tpu.memory_space<vmem>>, vector<16xf32>,
      %swap3A_254 = arith.index_cast %add3A_248 : i32 to index
      %swap3A_255 = arith.constant 32 : index
      %swap3A_256 = tpu.vector_load %arg9[%swap3A_254, %swap3A_255] {strides = array<i32>} : memref<80x128xf32, #tpu.memory_space<vmem>>, vector<16xf32>,
      tpu.vector_store %arg9[%swap3A_254, %swap3A_255], %broadcast_in_dim3A_3 {strides = array<i32>} : memref<80x128xf32, #tpu.memory_space<vmem>>, vector<16xf32>,
      %swap3A_257 = arith.index_cast %add3A_248 : i32 to index
      %swap3A_258 = arith.constant 48 : index
      %swap3A_259 = tpu.vector_load %arg9[%swap3A_257, %swap3A_258] {strides = array<i32>} : memref<80x128xf32, #tpu.memory_space<vmem>>, vector<16xf32>,
      tpu.vector_store %arg9[%swap3A_257, %swap3A_258], %broadcast_in_dim3A_3 {strides = array<i32>} : memref<80x128xf32, #tpu.memory_space<vmem>>, vector<16xf32>,
      %swap3A_260 = arith.index_cast %add3A_248 : i32 to index
      %swap3A_261 = arith.constant 64 : index
      %swap3A_262 = tpu.vector_load %arg9[%swap3A_260, %swap3A_261] {strides = array<i32>} : memref<80x128xf32, #tpu.memory_space<vmem>>, vector<16xf32>,
      tpu.vector_store %arg9[%swap3A_260, %swap3A_261], %broadcast_in_dim3A_3 {strides = array<i32>} : memref<80x128xf32, #tpu.memory_space<vmem>>, vector<16xf32>,
      %swap3A_263 = arith.index_cast %add3A_248 : i32 to index
      %swap3A_264 = arith.constant 80 : index
      %swap3A_265 = tpu.vector_load %arg9[%swap3A_263, %swap3A_264] {strides = array<i32>} : memref<80x128xf32, #tpu.memory_space<vmem>>, vector<16xf32>,
      tpu.vector_store %arg9[%swap3A_263, %swap3A_264], %broadcast_in_dim3A_3 {strides = array<i32>} : memref<80x128xf32, #tpu.memory_space<vmem>>, vector<16xf32>,
      %swap3A_266 = arith.index_cast %add3A_248 : i32 to index
      %swap3A_267 = arith.constant 96 : index
      %swap3A_268 = tpu.vector_load %arg9[%swap3A_266, %swap3A_267] {strides = array<i32>} : memref<80x128xf32, #tpu.memory_space<vmem>>, vector<16xf32>,
      tpu.vector_store %arg9[%swap3A_266, %swap3A_267], %broadcast_in_dim3A_3 {strides = array<i32>} : memref<80x128xf32, #tpu.memory_space<vmem>>, vector<16xf32>,
      %swap3A_269 = arith.index_cast %add3A_248 : i32 to index
      %swap3A_270 = arith.constant 112 : index
      %swap3A_271 = tpu.vector_load %arg9[%swap3A_269, %swap3A_270] {strides = array<i32>} : memref<80x128xf32, #tpu.memory_space<vmem>>, vector<16xf32>,
      tpu.vector_store %arg9[%swap3A_269, %swap3A_270], %broadcast_in_dim3A_3 {strides = array<i32>} : memref<80x128xf32, #tpu.memory_space<vmem>>, vector<16xf32>,
    }
    %scan3A_12 = arith.constant 80 : i32
    %add3A_13 = arith.constant 0 : i32
    %add3A_14 = arith.addi %mul3A_2, %add3A_13 : i32
    "tpu.region"() ({
      %run_scoped3A = tpu.sem_alloc : memref<!tpu.dma_semaphore, #tpu.memory_space<semaphore_mem>>
      %dma_start3A_244 = arith.constant 0 : i32
      %dma_start3A_245 = tpu.memref_slice %arg10[%add3A_14, %dma_start3A_244] : memref<10240x128xf32, #tpu.memory_space<vmem_shared>> -> memref<128x128xf32, #tpu.memory_space<vmem_shared>>
      %dma_start3A_246 = arith.constant 0 : i32
      %dma_start3A_247 = tpu.memref_slice %arg10[%add3A_14, %dma_start3A_246] : memref<10240x128xf32, #tpu.memory_space<vmem_shared>> -> memref<128x128xf32, #tpu.memory_space<vmem_shared>>
      tpu.enqueue_dma source(%arg7 : memref<128x128xf32, #tpu.memory_space<vmem>>) target(%dma_start3A_247 : memref<128x128xf32, #tpu.memory_space<vmem_shared>>) target_semaphore(%run_scoped3A : memref<!tpu.dma_semaphore, #tpu.memory_space<semaphore_mem>>)
      %dma_wait3A_248 = arith.constant 0 : i32
      %dma_wait3A_249 = tpu.memref_slice %arg10[%add3A_14, %dma_wait3A_248] : memref<10240x128xf32, #tpu.memory_space<vmem_shared>> -> memref<128x128xf32, #tpu.memory_space<vmem_shared>>
      %dma_wait3A_250 = arith.constant 0 : i32
      %dma_wait3A_251 = tpu.memref_slice %arg10[%add3A_14, %dma_wait3A_250] : memref<10240x128xf32, #tpu.memory_space<vmem_shared>> -> memref<128x128xf32, #tpu.memory_space<vmem_shared>>
      tpu.wait_dma2 semaphore(%run_scoped3A : memref<!tpu.dma_semaphore, #tpu.memory_space<semaphore_mem>>) src(%arg7 : memref<128x128xf32, #tpu.memory_space<vmem>>) dst(%dma_wait3A_251 : memref<128x128xf32, #tpu.memory_space<vmem_shared>>)
      tpu.yield
    }) : () -> ()
    %add3A_15 = arith.constant 128 : i32
    %add3A_16 = arith.addi %mul3A_2, %add3A_15 : i32
    "tpu.region"() ({
      %run_scoped3A = tpu.sem_alloc : memref<!tpu.dma_semaphore, #tpu.memory_space<semaphore_mem>>
      %dma_start3A_244 = arith.constant 0 : i32
      %dma_start3A_245 = tpu.memref_slice %arg10[%add3A_16, %dma_start3A_244] : memref<10240x128xf32, #tpu.memory_space<vmem_shared>> -> memref<128x128xf32, #tpu.memory_space<vmem_shared>>
      %dma_start3A_246 = arith.constant 0 : i32
      %dma_start3A_247 = tpu.memref_slice %arg10[%add3A_16, %dma_start3A_246] : memref<10240x128xf32, #tpu.memory_space<vmem_shared>> -> memref<128x128xf32, #tpu.memory_space<vmem_shared>>
      tpu.enqueue_dma source(%arg7 : memref<128x128xf32, #tpu.memory_space<vmem>>) target(%dma_start3A_247 : memref<128x128xf32, #tpu.memory_space<vmem_shared>>) target_semaphore(%run_scoped3A : memref<!tpu.dma_semaphore, #tpu.memory_space<semaphore_mem>>)
      %dma_wait3A_248 = arith.constant 0 : i32
      %dma_wait3A_249 = tpu.memref_slice %arg10[%add3A_16, %dma_wait3A_248] : memref<10240x128xf32, #tpu.memory_space<vmem_shared>> -> memref<128x128xf32, #tpu.memory_space<vmem_shared>>
      %dma_wait3A_250 = arith.constant 0 : i32
      %dma_wait3A_251 = tpu.memref_slice %arg10[%add3A_16, %dma_wait3A_250] : memref<10240x128xf32, #tpu.memory_space<vmem_shared>> -> memref<128x128xf32, #tpu.memory_space<vmem_shared>>
      tpu.wait_dma2 semaphore(%run_scoped3A : memref<!tpu.dma_semaphore, #tpu.memory_space<semaphore_mem>>) src(%arg7 : memref<128x128xf32, #tpu.memory_space<vmem>>) dst(%dma_wait3A_251 : memref<128x128xf32, #tpu.memory_space<vmem_shared>>)
      tpu.yield
    }) : () -> ()
    %add3A_17 = arith.constant 256 : i32
    %add3A_18 = arith.addi %mul3A_2, %add3A_17 : i32
    "tpu.region"() ({
      %run_scoped3A = tpu.sem_alloc : memref<!tpu.dma_semaphore, #tpu.memory_space<semaphore_mem>>
      %dma_start3A_244 = arith.constant 0 : i32
      %dma_start3A_245 = tpu.memref_slice %arg10[%add3A_18, %dma_start3A_244] : memref<10240x128xf32, #tpu.memory_space<vmem_shared>> -> memref<128x128xf32, #tpu.memory_space<vmem_shared>>
      %dma_start3A_246 = arith.constant 0 : i32
      %dma_start3A_247 = tpu.memref_slice %arg10[%add3A_18, %dma_start3A_246] : memref<10240x128xf32, #tpu.memory_space<vmem_shared>> -> memref<128x128xf32, #tpu.memory_space<vmem_shared>>
      tpu.enqueue_dma source(%arg7 : memref<128x128xf32, #tpu.memory_space<vmem>>) target(%dma_start3A_247 : memref<128x128xf32, #tpu.memory_space<vmem_shared>>) target_semaphore(%run_scoped3A : memref<!tpu.dma_semaphore, #tpu.memory_space<semaphore_mem>>)
      %dma_wait3A_248 = arith.constant 0 : i32
      %dma_wait3A_249 = tpu.memref_slice %arg10[%add3A_18, %dma_wait3A_248] : memref<10240x128xf32, #tpu.memory_space<vmem_shared>> -> memref<128x128xf32, #tpu.memory_space<vmem_shared>>
      %dma_wait3A_250 = arith.constant 0 : i32
      %dma_wait3A_251 = tpu.memref_slice %arg10[%add3A_18, %dma_wait3A_250] : memref<10240x128xf32, #tpu.memory_space<vmem_shared>> -> memref<128x128xf32, #tpu.memory_space<vmem_shared>>
      tpu.wait_dma2 semaphore(%run_scoped3A : memref<!tpu.dma_semaphore, #tpu.memory_space<semaphore_mem>>) src(%arg7 : memref<128x128xf32, #tpu.memory_space<vmem>>) dst(%dma_wait3A_251 : memref<128x128xf32, #tpu.memory_space<vmem_shared>>)
      tpu.yield
    }) : () -> ()
    %add3A_19 = arith.constant 384 : i32
    %add3A_20 = arith.addi %mul3A_2, %add3A_19 : i32
    "tpu.region"() ({
      %run_scoped3A = tpu.sem_alloc : memref<!tpu.dma_semaphore, #tpu.memory_space<semaphore_mem>>
      %dma_start3A_244 = arith.constant 0 : i32
      %dma_start3A_245 = tpu.memref_slice %arg10[%add3A_20, %dma_start3A_244] : memref<10240x128xf32, #tpu.memory_space<vmem_shared>> -> memref<128x128xf32, #tpu.memory_space<vmem_shared>>
      %dma_start3A_246 = arith.constant 0 : i32
      %dma_start3A_247 = tpu.memref_slice %arg10[%add3A_20, %dma_start3A_246] : memref<10240x128xf32, #tpu.memory_space<vmem_shared>> -> memref<128x128xf32, #tpu.memory_space<vmem_shared>>
      tpu.enqueue_dma source(%arg7 : memref<128x128xf32, #tpu.memory_space<vmem>>) target(%dma_start3A_247 : memref<128x128xf32, #tpu.memory_space<vmem_shared>>) target_semaphore(%run_scoped3A : memref<!tpu.dma_semaphore, #tpu.memory_space<semaphore_mem>>)
      %dma_wait3A_248 = arith.constant 0 : i32
      %dma_wait3A_249 = tpu.memref_slice %arg10[%add3A_20, %dma_wait3A_248] : memref<10240x128xf32, #tpu.memory_space<vmem_shared>> -> memref<128x128xf32, #tpu.memory_space<vmem_shared>>
      %dma_wait3A_250 = arith.constant 0 : i32
      %dma_wait3A_251 = tpu.memref_slice %arg10[%add3A_20, %dma_wait3A_250] : memref<10240x128xf32, #tpu.memory_space<vmem_shared>> -> memref<128x128xf32, #tpu.memory_space<vmem_shared>>
      tpu.wait_dma2 semaphore(%run_scoped3A : memref<!tpu.dma_semaphore, #tpu.memory_space<semaphore_mem>>) src(%arg7 : memref<128x128xf32, #tpu.memory_space<vmem>>) dst(%dma_wait3A_251 : memref<128x128xf32, #tpu.memory_space<vmem_shared>>)
      tpu.yield
    }) : () -> ()
    %add3A_21 = arith.constant 512 : i32
    %add3A_22 = arith.addi %mul3A_2, %add3A_21 : i32
    "tpu.region"() ({
      %run_scoped3A = tpu.sem_alloc : memref<!tpu.dma_semaphore, #tpu.memory_space<semaphore_mem>>
      %dma_start3A_244 = arith.constant 0 : i32
      %dma_start3A_245 = tpu.memref_slice %arg10[%add3A_22, %dma_start3A_244] : memref<10240x128xf32, #tpu.memory_space<vmem_shared>> -> memref<128x128xf32, #tpu.memory_space<vmem_shared>>
      %dma_start3A_246 = arith.constant 0 : i32
      %dma_start3A_247 = tpu.memref_slice %arg10[%add3A_22, %dma_start3A_246] : memref<10240x128xf32, #tpu.memory_space<vmem_shared>> -> memref<128x128xf32, #tpu.memory_space<vmem_shared>>
      tpu.enqueue_dma source(%arg7 : memref<128x128xf32, #tpu.memory_space<vmem>>) target(%dma_start3A_247 : memref<128x128xf32, #tpu.memory_space<vmem_shared>>) target_semaphore(%run_scoped3A : memref<!tpu.dma_semaphore, #tpu.memory_space<semaphore_mem>>)
      %dma_wait3A_248 = arith.constant 0 : i32
      %dma_wait3A_249 = tpu.memref_slice %arg10[%add3A_22, %dma_wait3A_248] : memref<10240x128xf32, #tpu.memory_space<vmem_shared>> -> memref<128x128xf32, #tpu.memory_space<vmem_shared>>
      %dma_wait3A_250 = arith.constant 0 : i32
      %dma_wait3A_251 = tpu.memref_slice %arg10[%add3A_22, %dma_wait3A_250] : memref<10240x128xf32, #tpu.memory_space<vmem_shared>> -> memref<128x128xf32, #tpu.memory_space<vmem_shared>>
      tpu.wait_dma2 semaphore(%run_scoped3A : memref<!tpu.dma_semaphore, #tpu.memory_space<semaphore_mem>>) src(%arg7 : memref<128x128xf32, #tpu.memory_space<vmem>>) dst(%dma_wait3A_251 : memref<128x128xf32, #tpu.memory_space<vmem_shared>>)
      tpu.yield
    }) : () -> ()
    %barrier3A = arith.constant 0 : index
    tpu.barrier barrier_id(%barrier3A)
    %mul3A_23 = arith.constant 80 : i32
    %mul3A_24 = arith.muli %add3A, %mul3A_23 : i32
    %add3A_25 = arith.constant 0 : i32
    %add3A_26 = arith.addi %mul3A_24, %add3A_25 : i32
    "tpu.region"() ({
      %run_scoped3A = tpu.sem_alloc : memref<!tpu.dma_semaphore, #tpu.memory_space<semaphore_mem>>
      %dma_start3A_244 = arith.constant 0 : i32
      %dma_start3A_245 = tpu.memref_slice %arg3[%add3A_26, %dma_start3A_244] : memref<5120x128xi32, #tpu.memory_space<hbm>> -> memref<16x128xi32, #tpu.memory_space<hbm>>
      %dma_start3A_246 = arith.constant 0 : i32
      %dma_start3A_247 = tpu.memref_slice %arg3[%add3A_26, %dma_start3A_246] : memref<5120x128xi32, #tpu.memory_space<hbm>> -> memref<16x128xi32, #tpu.memory_space<hbm>>
      tpu.enqueue_dma source(%dma_start3A_247 : memref<16x128xi32, #tpu.memory_space<hbm>>) target(%arg5 : memref<16x128xi32, #tpu.memory_space<vmem>>) target_semaphore(%run_scoped3A : memref<!tpu.dma_semaphore, #tpu.memory_space<semaphore_mem>>)
      %dma_wait3A_248 = arith.constant 0 : i32
      %dma_wait3A_249 = tpu.memref_slice %arg3[%add3A_26, %dma_wait3A_248] : memref<5120x128xi32, #tpu.memory_space<hbm>> -> memref<16x128xi32, #tpu.memory_space<hbm>>
      %dma_wait3A_250 = arith.constant 0 : i32
      %dma_wait3A_251 = tpu.memref_slice %arg3[%add3A_26, %dma_wait3A_250] : memref<5120x128xi32, #tpu.memory_space<hbm>> -> memref<16x128xi32, #tpu.memory_space<hbm>>
      tpu.wait_dma2 semaphore(%run_scoped3A : memref<!tpu.dma_semaphore, #tpu.memory_space<semaphore_mem>>) src(%dma_wait3A_251 : memref<16x128xi32, #tpu.memory_space<hbm>>) dst(%arg5 : memref<16x128xi32, #tpu.memory_space<vmem>>)
      tpu.yield
    }) : () -> ()
    %mul3A_27 = arith.constant 80 : i32
    %mul3A_28 = arith.muli %add3A, %mul3A_27 : i32
    %add3A_29 = arith.constant 2560 : i32
    %add3A_30 = arith.addi %add3A_29, %mul3A_28 : i32
    %add3A_31 = arith.constant 0 : i32
    %add3A_32 = arith.addi %add3A_30, %add3A_31 : i32
    "tpu.region"() ({
      %run_scoped3A = tpu.sem_alloc : memref<!tpu.dma_semaphore, #tpu.memory_space<semaphore_mem>>
      %dma_start3A_244 = arith.constant 0 : i32
      %dma_start3A_245 = tpu.memref_slice %arg3[%add3A_32, %dma_start3A_244] : memref<5120x128xi32, #tpu.memory_space<hbm>> -> memref<16x128xi32, #tpu.memory_space<hbm>>
      %dma_start3A_246 = arith.constant 0 : i32
      %dma_start3A_247 = tpu.memref_slice %arg3[%add3A_32, %dma_start3A_246] : memref<5120x128xi32, #tpu.memory_space<hbm>> -> memref<16x128xi32, #tpu.memory_space<hbm>>
      tpu.enqueue_dma source(%dma_start3A_247 : memref<16x128xi32, #tpu.memory_space<hbm>>) target(%arg6 : memref<16x128xi32, #tpu.memory_space<vmem>>) target_semaphore(%run_scoped3A : memref<!tpu.dma_semaphore, #tpu.memory_space<semaphore_mem>>)
      %dma_wait3A_248 = arith.constant 0 : i32
      %dma_wait3A_249 = tpu.memref_slice %arg3[%add3A_32, %dma_wait3A_248] : memref<5120x128xi32, #tpu.memory_space<hbm>> -> memref<16x128xi32, #tpu.memory_space<hbm>>
      %dma_wait3A_250 = arith.constant 0 : i32
      %dma_wait3A_251 = tpu.memref_slice %arg3[%add3A_32, %dma_wait3A_250] : memref<5120x128xi32, #tpu.memory_space<hbm>> -> memref<16x128xi32, #tpu.memory_space<hbm>>
      tpu.wait_dma2 semaphore(%run_scoped3A : memref<!tpu.dma_semaphore, #tpu.memory_space<semaphore_mem>>) src(%dma_wait3A_251 : memref<16x128xi32, #tpu.memory_space<hbm>>) dst(%arg6 : memref<16x128xi32, #tpu.memory_space<vmem>>)
      tpu.yield
    }) : () -> ()
    %dma_start3A = arith.constant 0 : i32
    %dma_start3A_33 = arith.constant 0 : i32
    %dma_start3A_34 = tpu.memref_slice %arg5[%dma_start3A, %dma_start3A_33] : memref<16x128xi32, #tpu.memory_space<vmem>> -> memref<1x128xi32, #tpu.memory_space<vmem>>
    %dma_start3A_35 = tpu.memref_squeeze %dma_start3A_34 : memref<1x128xi32, #tpu.memory_space<vmem>> -> memref<128xi32, #tpu.memory_space<vmem>>
    %dma_start3A_36 = arith.constant 0 : i32
    %dma_start3A_37 = arith.constant 0 : i32
    %dma_start3A_38 = tpu.memref_slice %arg2[%dma_start3A_36, %dma_start3A_37] : memref<10000x128xf32, #tpu.memory_space<hbm>> -> memref<10000x128xf32, #tpu.memory_space<hbm>>
    tpu.enqueue_indirect_dma source(%dma_start3A_38 : memref<10000x128xf32, #tpu.memory_space<hbm>>) target(%arg7 : memref<128x128xf32, #tpu.memory_space<vmem>>) offsets(%dma_start3A_35 : memref<128xi32, #tpu.memory_space<vmem>>) semaphore(%arg11 : memref<!tpu.dma_semaphore, #tpu.memory_space<semaphore_mem>>)
    %dma_start3A_39 = arith.constant 1 : i32
    %dma_start3A_40 = arith.constant 0 : i32
    %dma_start3A_41 = tpu.memref_slice %arg5[%dma_start3A_39, %dma_start3A_40] : memref<16x128xi32, #tpu.memory_space<vmem>> -> memref<1x128xi32, #tpu.memory_space<vmem>>
    %dma_start3A_42 = tpu.memref_squeeze %dma_start3A_41 : memref<1x128xi32, #tpu.memory_space<vmem>> -> memref<128xi32, #tpu.memory_space<vmem>>
    %dma_start3A_43 = arith.constant 0 : i32
    %dma_start3A_44 = arith.constant 0 : i32
    %dma_start3A_45 = tpu.memref_slice %arg2[%dma_start3A_43, %dma_start3A_44] : memref<10000x128xf32, #tpu.memory_space<hbm>> -> memref<10000x128xf32, #tpu.memory_space<hbm>>
    tpu.enqueue_indirect_dma source(%dma_start3A_45 : memref<10000x128xf32, #tpu.memory_space<hbm>>) target(%arg8 : memref<128x128xf32, #tpu.memory_space<vmem>>) offsets(%dma_start3A_42 : memref<128xi32, #tpu.memory_space<vmem>>) semaphore(%arg12 : memref<!tpu.dma_semaphore, #tpu.memory_space<semaphore_mem>>)
    %scan3A_46 = arith.constant 0 : i32
    %scan3A_47 = arith.constant 8 : i32
    %scan3A_48 = arith.addi %scan3A_46, %scan3A_47 : i32
    %scan3A_49 = arith.constant 1 : i32
    scf.for %scan3A_244 = %scan3A_46 to %scan3A_48 step %scan3A_49  : i32 {
      %mul3A_245 = arith.constant 1 : i32
      %mul3A_246 = arith.muli %scan3A_244, %mul3A_245 : i32
      %add3A_247 = arith.constant 0 : i32
      %add3A_248 = arith.addi %add3A_247, %mul3A_246 : i32
      %mul3A_249 = arith.constant 2 : i32
      %mul3A_250 = arith.muli %add3A_248, %mul3A_249 : i32
      %add3A_251 = arith.constant 0 : i32
      %add3A_252 = arith.addi %mul3A_250, %add3A_251 : i32
      %dma_wait3A_253 = arith.constant 0 : i32
      %dma_wait3A_254 = tpu.memref_slice %arg5[%add3A_252, %dma_wait3A_253] : memref<16x128xi32, #tpu.memory_space<vmem>> -> memref<1x128xi32, #tpu.memory_space<vmem>>
      %dma_wait3A_255 = tpu.memref_squeeze %dma_wait3A_254 : memref<1x128xi32, #tpu.memory_space<vmem>> -> memref<128xi32, #tpu.memory_space<vmem>>
      %dma_wait3A_256 = arith.constant 0 : i32
      %dma_wait3A_257 = arith.constant 0 : i32
      %dma_wait3A_258 = tpu.memref_slice %arg2[%dma_wait3A_256, %dma_wait3A_257] : memref<10000x128xf32, #tpu.memory_space<hbm>> -> memref<10000x128xf32, #tpu.memory_space<hbm>>
      tpu.wait_indirect_dma semaphore(%arg11 : memref<!tpu.dma_semaphore, #tpu.memory_space<semaphore_mem>>) src(%dma_wait3A_258 : memref<10000x128xf32, #tpu.memory_space<hbm>>) dst(%arg7 : memref<128x128xf32, #tpu.memory_space<vmem>>)
      %dma_start3A_259 = arith.constant 0 : i32
      %dma_start3A_260 = tpu.memref_slice %arg6[%add3A_252, %dma_start3A_259] : memref<16x128xi32, #tpu.memory_space<vmem>> -> memref<1x128xi32, #tpu.memory_space<vmem>>
      %dma_start3A_261 = tpu.memref_squeeze %dma_start3A_260 : memref<1x128xi32, #tpu.memory_space<vmem>> -> memref<128xi32, #tpu.memory_space<vmem>>
      %dma_start3A_262 = arith.constant 0 : i32
      %dma_start3A_263 = arith.constant 0 : i32
      %dma_start3A_264 = tpu.memref_slice %arg10[%dma_start3A_262, %dma_start3A_263] : memref<10240x128xf32, #tpu.memory_space<vmem_shared>> -> memref<10240x128xf32, #tpu.memory_space<vmem_shared>>
      tpu.enqueue_indirect_dma source(%arg7 : memref<128x128xf32, #tpu.memory_space<vmem>>) target(%dma_start3A_264 : memref<10240x128xf32, #tpu.memory_space<vmem_shared>>) offsets(%dma_start3A_261 : memref<128xi32, #tpu.memory_space<vmem>>) semaphore(%arg13 : memref<!tpu.dma_semaphore, #tpu.memory_space<semaphore_mem>>) {add = true}
      %get3A = arith.index_cast %add3A_252 : i32 to index
      %get3A_265 = arith.constant 0 : index
      %get3A_266 = tpu.vector_load %arg6[%get3A, %get3A_265] {strides = array<i32>} : memref<16x128xi32, #tpu.memory_space<vmem>>, vector<16xi32>,
      %broadcast_in_dim3A_267 = arith.constant true
      %broadcast_in_dim3A_268 = vector.broadcast %broadcast_in_dim3A_267 : i1 to vector<16xi1>
      %unique3A, %unique3A_269 = tpu.scan_count mask(%broadcast_in_dim3A_268 : vector<16xi1>) value(%get3A_266 : vector<16xi32>) : vector<16xi1>, vector<16xi32>
      %shift_right_logical3A = arith.constant 7 : i32
      %shift_right_logical3A_270 = vector.broadcast %shift_right_logical3A : i32 to vector<16xi32>
      %shift_right_logical3A_271 = arith.shrui %get3A_266, %shift_right_logical3A_270 : vector<16xi32>
      %and3A = arith.constant 127 : i32
      %and3A_272 = vector.broadcast %and3A : i32 to vector<16xi32>
      %and3A_273 = arith.andi %get3A_266, %and3A_272 : vector<16xi32>
      %convert_element_type3A = arith.sitofp %unique3A_269 : vector<16xi32> to vector<16xf32>
      tpu.vector_store_idx %arg9[%shift_right_logical3A_271, %and3A_273], %convert_element_type3A masked %unique3A {add = true} : memref<80x128xf32, #tpu.memory_space<vmem>>[vector<16xi32>, vector<16xi32>], vector<16xf32>, vector<16xi1>
      %get3A_274 = arith.index_cast %add3A_252 : i32 to index
      %get3A_275 = arith.constant 16 : index
      %get3A_276 = tpu.vector_load %arg6[%get3A_274, %get3A_275] {strides = array<i32>} : memref<16x128xi32, #tpu.memory_space<vmem>>, vector<16xi32>,
      %broadcast_in_dim3A_277 = arith.constant true
      %broadcast_in_dim3A_278 = vector.broadcast %broadcast_in_dim3A_277 : i1 to vector<16xi1>
      %unique3A_279, %unique3A_280 = tpu.scan_count mask(%broadcast_in_dim3A_278 : vector<16xi1>) value(%get3A_276 : vector<16xi32>) : vector<16xi1>, vector<16xi32>
      %shift_right_logical3A_281 = arith.constant 7 : i32
      %shift_right_logical3A_282 = vector.broadcast %shift_right_logical3A_281 : i32 to vector<16xi32>
      %shift_right_logical3A_283 = arith.shrui %get3A_276, %shift_right_logical3A_282 : vector<16xi32>
      %and3A_284 = arith.constant 127 : i32
      %and3A_285 = vector.broadcast %and3A_284 : i32 to vector<16xi32>
      %and3A_286 = arith.andi %get3A_276, %and3A_285 : vector<16xi32>
      %convert_element_type3A_287 = arith.sitofp %unique3A_280 : vector<16xi32> to vector<16xf32>
      tpu.vector_store_idx %arg9[%shift_right_logical3A_283, %and3A_286], %convert_element_type3A_287 masked %unique3A_279 {add = true} : memref<80x128xf32, #tpu.memory_space<vmem>>[vector<16xi32>, vector<16xi32>], vector<16xf32>, vector<16xi1>
      %get3A_288 = arith.index_cast %add3A_252 : i32 to index
      %get3A_289 = arith.constant 32 : index
      %get3A_290 = tpu.vector_load %arg6[%get3A_288, %get3A_289] {strides = array<i32>} : memref<16x128xi32, #tpu.memory_space<vmem>>, vector<16xi32>,
      %broadcast_in_dim3A_291 = arith.constant true
      %broadcast_in_dim3A_292 = vector.broadcast %broadcast_in_dim3A_291 : i1 to vector<16xi1>
      %unique3A_293, %unique3A_294 = tpu.scan_count mask(%broadcast_in_dim3A_292 : vector<16xi1>) value(%get3A_290 : vector<16xi32>) : vector<16xi1>, vector<16xi32>
      %shift_right_logical3A_295 = arith.constant 7 : i32
      %shift_right_logical3A_296 = vector.broadcast %shift_right_logical3A_295 : i32 to vector<16xi32>
      %shift_right_logical3A_297 = arith.shrui %get3A_290, %shift_right_logical3A_296 : vector<16xi32>
      %and3A_298 = arith.constant 127 : i32
      %and3A_299 = vector.broadcast %and3A_298 : i32 to vector<16xi32>
      %and3A_300 = arith.andi %get3A_290, %and3A_299 : vector<16xi32>
      %convert_element_type3A_301 = arith.sitofp %unique3A_294 : vector<16xi32> to vector<16xf32>
      tpu.vector_store_idx %arg9[%shift_right_logical3A_297, %and3A_300], %convert_element_type3A_301 masked %unique3A_293 {add = true} : memref<80x128xf32, #tpu.memory_space<vmem>>[vector<16xi32>, vector<16xi32>], vector<16xf32>, vector<16xi1>
      %get3A_302 = arith.index_cast %add3A_252 : i32 to index
      %get3A_303 = arith.constant 48 : index
      %get3A_304 = tpu.vector_load %arg6[%get3A_302, %get3A_303] {strides = array<i32>} : memref<16x128xi32, #tpu.memory_space<vmem>>, vector<16xi32>,
      %broadcast_in_dim3A_305 = arith.constant true
      %broadcast_in_dim3A_306 = vector.broadcast %broadcast_in_dim3A_305 : i1 to vector<16xi1>
      %unique3A_307, %unique3A_308 = tpu.scan_count mask(%broadcast_in_dim3A_306 : vector<16xi1>) value(%get3A_304 : vector<16xi32>) : vector<16xi1>, vector<16xi32>
      %shift_right_logical3A_309 = arith.constant 7 : i32
      %shift_right_logical3A_310 = vector.broadcast %shift_right_logical3A_309 : i32 to vector<16xi32>
      %shift_right_logical3A_311 = arith.shrui %get3A_304, %shift_right_logical3A_310 : vector<16xi32>
      %and3A_312 = arith.constant 127 : i32
      %and3A_313 = vector.broadcast %and3A_312 : i32 to vector<16xi32>
      %and3A_314 = arith.andi %get3A_304, %and3A_313 : vector<16xi32>
      %convert_element_type3A_315 = arith.sitofp %unique3A_308 : vector<16xi32> to vector<16xf32>
      tpu.vector_store_idx %arg9[%shift_right_logical3A_311, %and3A_314], %convert_element_type3A_315 masked %unique3A_307 {add = true} : memref<80x128xf32, #tpu.memory_space<vmem>>[vector<16xi32>, vector<16xi32>], vector<16xf32>, vector<16xi1>
      %get3A_316 = arith.index_cast %add3A_252 : i32 to index
      %get3A_317 = arith.constant 64 : index
      %get3A_318 = tpu.vector_load %arg6[%get3A_316, %get3A_317] {strides = array<i32>} : memref<16x128xi32, #tpu.memory_space<vmem>>, vector<16xi32>,
      %broadcast_in_dim3A_319 = arith.constant true
      %broadcast_in_dim3A_320 = vector.broadcast %broadcast_in_dim3A_319 : i1 to vector<16xi1>
      %unique3A_321, %unique3A_322 = tpu.scan_count mask(%broadcast_in_dim3A_320 : vector<16xi1>) value(%get3A_318 : vector<16xi32>) : vector<16xi1>, vector<16xi32>
      %shift_right_logical3A_323 = arith.constant 7 : i32
      %shift_right_logical3A_324 = vector.broadcast %shift_right_logical3A_323 : i32 to vector<16xi32>
      %shift_right_logical3A_325 = arith.shrui %get3A_318, %shift_right_logical3A_324 : vector<16xi32>
      %and3A_326 = arith.constant 127 : i32
      %and3A_327 = vector.broadcast %and3A_326 : i32 to vector<16xi32>
      %and3A_328 = arith.andi %get3A_318, %and3A_327 : vector<16xi32>
      %convert_element_type3A_329 = arith.sitofp %unique3A_322 : vector<16xi32> to vector<16xf32>
      tpu.vector_store_idx %arg9[%shift_right_logical3A_325, %and3A_328], %convert_element_type3A_329 masked %unique3A_321 {add = true} : memref<80x128xf32, #tpu.memory_space<vmem>>[vector<16xi32>, vector<16xi32>], vector<16xf32>, vector<16xi1>
      %get3A_330 = arith.index_cast %add3A_252 : i32 to index
      %get3A_331 = arith.constant 80 : index
      %get3A_332 = tpu.vector_load %arg6[%get3A_330, %get3A_331] {strides = array<i32>} : memref<16x128xi32, #tpu.memory_space<vmem>>, vector<16xi32>,
      %broadcast_in_dim3A_333 = arith.constant true
      %broadcast_in_dim3A_334 = vector.broadcast %broadcast_in_dim3A_333 : i1 to vector<16xi1>
      %unique3A_335, %unique3A_336 = tpu.scan_count mask(%broadcast_in_dim3A_334 : vector<16xi1>) value(%get3A_332 : vector<16xi32>) : vector<16xi1>, vector<16xi32>
      %shift_right_logical3A_337 = arith.constant 7 : i32
      %shift_right_logical3A_338 = vector.broadcast %shift_right_logical3A_337 : i32 to vector<16xi32>
      %shift_right_logical3A_339 = arith.shrui %get3A_332, %shift_right_logical3A_338 : vector<16xi32>
      %and3A_340 = arith.constant 127 : i32
      %and3A_341 = vector.broadcast %and3A_340 : i32 to vector<16xi32>
      %and3A_342 = arith.andi %get3A_332, %and3A_341 : vector<16xi32>
      %convert_element_type3A_343 = arith.sitofp %unique3A_336 : vector<16xi32> to vector<16xf32>
      tpu.vector_store_idx %arg9[%shift_right_logical3A_339, %and3A_342], %convert_element_type3A_343 masked %unique3A_335 {add = true} : memref<80x128xf32, #tpu.memory_space<vmem>>[vector<16xi32>, vector<16xi32>], vector<16xf32>, vector<16xi1>
      %get3A_344 = arith.index_cast %add3A_252 : i32 to index
      %get3A_345 = arith.constant 96 : index
      %get3A_346 = tpu.vector_load %arg6[%get3A_344, %get3A_345] {strides = array<i32>} : memref<16x128xi32, #tpu.memory_space<vmem>>, vector<16xi32>,
      %broadcast_in_dim3A_347 = arith.constant true
      %broadcast_in_dim3A_348 = vector.broadcast %broadcast_in_dim3A_347 : i1 to vector<16xi1>
      %unique3A_349, %unique3A_350 = tpu.scan_count mask(%broadcast_in_dim3A_348 : vector<16xi1>) value(%get3A_346 : vector<16xi32>) : vector<16xi1>, vector<16xi32>
      %shift_right_logical3A_351 = arith.constant 7 : i32
      %shift_right_logical3A_352 = vector.broadcast %shift_right_logical3A_351 : i32 to vector<16xi32>
      %shift_right_logical3A_353 = arith.shrui %get3A_346, %shift_right_logical3A_352 : vector<16xi32>
      %and3A_354 = arith.constant 127 : i32
      %and3A_355 = vector.broadcast %and3A_354 : i32 to vector<16xi32>
      %and3A_356 = arith.andi %get3A_346, %and3A_355 : vector<16xi32>
      %convert_element_type3A_357 = arith.sitofp %unique3A_350 : vector<16xi32> to vector<16xf32>
      tpu.vector_store_idx %arg9[%shift_right_logical3A_353, %and3A_356], %convert_element_type3A_357 masked %unique3A_349 {add = true} : memref<80x128xf32, #tpu.memory_space<vmem>>[vector<16xi32>, vector<16xi32>], vector<16xf32>, vector<16xi1>
      %get3A_358 = arith.index_cast %add3A_252 : i32 to index
      %get3A_359 = arith.constant 112 : index
      %get3A_360 = tpu.vector_load %arg6[%get3A_358, %get3A_359] {strides = array<i32>} : memref<16x128xi32, #tpu.memory_space<vmem>>, vector<16xi32>,
      %broadcast_in_dim3A_361 = arith.constant true
      %broadcast_in_dim3A_362 = vector.broadcast %broadcast_in_dim3A_361 : i1 to vector<16xi1>
      %unique3A_363, %unique3A_364 = tpu.scan_count mask(%broadcast_in_dim3A_362 : vector<16xi1>) value(%get3A_360 : vector<16xi32>) : vector<16xi1>, vector<16xi32>
      %shift_right_logical3A_365 = arith.constant 7 : i32
      %shift_right_logical3A_366 = vector.broadcast %shift_right_logical3A_365 : i32 to vector<16xi32>
      %shift_right_logical3A_367 = arith.shrui %get3A_360, %shift_right_logical3A_366 : vector<16xi32>
      %and3A_368 = arith.constant 127 : i32
      %and3A_369 = vector.broadcast %and3A_368 : i32 to vector<16xi32>
      %and3A_370 = arith.andi %get3A_360, %and3A_369 : vector<16xi32>
      %convert_element_type3A_371 = arith.sitofp %unique3A_364 : vector<16xi32> to vector<16xf32>
      tpu.vector_store_idx %arg9[%shift_right_logical3A_367, %and3A_370], %convert_element_type3A_371 masked %unique3A_363 {add = true} : memref<80x128xf32, #tpu.memory_space<vmem>>[vector<16xi32>, vector<16xi32>], vector<16xf32>, vector<16xi1>
      %dma_wait3A_372 = arith.constant 0 : i32
      %dma_wait3A_373 = tpu.memref_slice %arg6[%add3A_252, %dma_wait3A_372] : memref<16x128xi32, #tpu.memory_space<vmem>> -> memref<1x128xi32, #tpu.memory_space<vmem>>
      %dma_wait3A_374 = tpu.memref_squeeze %dma_wait3A_373 : memref<1x128xi32, #tpu.memory_space<vmem>> -> memref<128xi32, #tpu.memory_space<vmem>>
      %dma_wait3A_375 = arith.constant 0 : i32
      %dma_wait3A_376 = arith.constant 0 : i32
      %dma_wait3A_377 = tpu.memref_slice %arg10[%dma_wait3A_375, %dma_wait3A_376] : memref<10240x128xf32, #tpu.memory_space<vmem_shared>> -> memref<10240x128xf32, #tpu.memory_space<vmem_shared>>
      tpu.wait_indirect_dma semaphore(%arg13 : memref<!tpu.dma_semaphore, #tpu.memory_space<semaphore_mem>>) src(%arg7 : memref<128x128xf32, #tpu.memory_space<vmem>>) dst(%dma_wait3A_377 : memref<10240x128xf32, #tpu.memory_space<vmem_shared>>)
      %add3A_378 = arith.constant 2 : i32
      %add3A_379 = arith.addi %add3A_252, %add3A_378 : i32
      %min3A = arith.constant 15 : i32
      %min3A_380 = arith.minsi %add3A_379, %min3A : i32
      %dma_start3A_381 = arith.constant 0 : i32
      %dma_start3A_382 = tpu.memref_slice %arg5[%min3A_380, %dma_start3A_381] : memref<16x128xi32, #tpu.memory_space<vmem>> -> memref<1x128xi32, #tpu.memory_space<vmem>>
      %dma_start3A_383 = tpu.memref_squeeze %dma_start3A_382 : memref<1x128xi32, #tpu.memory_space<vmem>> -> memref<128xi32, #tpu.memory_space<vmem>>
      %dma_start3A_384 = arith.constant 0 : i32
      %dma_start3A_385 = arith.constant 0 : i32
      %dma_start3A_386 = tpu.memref_slice %arg2[%dma_start3A_384, %dma_start3A_385] : memref<10000x128xf32, #tpu.memory_space<hbm>> -> memref<10000x128xf32, #tpu.memory_space<hbm>>
      tpu.enqueue_indirect_dma source(%dma_start3A_386 : memref<10000x128xf32, #tpu.memory_space<hbm>>) target(%arg7 : memref<128x128xf32, #tpu.memory_space<vmem>>) offsets(%dma_start3A_383 : memref<128xi32, #tpu.memory_space<vmem>>) semaphore(%arg11 : memref<!tpu.dma_semaphore, #tpu.memory_space<semaphore_mem>>)
      %add3A_387 = arith.constant 1 : i32
      %add3A_388 = arith.addi %mul3A_250, %add3A_387 : i32
      %dma_wait3A_389 = arith.constant 0 : i32
      %dma_wait3A_390 = tpu.memref_slice %arg5[%add3A_388, %dma_wait3A_389] : memref<16x128xi32, #tpu.memory_space<vmem>> -> memref<1x128xi32, #tpu.memory_space<vmem>>
      %dma_wait3A_391 = tpu.memref_squeeze %dma_wait3A_390 : memref<1x128xi32, #tpu.memory_space<vmem>> -> memref<128xi32, #tpu.memory_space<vmem>>
      %dma_wait3A_392 = arith.constant 0 : i32
      %dma_wait3A_393 = arith.constant 0 : i32
      %dma_wait3A_394 = tpu.memref_slice %arg2[%dma_wait3A_392, %dma_wait3A_393] : memref<10000x128xf32, #tpu.memory_space<hbm>> -> memref<10000x128xf32, #tpu.memory_space<hbm>>
      tpu.wait_indirect_dma semaphore(%arg12 : memref<!tpu.dma_semaphore, #tpu.memory_space<semaphore_mem>>) src(%dma_wait3A_394 : memref<10000x128xf32, #tpu.memory_space<hbm>>) dst(%arg8 : memref<128x128xf32, #tpu.memory_space<vmem>>)
      %dma_start3A_395 = arith.constant 0 : i32
      %dma_start3A_396 = tpu.memref_slice %arg6[%add3A_388, %dma_start3A_395] : memref<16x128xi32, #tpu.memory_space<vmem>> -> memref<1x128xi32, #tpu.memory_space<vmem>>
      %dma_start3A_397 = tpu.memref_squeeze %dma_start3A_396 : memref<1x128xi32, #tpu.memory_space<vmem>> -> memref<128xi32, #tpu.memory_space<vmem>>
      %dma_start3A_398 = arith.constant 0 : i32
      %dma_start3A_399 = arith.constant 0 : i32
      %dma_start3A_400 = tpu.memref_slice %arg10[%dma_start3A_398, %dma_start3A_399] : memref<10240x128xf32, #tpu.memory_space<vmem_shared>> -> memref<10240x128xf32, #tpu.memory_space<vmem_shared>>
      tpu.enqueue_indirect_dma source(%arg8 : memref<128x128xf32, #tpu.memory_space<vmem>>) target(%dma_start3A_400 : memref<10240x128xf32, #tpu.memory_space<vmem_shared>>) offsets(%dma_start3A_397 : memref<128xi32, #tpu.memory_space<vmem>>) semaphore(%arg14 : memref<!tpu.dma_semaphore, #tpu.memory_space<semaphore_mem>>) {add = true}
      %get3A_401 = arith.index_cast %add3A_388 : i32 to index
      %get3A_402 = arith.constant 0 : index
      %get3A_403 = tpu.vector_load %arg6[%get3A_401, %get3A_402] {strides = array<i32>} : memref<16x128xi32, #tpu.memory_space<vmem>>, vector<16xi32>,
      %broadcast_in_dim3A_404 = arith.constant true
      %broadcast_in_dim3A_405 = vector.broadcast %broadcast_in_dim3A_404 : i1 to vector<16xi1>
      %unique3A_406, %unique3A_407 = tpu.scan_count mask(%broadcast_in_dim3A_405 : vector<16xi1>) value(%get3A_403 : vector<16xi32>) : vector<16xi1>, vector<16xi32>
      %shift_right_logical3A_408 = arith.constant 7 : i32
      %shift_right_logical3A_409 = vector.broadcast %shift_right_logical3A_408 : i32 to vector<16xi32>
      %shift_right_logical3A_410 = arith.shrui %get3A_403, %shift_right_logical3A_409 : vector<16xi32>
      %and3A_411 = arith.constant 127 : i32
      %and3A_412 = vector.broadcast %and3A_411 : i32 to vector<16xi32>
      %and3A_413 = arith.andi %get3A_403, %and3A_412 : vector<16xi32>
      %convert_element_type3A_414 = arith.sitofp %unique3A_407 : vector<16xi32> to vector<16xf32>
      tpu.vector_store_idx %arg9[%shift_right_logical3A_410, %and3A_413], %convert_element_type3A_414 masked %unique3A_406 {add = true} : memref<80x128xf32, #tpu.memory_space<vmem>>[vector<16xi32>, vector<16xi32>], vector<16xf32>, vector<16xi1>
      %get3A_415 = arith.index_cast %add3A_388 : i32 to index
      %get3A_416 = arith.constant 16 : index
      %get3A_417 = tpu.vector_load %arg6[%get3A_415, %get3A_416] {strides = array<i32>} : memref<16x128xi32, #tpu.memory_space<vmem>>, vector<16xi32>,
      %broadcast_in_dim3A_418 = arith.constant true
      %broadcast_in_dim3A_419 = vector.broadcast %broadcast_in_dim3A_418 : i1 to vector<16xi1>
      %unique3A_420, %unique3A_421 = tpu.scan_count mask(%broadcast_in_dim3A_419 : vector<16xi1>) value(%get3A_417 : vector<16xi32>) : vector<16xi1>, vector<16xi32>
      %shift_right_logical3A_422 = arith.constant 7 : i32
      %shift_right_logical3A_423 = vector.broadcast %shift_right_logical3A_422 : i32 to vector<16xi32>
      %shift_right_logical3A_424 = arith.shrui %get3A_417, %shift_right_logical3A_423 : vector<16xi32>
      %and3A_425 = arith.constant 127 : i32
      %and3A_426 = vector.broadcast %and3A_425 : i32 to vector<16xi32>
      %and3A_427 = arith.andi %get3A_417, %and3A_426 : vector<16xi32>
      %convert_element_type3A_428 = arith.sitofp %unique3A_421 : vector<16xi32> to vector<16xf32>
      tpu.vector_store_idx %arg9[%shift_right_logical3A_424, %and3A_427], %convert_element_type3A_428 masked %unique3A_420 {add = true} : memref<80x128xf32, #tpu.memory_space<vmem>>[vector<16xi32>, vector<16xi32>], vector<16xf32>, vector<16xi1>
      %get3A_429 = arith.index_cast %add3A_388 : i32 to index
      %get3A_430 = arith.constant 32 : index
      %get3A_431 = tpu.vector_load %arg6[%get3A_429, %get3A_430] {strides = array<i32>} : memref<16x128xi32, #tpu.memory_space<vmem>>, vector<16xi32>,
      %broadcast_in_dim3A_432 = arith.constant true
      %broadcast_in_dim3A_433 = vector.broadcast %broadcast_in_dim3A_432 : i1 to vector<16xi1>
      %unique3A_434, %unique3A_435 = tpu.scan_count mask(%broadcast_in_dim3A_433 : vector<16xi1>) value(%get3A_431 : vector<16xi32>) : vector<16xi1>, vector<16xi32>
      %shift_right_logical3A_436 = arith.constant 7 : i32
      %shift_right_logical3A_437 = vector.broadcast %shift_right_logical3A_436 : i32 to vector<16xi32>
      %shift_right_logical3A_438 = arith.shrui %get3A_431, %shift_right_logical3A_437 : vector<16xi32>
      %and3A_439 = arith.constant 127 : i32
      %and3A_440 = vector.broadcast %and3A_439 : i32 to vector<16xi32>
      %and3A_441 = arith.andi %get3A_431, %and3A_440 : vector<16xi32>
      %convert_element_type3A_442 = arith.sitofp %unique3A_435 : vector<16xi32> to vector<16xf32>
      tpu.vector_store_idx %arg9[%shift_right_logical3A_438, %and3A_441], %convert_element_type3A_442 masked %unique3A_434 {add = true} : memref<80x128xf32, #tpu.memory_space<vmem>>[vector<16xi32>, vector<16xi32>], vector<16xf32>, vector<16xi1>
      %get3A_443 = arith.index_cast %add3A_388 : i32 to index
      %get3A_444 = arith.constant 48 : index
      %get3A_445 = tpu.vector_load %arg6[%get3A_443, %get3A_444] {strides = array<i32>} : memref<16x128xi32, #tpu.memory_space<vmem>>, vector<16xi32>,
      %broadcast_in_dim3A_446 = arith.constant true
      %broadcast_in_dim3A_447 = vector.broadcast %broadcast_in_dim3A_446 : i1 to vector<16xi1>
      %unique3A_448, %unique3A_449 = tpu.scan_count mask(%broadcast_in_dim3A_447 : vector<16xi1>) value(%get3A_445 : vector<16xi32>) : vector<16xi1>, vector<16xi32>
      %shift_right_logical3A_450 = arith.constant 7 : i32
      %shift_right_logical3A_451 = vector.broadcast %shift_right_logical3A_450 : i32 to vector<16xi32>
      %shift_right_logical3A_452 = arith.shrui %get3A_445, %shift_right_logical3A_451 : vector<16xi32>
      %and3A_453 = arith.constant 127 : i32
      %and3A_454 = vector.broadcast %and3A_453 : i32 to vector<16xi32>
      %and3A_455 = arith.andi %get3A_445, %and3A_454 : vector<16xi32>
      %convert_element_type3A_456 = arith.sitofp %unique3A_449 : vector<16xi32> to vector<16xf32>
      tpu.vector_store_idx %arg9[%shift_right_logical3A_452, %and3A_455], %convert_element_type3A_456 masked %unique3A_448 {add = true} : memref<80x128xf32, #tpu.memory_space<vmem>>[vector<16xi32>, vector<16xi32>], vector<16xf32>, vector<16xi1>
      %get3A_457 = arith.index_cast %add3A_388 : i32 to index
      %get3A_458 = arith.constant 64 : index
      %get3A_459 = tpu.vector_load %arg6[%get3A_457, %get3A_458] {strides = array<i32>} : memref<16x128xi32, #tpu.memory_space<vmem>>, vector<16xi32>,
      %broadcast_in_dim3A_460 = arith.constant true
      %broadcast_in_dim3A_461 = vector.broadcast %broadcast_in_dim3A_460 : i1 to vector<16xi1>
      %unique3A_462, %unique3A_463 = tpu.scan_count mask(%broadcast_in_dim3A_461 : vector<16xi1>) value(%get3A_459 : vector<16xi32>) : vector<16xi1>, vector<16xi32>
      %shift_right_logical3A_464 = arith.constant 7 : i32
      %shift_right_logical3A_465 = vector.broadcast %shift_right_logical3A_464 : i32 to vector<16xi32>
      %shift_right_logical3A_466 = arith.shrui %get3A_459, %shift_right_logical3A_465 : vector<16xi32>
      %and3A_467 = arith.constant 127 : i32
      %and3A_468 = vector.broadcast %and3A_467 : i32 to vector<16xi32>
      %and3A_469 = arith.andi %get3A_459, %and3A_468 : vector<16xi32>
      %convert_element_type3A_470 = arith.sitofp %unique3A_463 : vector<16xi32> to vector<16xf32>
      tpu.vector_store_idx %arg9[%shift_right_logical3A_466, %and3A_469], %convert_element_type3A_470 masked %unique3A_462 {add = true} : memref<80x128xf32, #tpu.memory_space<vmem>>[vector<16xi32>, vector<16xi32>], vector<16xf32>, vector<16xi1>
      %get3A_471 = arith.index_cast %add3A_388 : i32 to index
      %get3A_472 = arith.constant 80 : index
      %get3A_473 = tpu.vector_load %arg6[%get3A_471, %get3A_472] {strides = array<i32>} : memref<16x128xi32, #tpu.memory_space<vmem>>, vector<16xi32>,
      %broadcast_in_dim3A_474 = arith.constant true
      %broadcast_in_dim3A_475 = vector.broadcast %broadcast_in_dim3A_474 : i1 to vector<16xi1>
      %unique3A_476, %unique3A_477 = tpu.scan_count mask(%broadcast_in_dim3A_475 : vector<16xi1>) value(%get3A_473 : vector<16xi32>) : vector<16xi1>, vector<16xi32>
      %shift_right_logical3A_478 = arith.constant 7 : i32
      %shift_right_logical3A_479 = vector.broadcast %shift_right_logical3A_478 : i32 to vector<16xi32>
      %shift_right_logical3A_480 = arith.shrui %get3A_473, %shift_right_logical3A_479 : vector<16xi32>
      %and3A_481 = arith.constant 127 : i32
      %and3A_482 = vector.broadcast %and3A_481 : i32 to vector<16xi32>
      %and3A_483 = arith.andi %get3A_473, %and3A_482 : vector<16xi32>
      %convert_element_type3A_484 = arith.sitofp %unique3A_477 : vector<16xi32> to vector<16xf32>
      tpu.vector_store_idx %arg9[%shift_right_logical3A_480, %and3A_483], %convert_element_type3A_484 masked %unique3A_476 {add = true} : memref<80x128xf32, #tpu.memory_space<vmem>>[vector<16xi32>, vector<16xi32>], vector<16xf32>, vector<16xi1>
      %get3A_485 = arith.index_cast %add3A_388 : i32 to index
      %get3A_486 = arith.constant 96 : index
      %get3A_487 = tpu.vector_load %arg6[%get3A_485, %get3A_486] {strides = array<i32>} : memref<16x128xi32, #tpu.memory_space<vmem>>, vector<16xi32>,
      %broadcast_in_dim3A_488 = arith.constant true
      %broadcast_in_dim3A_489 = vector.broadcast %broadcast_in_dim3A_488 : i1 to vector<16xi1>
      %unique3A_490, %unique3A_491 = tpu.scan_count mask(%broadcast_in_dim3A_489 : vector<16xi1>) value(%get3A_487 : vector<16xi32>) : vector<16xi1>, vector<16xi32>
      %shift_right_logical3A_492 = arith.constant 7 : i32
      %shift_right_logical3A_493 = vector.broadcast %shift_right_logical3A_492 : i32 to vector<16xi32>
      %shift_right_logical3A_494 = arith.shrui %get3A_487, %shift_right_logical3A_493 : vector<16xi32>
      %and3A_495 = arith.constant 127 : i32
      %and3A_496 = vector.broadcast %and3A_495 : i32 to vector<16xi32>
      %and3A_497 = arith.andi %get3A_487, %and3A_496 : vector<16xi32>
      %convert_element_type3A_498 = arith.sitofp %unique3A_491 : vector<16xi32> to vector<16xf32>
      tpu.vector_store_idx %arg9[%shift_right_logical3A_494, %and3A_497], %convert_element_type3A_498 masked %unique3A_490 {add = true} : memref<80x128xf32, #tpu.memory_space<vmem>>[vector<16xi32>, vector<16xi32>], vector<16xf32>, vector<16xi1>
      %get3A_499 = arith.index_cast %add3A_388 : i32 to index
      %get3A_500 = arith.constant 112 : index
      %get3A_501 = tpu.vector_load %arg6[%get3A_499, %get3A_500] {strides = array<i32>} : memref<16x128xi32, #tpu.memory_space<vmem>>, vector<16xi32>,
      %broadcast_in_dim3A_502 = arith.constant true
      %broadcast_in_dim3A_503 = vector.broadcast %broadcast_in_dim3A_502 : i1 to vector<16xi1>
      %unique3A_504, %unique3A_505 = tpu.scan_count mask(%broadcast_in_dim3A_503 : vector<16xi1>) value(%get3A_501 : vector<16xi32>) : vector<16xi1>, vector<16xi32>
      %shift_right_logical3A_506 = arith.constant 7 : i32
      %shift_right_logical3A_507 = vector.broadcast %shift_right_logical3A_506 : i32 to vector<16xi32>
      %shift_right_logical3A_508 = arith.shrui %get3A_501, %shift_right_logical3A_507 : vector<16xi32>
      %and3A_509 = arith.constant 127 : i32
      %and3A_510 = vector.broadcast %and3A_509 : i32 to vector<16xi32>
      %and3A_511 = arith.andi %get3A_501, %and3A_510 : vector<16xi32>
      %convert_element_type3A_512 = arith.sitofp %unique3A_505 : vector<16xi32> to vector<16xf32>
      tpu.vector_store_idx %arg9[%shift_right_logical3A_508, %and3A_511], %convert_element_type3A_512 masked %unique3A_504 {add = true} : memref<80x128xf32, #tpu.memory_space<vmem>>[vector<16xi32>, vector<16xi32>], vector<16xf32>, vector<16xi1>
      %dma_wait3A_513 = arith.constant 0 : i32
      %dma_wait3A_514 = tpu.memref_slice %arg6[%add3A_388, %dma_wait3A_513] : memref<16x128xi32, #tpu.memory_space<vmem>> -> memref<1x128xi32, #tpu.memory_space<vmem>>
      %dma_wait3A_515 = tpu.memref_squeeze %dma_wait3A_514 : memref<1x128xi32, #tpu.memory_space<vmem>> -> memref<128xi32, #tpu.memory_space<vmem>>
      %dma_wait3A_516 = arith.constant 0 : i32
      %dma_wait3A_517 = arith.constant 0 : i32
      %dma_wait3A_518 = tpu.memref_slice %arg10[%dma_wait3A_516, %dma_wait3A_517] : memref<10240x128xf32, #tpu.memory_space<vmem_shared>> -> memref<10240x128xf32, #tpu.memory_space<vmem_shared>>
      tpu.wait_indirect_dma semaphore(%arg14 : memref<!tpu.dma_semaphore, #tpu.memory_space<semaphore_mem>>) src(%arg8 : memref<128x128xf32, #tpu.memory_space<vmem>>) dst(%dma_wait3A_518 : memref<10240x128xf32, #tpu.memory_space<vmem_shared>>)
      %add3A_519 = arith.constant 2 : i32
      %add3A_520 = arith.addi %add3A_388, %add3A_519 : i32
      %min3A_521 = arith.constant 15 : i32
      %min3A_522 = arith.minsi %add3A_520, %min3A_521 : i32
      %dma_start3A_523 = arith.constant 0 : i32
      %dma_start3A_524 = tpu.memref_slice %arg5[%min3A_522, %dma_start3A_523] : memref<16x128xi32, #tpu.memory_space<vmem>> -> memref<1x128xi32, #tpu.memory_space<vmem>>
      %dma_start3A_525 = tpu.memref_squeeze %dma_start3A_524 : memref<1x128xi32, #tpu.memory_space<vmem>> -> memref<128xi32, #tpu.memory_space<vmem>>
      %dma_start3A_526 = arith.constant 0 : i32
      %dma_start3A_527 = arith.constant 0 : i32
      %dma_start3A_528 = tpu.memref_slice %arg2[%dma_start3A_526, %dma_start3A_527] : memref<10000x128xf32, #tpu.memory_space<hbm>> -> memref<10000x128xf32, #tpu.memory_space<hbm>>
      tpu.enqueue_indirect_dma source(%dma_start3A_528 : memref<10000x128xf32, #tpu.memory_space<hbm>>) target(%arg8 : memref<128x128xf32, #tpu.memory_space<vmem>>) offsets(%dma_start3A_525 : memref<128xi32, #tpu.memory_space<vmem>>) semaphore(%arg12 : memref<!tpu.dma_semaphore, #tpu.memory_space<semaphore_mem>>)
    }
    %scan3A_50 = arith.constant 8 : i32
    %dma_wait3A = arith.constant 15 : i32
    %dma_wait3A_51 = arith.constant 0 : i32
    %dma_wait3A_52 = tpu.memref_slice %arg5[%dma_wait3A, %dma_wait3A_51] : memref<16x128xi32, #tpu.memory_space<vmem>> -> memref<1x128xi32, #tpu.memory_space<vmem>>
    %dma_wait3A_53 = tpu.memref_squeeze %dma_wait3A_52 : memref<1x128xi32, #tpu.memory_space<vmem>> -> memref<128xi32, #tpu.memory_space<vmem>>
    %dma_wait3A_54 = arith.constant 0 : i32
    %dma_wait3A_55 = arith.constant 0 : i32
    %dma_wait3A_56 = tpu.memref_slice %arg2[%dma_wait3A_54, %dma_wait3A_55] : memref<10000x128xf32, #tpu.memory_space<hbm>> -> memref<10000x128xf32, #tpu.memory_space<hbm>>
    tpu.wait_indirect_dma semaphore(%arg11 : memref<!tpu.dma_semaphore, #tpu.memory_space<semaphore_mem>>) src(%dma_wait3A_56 : memref<10000x128xf32, #tpu.memory_space<hbm>>) dst(%arg7 : memref<128x128xf32, #tpu.memory_space<vmem>>)
    %dma_wait3A_57 = arith.constant 15 : i32
    %dma_wait3A_58 = arith.constant 0 : i32
    %dma_wait3A_59 = tpu.memref_slice %arg5[%dma_wait3A_57, %dma_wait3A_58] : memref<16x128xi32, #tpu.memory_space<vmem>> -> memref<1x128xi32, #tpu.memory_space<vmem>>
    %dma_wait3A_60 = tpu.memref_squeeze %dma_wait3A_59 : memref<1x128xi32, #tpu.memory_space<vmem>> -> memref<128xi32, #tpu.memory_space<vmem>>
    %dma_wait3A_61 = arith.constant 0 : i32
    %dma_wait3A_62 = arith.constant 0 : i32
    %dma_wait3A_63 = tpu.memref_slice %arg2[%dma_wait3A_61, %dma_wait3A_62] : memref<10000x128xf32, #tpu.memory_space<hbm>> -> memref<10000x128xf32, #tpu.memory_space<hbm>>
    tpu.wait_indirect_dma semaphore(%arg12 : memref<!tpu.dma_semaphore, #tpu.memory_space<semaphore_mem>>) src(%dma_wait3A_63 : memref<10000x128xf32, #tpu.memory_space<hbm>>) dst(%arg8 : memref<128x128xf32, #tpu.memory_space<vmem>>)
    %mul3A_64 = arith.constant 80 : i32
    %mul3A_65 = arith.muli %add3A, %mul3A_64 : i32
    %add3A_66 = arith.constant 16 : i32
    %add3A_67 = arith.addi %mul3A_65, %add3A_66 : i32
    "tpu.region"() ({
      %run_scoped3A = tpu.sem_alloc : memref<!tpu.dma_semaphore, #tpu.memory_space<semaphore_mem>>
      %dma_start3A_244 = arith.constant 0 : i32
      %dma_start3A_245 = tpu.memref_slice %arg3[%add3A_67, %dma_start3A_244] : memref<5120x128xi32, #tpu.memory_space<hbm>> -> memref<16x128xi32, #tpu.memory_space<hbm>>
      %dma_start3A_246 = arith.constant 0 : i32
      %dma_start3A_247 = tpu.memref_slice %arg3[%add3A_67, %dma_start3A_246] : memref<5120x128xi32, #tpu.memory_space<hbm>> -> memref<16x128xi32, #tpu.memory_space<hbm>>
      tpu.enqueue_dma source(%dma_start3A_247 : memref<16x128xi32, #tpu.memory_space<hbm>>) target(%arg5 : memref<16x128xi32, #tpu.memory_space<vmem>>) target_semaphore(%run_scoped3A : memref<!tpu.dma_semaphore, #tpu.memory_space<semaphore_mem>>)
      %dma_wait3A_248 = arith.constant 0 : i32
      %dma_wait3A_249 = tpu.memref_slice %arg3[%add3A_67, %dma_wait3A_248] : memref<5120x128xi32, #tpu.memory_space<hbm>> -> memref<16x128xi32, #tpu.memory_space<hbm>>
      %dma_wait3A_250 = arith.constant 0 : i32
      %dma_wait3A_251 = tpu.memref_slice %arg3[%add3A_67, %dma_wait3A_250] : memref<5120x128xi32, #tpu.memory_space<hbm>> -> memref<16x128xi32, #tpu.memory_space<hbm>>
      tpu.wait_dma2 semaphore(%run_scoped3A : memref<!tpu.dma_semaphore, #tpu.memory_space<semaphore_mem>>) src(%dma_wait3A_251 : memref<16x128xi32, #tpu.memory_space<hbm>>) dst(%arg5 : memref<16x128xi32, #tpu.memory_space<vmem>>)
      tpu.yield
    }) : () -> ()
    %mul3A_68 = arith.constant 80 : i32
    %mul3A_69 = arith.muli %add3A, %mul3A_68 : i32
    %add3A_70 = arith.constant 2560 : i32
    %add3A_71 = arith.addi %add3A_70, %mul3A_69 : i32
    %add3A_72 = arith.constant 16 : i32
    %add3A_73 = arith.addi %add3A_71, %add3A_72 : i32
    "tpu.region"() ({
      %run_scoped3A = tpu.sem_alloc : memref<!tpu.dma_semaphore, #tpu.memory_space<semaphore_mem>>
      %dma_start3A_244 = arith.constant 0 : i32
      %dma_start3A_245 = tpu.memref_slice %arg3[%add3A_73, %dma_start3A_244] : memref<5120x128xi32, #tpu.memory_space<hbm>> -> memref<16x128xi32, #tpu.memory_space<hbm>>
      %dma_start3A_246 = arith.constant 0 : i32
      %dma_start3A_247 = tpu.memref_slice %arg3[%add3A_73, %dma_start3A_246] : memref<5120x128xi32, #tpu.memory_space<hbm>> -> memref<16x128xi32, #tpu.memory_space<hbm>>
      tpu.enqueue_dma source(%dma_start3A_247 : memref<16x128xi32, #tpu.memory_space<hbm>>) target(%arg6 : memref<16x128xi32, #tpu.memory_space<vmem>>) target_semaphore(%run_scoped3A : memref<!tpu.dma_semaphore, #tpu.memory_space<semaphore_mem>>)
      %dma_wait3A_248 = arith.constant 0 : i32
      %dma_wait3A_249 = tpu.memref_slice %arg3[%add3A_73, %dma_wait3A_248] : memref<5120x128xi32, #tpu.memory_space<hbm>> -> memref<16x128xi32, #tpu.memory_space<hbm>>
      %dma_wait3A_250 = arith.constant 0 : i32
      %dma_wait3A_251 = tpu.memref_slice %arg3[%add3A_73, %dma_wait3A_250] : memref<5120x128xi32, #tpu.memory_space<hbm>> -> memref<16x128xi32, #tpu.memory_space<hbm>>
      tpu.wait_dma2 semaphore(%run_scoped3A : memref<!tpu.dma_semaphore, #tpu.memory_space<semaphore_mem>>) src(%dma_wait3A_251 : memref<16x128xi32, #tpu.memory_space<hbm>>) dst(%arg6 : memref<16x128xi32, #tpu.memory_space<vmem>>)
      tpu.yield
    }) : () -> ()
    %dma_start3A_74 = arith.constant 0 : i32
    %dma_start3A_75 = arith.constant 0 : i32
    %dma_start3A_76 = tpu.memref_slice %arg5[%dma_start3A_74, %dma_start3A_75] : memref<16x128xi32, #tpu.memory_space<vmem>> -> memref<1x128xi32, #tpu.memory_space<vmem>>
    %dma_start3A_77 = tpu.memref_squeeze %dma_start3A_76 : memref<1x128xi32, #tpu.memory_space<vmem>> -> memref<128xi32, #tpu.memory_space<vmem>>
    %dma_start3A_78 = arith.constant 0 : i32
    %dma_start3A_79 = arith.constant 0 : i32
    %dma_start3A_80 = tpu.memref_slice %arg2[%dma_start3A_78, %dma_start3A_79] : memref<10000x128xf32, #tpu.memory_space<hbm>> -> memref<10000x128xf32, #tpu.memory_space<hbm>>
    tpu.enqueue_indirect_dma source(%dma_start3A_80 : memref<10000x128xf32, #tpu.memory_space<hbm>>) target(%arg7 : memref<128x128xf32, #tpu.memory_space<vmem>>) offsets(%dma_start3A_77 : memref<128xi32, #tpu.memory_space<vmem>>) semaphore(%arg11 : memref<!tpu.dma_semaphore, #tpu.memory_space<semaphore_mem>>)
    %dma_start3A_81 = arith.constant 1 : i32
    %dma_start3A_82 = arith.constant 0 : i32
    %dma_start3A_83 = tpu.memref_slice %arg5[%dma_start3A_81, %dma_start3A_82] : memref<16x128xi32, #tpu.memory_space<vmem>> -> memref<1x128xi32, #tpu.memory_space<vmem>>
    %dma_start3A_84 = tpu.memref_squeeze %dma_start3A_83 : memref<1x128xi32, #tpu.memory_space<vmem>> -> memref<128xi32, #tpu.memory_space<vmem>>
    %dma_start3A_85 = arith.constant 0 : i32
    %dma_start3A_86 = arith.constant 0 : i32
    %dma_start3A_87 = tpu.memref_slice %arg2[%dma_start3A_85, %dma_start3A_86] : memref<10000x128xf32, #tpu.memory_space<hbm>> -> memref<10000x128xf32, #tpu.memory_space<hbm>>
    tpu.enqueue_indirect_dma source(%dma_start3A_87 : memref<10000x128xf32, #tpu.memory_space<hbm>>) target(%arg8 : memref<128x128xf32, #tpu.memory_space<vmem>>) offsets(%dma_start3A_84 : memref<128xi32, #tpu.memory_space<vmem>>) semaphore(%arg12 : memref<!tpu.dma_semaphore, #tpu.memory_space<semaphore_mem>>)
    %scan3A_88 = arith.constant 0 : i32
    %scan3A_89 = arith.constant 8 : i32
    %scan3A_90 = arith.addi %scan3A_88, %scan3A_89 : i32
    %scan3A_91 = arith.constant 1 : i32
    scf.for %scan3A_244 = %scan3A_88 to %scan3A_90 step %scan3A_91  : i32 {
      %mul3A_245 = arith.constant 1 : i32
      %mul3A_246 = arith.muli %scan3A_244, %mul3A_245 : i32
      %add3A_247 = arith.constant 0 : i32
      %add3A_248 = arith.addi %add3A_247, %mul3A_246 : i32
      %mul3A_249 = arith.constant 2 : i32
      %mul3A_250 = arith.muli %add3A_248, %mul3A_249 : i32
      %add3A_251 = arith.constant 0 : i32
      %add3A_252 = arith.addi %mul3A_250, %add3A_251 : i32
      %dma_wait3A_253 = arith.constant 0 : i32
      %dma_wait3A_254 = tpu.memref_slice %arg5[%add3A_252, %dma_wait3A_253] : memref<16x128xi32, #tpu.memory_space<vmem>> -> memref<1x128xi32, #tpu.memory_space<vmem>>
      %dma_wait3A_255 = tpu.memref_squeeze %dma_wait3A_254 : memref<1x128xi32, #tpu.memory_space<vmem>> -> memref<128xi32, #tpu.memory_space<vmem>>
      %dma_wait3A_256 = arith.constant 0 : i32
      %dma_wait3A_257 = arith.constant 0 : i32
      %dma_wait3A_258 = tpu.memref_slice %arg2[%dma_wait3A_256, %dma_wait3A_257] : memref<10000x128xf32, #tpu.memory_space<hbm>> -> memref<10000x128xf32, #tpu.memory_space<hbm>>
      tpu.wait_indirect_dma semaphore(%arg11 : memref<!tpu.dma_semaphore, #tpu.memory_space<semaphore_mem>>) src(%dma_wait3A_258 : memref<10000x128xf32, #tpu.memory_space<hbm>>) dst(%arg7 : memref<128x128xf32, #tpu.memory_space<vmem>>)
      %dma_start3A_259 = arith.constant 0 : i32
      %dma_start3A_260 = tpu.memref_slice %arg6[%add3A_252, %dma_start3A_259] : memref<16x128xi32, #tpu.memory_space<vmem>> -> memref<1x128xi32, #tpu.memory_space<vmem>>
      %dma_start3A_261 = tpu.memref_squeeze %dma_start3A_260 : memref<1x128xi32, #tpu.memory_space<vmem>> -> memref<128xi32, #tpu.memory_space<vmem>>
      %dma_start3A_262 = arith.constant 0 : i32
      %dma_start3A_263 = arith.constant 0 : i32
      %dma_start3A_264 = tpu.memref_slice %arg10[%dma_start3A_262, %dma_start3A_263] : memref<10240x128xf32, #tpu.memory_space<vmem_shared>> -> memref<10240x128xf32, #tpu.memory_space<vmem_shared>>
      tpu.enqueue_indirect_dma source(%arg7 : memref<128x128xf32, #tpu.memory_space<vmem>>) target(%dma_start3A_264 : memref<10240x128xf32, #tpu.memory_space<vmem_shared>>) offsets(%dma_start3A_261 : memref<128xi32, #tpu.memory_space<vmem>>) semaphore(%arg13 : memref<!tpu.dma_semaphore, #tpu.memory_space<semaphore_mem>>) {add = true}
      %get3A = arith.index_cast %add3A_252 : i32 to index
      %get3A_265 = arith.constant 0 : index
      %get3A_266 = tpu.vector_load %arg6[%get3A, %get3A_265] {strides = array<i32>} : memref<16x128xi32, #tpu.memory_space<vmem>>, vector<16xi32>,
      %broadcast_in_dim3A_267 = arith.constant true
      %broadcast_in_dim3A_268 = vector.broadcast %broadcast_in_dim3A_267 : i1 to vector<16xi1>
      %unique3A, %unique3A_269 = tpu.scan_count mask(%broadcast_in_dim3A_268 : vector<16xi1>) value(%get3A_266 : vector<16xi32>) : vector<16xi1>, vector<16xi32>
      %shift_right_logical3A = arith.constant 7 : i32
      %shift_right_logical3A_270 = vector.broadcast %shift_right_logical3A : i32 to vector<16xi32>
      %shift_right_logical3A_271 = arith.shrui %get3A_266, %shift_right_logical3A_270 : vector<16xi32>
      %and3A = arith.constant 127 : i32
      %and3A_272 = vector.broadcast %and3A : i32 to vector<16xi32>
      %and3A_273 = arith.andi %get3A_266, %and3A_272 : vector<16xi32>
      %convert_element_type3A = arith.sitofp %unique3A_269 : vector<16xi32> to vector<16xf32>
      tpu.vector_store_idx %arg9[%shift_right_logical3A_271, %and3A_273], %convert_element_type3A masked %unique3A {add = true} : memref<80x128xf32, #tpu.memory_space<vmem>>[vector<16xi32>, vector<16xi32>], vector<16xf32>, vector<16xi1>
      %get3A_274 = arith.index_cast %add3A_252 : i32 to index
      %get3A_275 = arith.constant 16 : index
      %get3A_276 = tpu.vector_load %arg6[%get3A_274, %get3A_275] {strides = array<i32>} : memref<16x128xi32, #tpu.memory_space<vmem>>, vector<16xi32>,
      %broadcast_in_dim3A_277 = arith.constant true
      %broadcast_in_dim3A_278 = vector.broadcast %broadcast_in_dim3A_277 : i1 to vector<16xi1>
      %unique3A_279, %unique3A_280 = tpu.scan_count mask(%broadcast_in_dim3A_278 : vector<16xi1>) value(%get3A_276 : vector<16xi32>) : vector<16xi1>, vector<16xi32>
      %shift_right_logical3A_281 = arith.constant 7 : i32
      %shift_right_logical3A_282 = vector.broadcast %shift_right_logical3A_281 : i32 to vector<16xi32>
      %shift_right_logical3A_283 = arith.shrui %get3A_276, %shift_right_logical3A_282 : vector<16xi32>
      %and3A_284 = arith.constant 127 : i32
      %and3A_285 = vector.broadcast %and3A_284 : i32 to vector<16xi32>
      %and3A_286 = arith.andi %get3A_276, %and3A_285 : vector<16xi32>
      %convert_element_type3A_287 = arith.sitofp %unique3A_280 : vector<16xi32> to vector<16xf32>
      tpu.vector_store_idx %arg9[%shift_right_logical3A_283, %and3A_286], %convert_element_type3A_287 masked %unique3A_279 {add = true} : memref<80x128xf32, #tpu.memory_space<vmem>>[vector<16xi32>, vector<16xi32>], vector<16xf32>, vector<16xi1>
      %get3A_288 = arith.index_cast %add3A_252 : i32 to index
      %get3A_289 = arith.constant 32 : index
      %get3A_290 = tpu.vector_load %arg6[%get3A_288, %get3A_289] {strides = array<i32>} : memref<16x128xi32, #tpu.memory_space<vmem>>, vector<16xi32>,
      %broadcast_in_dim3A_291 = arith.constant true
      %broadcast_in_dim3A_292 = vector.broadcast %broadcast_in_dim3A_291 : i1 to vector<16xi1>
      %unique3A_293, %unique3A_294 = tpu.scan_count mask(%broadcast_in_dim3A_292 : vector<16xi1>) value(%get3A_290 : vector<16xi32>) : vector<16xi1>, vector<16xi32>
      %shift_right_logical3A_295 = arith.constant 7 : i32
      %shift_right_logical3A_296 = vector.broadcast %shift_right_logical3A_295 : i32 to vector<16xi32>
      %shift_right_logical3A_297 = arith.shrui %get3A_290, %shift_right_logical3A_296 : vector<16xi32>
      %and3A_298 = arith.constant 127 : i32
      %and3A_299 = vector.broadcast %and3A_298 : i32 to vector<16xi32>
      %and3A_300 = arith.andi %get3A_290, %and3A_299 : vector<16xi32>
      %convert_element_type3A_301 = arith.sitofp %unique3A_294 : vector<16xi32> to vector<16xf32>
      tpu.vector_store_idx %arg9[%shift_right_logical3A_297, %and3A_300], %convert_element_type3A_301 masked %unique3A_293 {add = true} : memref<80x128xf32, #tpu.memory_space<vmem>>[vector<16xi32>, vector<16xi32>], vector<16xf32>, vector<16xi1>
      %get3A_302 = arith.index_cast %add3A_252 : i32 to index
      %get3A_303 = arith.constant 48 : index
      %get3A_304 = tpu.vector_load %arg6[%get3A_302, %get3A_303] {strides = array<i32>} : memref<16x128xi32, #tpu.memory_space<vmem>>, vector<16xi32>,
      %broadcast_in_dim3A_305 = arith.constant true
      %broadcast_in_dim3A_306 = vector.broadcast %broadcast_in_dim3A_305 : i1 to vector<16xi1>
      %unique3A_307, %unique3A_308 = tpu.scan_count mask(%broadcast_in_dim3A_306 : vector<16xi1>) value(%get3A_304 : vector<16xi32>) : vector<16xi1>, vector<16xi32>
      %shift_right_logical3A_309 = arith.constant 7 : i32
      %shift_right_logical3A_310 = vector.broadcast %shift_right_logical3A_309 : i32 to vector<16xi32>
      %shift_right_logical3A_311 = arith.shrui %get3A_304, %shift_right_logical3A_310 : vector<16xi32>
      %and3A_312 = arith.constant 127 : i32
      %and3A_313 = vector.broadcast %and3A_312 : i32 to vector<16xi32>
      %and3A_314 = arith.andi %get3A_304, %and3A_313 : vector<16xi32>
      %convert_element_type3A_315 = arith.sitofp %unique3A_308 : vector<16xi32> to vector<16xf32>
      tpu.vector_store_idx %arg9[%shift_right_logical3A_311, %and3A_314], %convert_element_type3A_315 masked %unique3A_307 {add = true} : memref<80x128xf32, #tpu.memory_space<vmem>>[vector<16xi32>, vector<16xi32>], vector<16xf32>, vector<16xi1>
      %get3A_316 = arith.index_cast %add3A_252 : i32 to index
      %get3A_317 = arith.constant 64 : index
      %get3A_318 = tpu.vector_load %arg6[%get3A_316, %get3A_317] {strides = array<i32>} : memref<16x128xi32, #tpu.memory_space<vmem>>, vector<16xi32>,
      %broadcast_in_dim3A_319 = arith.constant true
      %broadcast_in_dim3A_320 = vector.broadcast %broadcast_in_dim3A_319 : i1 to vector<16xi1>
      %unique3A_321, %unique3A_322 = tpu.scan_count mask(%broadcast_in_dim3A_320 : vector<16xi1>) value(%get3A_318 : vector<16xi32>) : vector<16xi1>, vector<16xi32>
      %shift_right_logical3A_323 = arith.constant 7 : i32
      %shift_right_logical3A_324 = vector.broadcast %shift_right_logical3A_323 : i32 to vector<16xi32>
      %shift_right_logical3A_325 = arith.shrui %get3A_318, %shift_right_logical3A_324 : vector<16xi32>
      %and3A_326 = arith.constant 127 : i32
      %and3A_327 = vector.broadcast %and3A_326 : i32 to vector<16xi32>
      %and3A_328 = arith.andi %get3A_318, %and3A_327 : vector<16xi32>
      %convert_element_type3A_329 = arith.sitofp %unique3A_322 : vector<16xi32> to vector<16xf32>
      tpu.vector_store_idx %arg9[%shift_right_logical3A_325, %and3A_328], %convert_element_type3A_329 masked %unique3A_321 {add = true} : memref<80x128xf32, #tpu.memory_space<vmem>>[vector<16xi32>, vector<16xi32>], vector<16xf32>, vector<16xi1>
      %get3A_330 = arith.index_cast %add3A_252 : i32 to index
      %get3A_331 = arith.constant 80 : index
      %get3A_332 = tpu.vector_load %arg6[%get3A_330, %get3A_331] {strides = array<i32>} : memref<16x128xi32, #tpu.memory_space<vmem>>, vector<16xi32>,
      %broadcast_in_dim3A_333 = arith.constant true
      %broadcast_in_dim3A_334 = vector.broadcast %broadcast_in_dim3A_333 : i1 to vector<16xi1>
      %unique3A_335, %unique3A_336 = tpu.scan_count mask(%broadcast_in_dim3A_334 : vector<16xi1>) value(%get3A_332 : vector<16xi32>) : vector<16xi1>, vector<16xi32>
      %shift_right_logical3A_337 = arith.constant 7 : i32
      %shift_right_logical3A_338 = vector.broadcast %shift_right_logical3A_337 : i32 to vector<16xi32>
      %shift_right_logical3A_339 = arith.shrui %get3A_332, %shift_right_logical3A_338 : vector<16xi32>
      %and3A_340 = arith.constant 127 : i32
      %and3A_341 = vector.broadcast %and3A_340 : i32 to vector<16xi32>
      %and3A_342 = arith.andi %get3A_332, %and3A_341 : vector<16xi32>
      %convert_element_type3A_343 = arith.sitofp %unique3A_336 : vector<16xi32> to vector<16xf32>
      tpu.vector_store_idx %arg9[%shift_right_logical3A_339, %and3A_342], %convert_element_type3A_343 masked %unique3A_335 {add = true} : memref<80x128xf32, #tpu.memory_space<vmem>>[vector<16xi32>, vector<16xi32>], vector<16xf32>, vector<16xi1>
      %get3A_344 = arith.index_cast %add3A_252 : i32 to index
      %get3A_345 = arith.constant 96 : index
      %get3A_346 = tpu.vector_load %arg6[%get3A_344, %get3A_345] {strides = array<i32>} : memref<16x128xi32, #tpu.memory_space<vmem>>, vector<16xi32>,
      %broadcast_in_dim3A_347 = arith.constant true
      %broadcast_in_dim3A_348 = vector.broadcast %broadcast_in_dim3A_347 : i1 to vector<16xi1>
      %unique3A_349, %unique3A_350 = tpu.scan_count mask(%broadcast_in_dim3A_348 : vector<16xi1>) value(%get3A_346 : vector<16xi32>) : vector<16xi1>, vector<16xi32>
      %shift_right_logical3A_351 = arith.constant 7 : i32
      %shift_right_logical3A_352 = vector.broadcast %shift_right_logical3A_351 : i32 to vector<16xi32>
      %shift_right_logical3A_353 = arith.shrui %get3A_346, %shift_right_logical3A_352 : vector<16xi32>
      %and3A_354 = arith.constant 127 : i32
      %and3A_355 = vector.broadcast %and3A_354 : i32 to vector<16xi32>
      %and3A_356 = arith.andi %get3A_346, %and3A_355 : vector<16xi32>
      %convert_element_type3A_357 = arith.sitofp %unique3A_350 : vector<16xi32> to vector<16xf32>
      tpu.vector_store_idx %arg9[%shift_right_logical3A_353, %and3A_356], %convert_element_type3A_357 masked %unique3A_349 {add = true} : memref<80x128xf32, #tpu.memory_space<vmem>>[vector<16xi32>, vector<16xi32>], vector<16xf32>, vector<16xi1>
      %get3A_358 = arith.index_cast %add3A_252 : i32 to index
      %get3A_359 = arith.constant 112 : index
      %get3A_360 = tpu.vector_load %arg6[%get3A_358, %get3A_359] {strides = array<i32>} : memref<16x128xi32, #tpu.memory_space<vmem>>, vector<16xi32>,
      %broadcast_in_dim3A_361 = arith.constant true
      %broadcast_in_dim3A_362 = vector.broadcast %broadcast_in_dim3A_361 : i1 to vector<16xi1>
      %unique3A_363, %unique3A_364 = tpu.scan_count mask(%broadcast_in_dim3A_362 : vector<16xi1>) value(%get3A_360 : vector<16xi32>) : vector<16xi1>, vector<16xi32>
      %shift_right_logical3A_365 = arith.constant 7 : i32
      %shift_right_logical3A_366 = vector.broadcast %shift_right_logical3A_365 : i32 to vector<16xi32>
      %shift_right_logical3A_367 = arith.shrui %get3A_360, %shift_right_logical3A_366 : vector<16xi32>
      %and3A_368 = arith.constant 127 : i32
      %and3A_369 = vector.broadcast %and3A_368 : i32 to vector<16xi32>
      %and3A_370 = arith.andi %get3A_360, %and3A_369 : vector<16xi32>
      %convert_element_type3A_371 = arith.sitofp %unique3A_364 : vector<16xi32> to vector<16xf32>
      tpu.vector_store_idx %arg9[%shift_right_logical3A_367, %and3A_370], %convert_element_type3A_371 masked %unique3A_363 {add = true} : memref<80x128xf32, #tpu.memory_space<vmem>>[vector<16xi32>, vector<16xi32>], vector<16xf32>, vector<16xi1>
      %dma_wait3A_372 = arith.constant 0 : i32
      %dma_wait3A_373 = tpu.memref_slice %arg6[%add3A_252, %dma_wait3A_372] : memref<16x128xi32, #tpu.memory_space<vmem>> -> memref<1x128xi32, #tpu.memory_space<vmem>>
      %dma_wait3A_374 = tpu.memref_squeeze %dma_wait3A_373 : memref<1x128xi32, #tpu.memory_space<vmem>> -> memref<128xi32, #tpu.memory_space<vmem>>
      %dma_wait3A_375 = arith.constant 0 : i32
      %dma_wait3A_376 = arith.constant 0 : i32
      %dma_wait3A_377 = tpu.memref_slice %arg10[%dma_wait3A_375, %dma_wait3A_376] : memref<10240x128xf32, #tpu.memory_space<vmem_shared>> -> memref<10240x128xf32, #tpu.memory_space<vmem_shared>>
      tpu.wait_indirect_dma semaphore(%arg13 : memref<!tpu.dma_semaphore, #tpu.memory_space<semaphore_mem>>) src(%arg7 : memref<128x128xf32, #tpu.memory_space<vmem>>) dst(%dma_wait3A_377 : memref<10240x128xf32, #tpu.memory_space<vmem_shared>>)
      %add3A_378 = arith.constant 2 : i32
      %add3A_379 = arith.addi %add3A_252, %add3A_378 : i32
      %min3A = arith.constant 15 : i32
      %min3A_380 = arith.minsi %add3A_379, %min3A : i32
      %dma_start3A_381 = arith.constant 0 : i32
      %dma_start3A_382 = tpu.memref_slice %arg5[%min3A_380, %dma_start3A_381] : memref<16x128xi32, #tpu.memory_space<vmem>> -> memref<1x128xi32, #tpu.memory_space<vmem>>
      %dma_start3A_383 = tpu.memref_squeeze %dma_start3A_382 : memref<1x128xi32, #tpu.memory_space<vmem>> -> memref<128xi32, #tpu.memory_space<vmem>>
      %dma_start3A_384 = arith.constant 0 : i32
      %dma_start3A_385 = arith.constant 0 : i32
      %dma_start3A_386 = tpu.memref_slice %arg2[%dma_start3A_384, %dma_start3A_385] : memref<10000x128xf32, #tpu.memory_space<hbm>> -> memref<10000x128xf32, #tpu.memory_space<hbm>>
      tpu.enqueue_indirect_dma source(%dma_start3A_386 : memref<10000x128xf32, #tpu.memory_space<hbm>>) target(%arg7 : memref<128x128xf32, #tpu.memory_space<vmem>>) offsets(%dma_start3A_383 : memref<128xi32, #tpu.memory_space<vmem>>) semaphore(%arg11 : memref<!tpu.dma_semaphore, #tpu.memory_space<semaphore_mem>>)
      %add3A_387 = arith.constant 1 : i32
      %add3A_388 = arith.addi %mul3A_250, %add3A_387 : i32
      %dma_wait3A_389 = arith.constant 0 : i32
      %dma_wait3A_390 = tpu.memref_slice %arg5[%add3A_388, %dma_wait3A_389] : memref<16x128xi32, #tpu.memory_space<vmem>> -> memref<1x128xi32, #tpu.memory_space<vmem>>
      %dma_wait3A_391 = tpu.memref_squeeze %dma_wait3A_390 : memref<1x128xi32, #tpu.memory_space<vmem>> -> memref<128xi32, #tpu.memory_space<vmem>>
      %dma_wait3A_392 = arith.constant 0 : i32
      %dma_wait3A_393 = arith.constant 0 : i32
      %dma_wait3A_394 = tpu.memref_slice %arg2[%dma_wait3A_392, %dma_wait3A_393] : memref<10000x128xf32, #tpu.memory_space<hbm>> -> memref<10000x128xf32, #tpu.memory_space<hbm>>
      tpu.wait_indirect_dma semaphore(%arg12 : memref<!tpu.dma_semaphore, #tpu.memory_space<semaphore_mem>>) src(%dma_wait3A_394 : memref<10000x128xf32, #tpu.memory_space<hbm>>) dst(%arg8 : memref<128x128xf32, #tpu.memory_space<vmem>>)
      %dma_start3A_395 = arith.constant 0 : i32
      %dma_start3A_396 = tpu.memref_slice %arg6[%add3A_388, %dma_start3A_395] : memref<16x128xi32, #tpu.memory_space<vmem>> -> memref<1x128xi32, #tpu.memory_space<vmem>>
      %dma_start3A_397 = tpu.memref_squeeze %dma_start3A_396 : memref<1x128xi32, #tpu.memory_space<vmem>> -> memref<128xi32, #tpu.memory_space<vmem>>
      %dma_start3A_398 = arith.constant 0 : i32
      %dma_start3A_399 = arith.constant 0 : i32
      %dma_start3A_400 = tpu.memref_slice %arg10[%dma_start3A_398, %dma_start3A_399] : memref<10240x128xf32, #tpu.memory_space<vmem_shared>> -> memref<10240x128xf32, #tpu.memory_space<vmem_shared>>
      tpu.enqueue_indirect_dma source(%arg8 : memref<128x128xf32, #tpu.memory_space<vmem>>) target(%dma_start3A_400 : memref<10240x128xf32, #tpu.memory_space<vmem_shared>>) offsets(%dma_start3A_397 : memref<128xi32, #tpu.memory_space<vmem>>) semaphore(%arg14 : memref<!tpu.dma_semaphore, #tpu.memory_space<semaphore_mem>>) {add = true}
      %get3A_401 = arith.index_cast %add3A_388 : i32 to index
      %get3A_402 = arith.constant 0 : index
      %get3A_403 = tpu.vector_load %arg6[%get3A_401, %get3A_402] {strides = array<i32>} : memref<16x128xi32, #tpu.memory_space<vmem>>, vector<16xi32>,
      %broadcast_in_dim3A_404 = arith.constant true
      %broadcast_in_dim3A_405 = vector.broadcast %broadcast_in_dim3A_404 : i1 to vector<16xi1>
      %unique3A_406, %unique3A_407 = tpu.scan_count mask(%broadcast_in_dim3A_405 : vector<16xi1>) value(%get3A_403 : vector<16xi32>) : vector<16xi1>, vector<16xi32>
      %shift_right_logical3A_408 = arith.constant 7 : i32
      %shift_right_logical3A_409 = vector.broadcast %shift_right_logical3A_408 : i32 to vector<16xi32>
      %shift_right_logical3A_410 = arith.shrui %get3A_403, %shift_right_logical3A_409 : vector<16xi32>
      %and3A_411 = arith.constant 127 : i32
      %and3A_412 = vector.broadcast %and3A_411 : i32 to vector<16xi32>
      %and3A_413 = arith.andi %get3A_403, %and3A_412 : vector<16xi32>
      %convert_element_type3A_414 = arith.sitofp %unique3A_407 : vector<16xi32> to vector<16xf32>
      tpu.vector_store_idx %arg9[%shift_right_logical3A_410, %and3A_413], %convert_element_type3A_414 masked %unique3A_406 {add = true} : memref<80x128xf32, #tpu.memory_space<vmem>>[vector<16xi32>, vector<16xi32>], vector<16xf32>, vector<16xi1>
      %get3A_415 = arith.index_cast %add3A_388 : i32 to index
      %get3A_416 = arith.constant 16 : index
      %get3A_417 = tpu.vector_load %arg6[%get3A_415, %get3A_416] {strides = array<i32>} : memref<16x128xi32, #tpu.memory_space<vmem>>, vector<16xi32>,
      %broadcast_in_dim3A_418 = arith.constant true
      %broadcast_in_dim3A_419 = vector.broadcast %broadcast_in_dim3A_418 : i1 to vector<16xi1>
      %unique3A_420, %unique3A_421 = tpu.scan_count mask(%broadcast_in_dim3A_419 : vector<16xi1>) value(%get3A_417 : vector<16xi32>) : vector<16xi1>, vector<16xi32>
      %shift_right_logical3A_422 = arith.constant 7 : i32
      %shift_right_logical3A_423 = vector.broadcast %shift_right_logical3A_422 : i32 to vector<16xi32>
      %shift_right_logical3A_424 = arith.shrui %get3A_417, %shift_right_logical3A_423 : vector<16xi32>
      %and3A_425 = arith.constant 127 : i32
      %and3A_426 = vector.broadcast %and3A_425 : i32 to vector<16xi32>
      %and3A_427 = arith.andi %get3A_417, %and3A_426 : vector<16xi32>
      %convert_element_type3A_428 = arith.sitofp %unique3A_421 : vector<16xi32> to vector<16xf32>
      tpu.vector_store_idx %arg9[%shift_right_logical3A_424, %and3A_427], %convert_element_type3A_428 masked %unique3A_420 {add = true} : memref<80x128xf32, #tpu.memory_space<vmem>>[vector<16xi32>, vector<16xi32>], vector<16xf32>, vector<16xi1>
      %get3A_429 = arith.index_cast %add3A_388 : i32 to index
      %get3A_430 = arith.constant 32 : index
      %get3A_431 = tpu.vector_load %arg6[%get3A_429, %get3A_430] {strides = array<i32>} : memref<16x128xi32, #tpu.memory_space<vmem>>, vector<16xi32>,
      %broadcast_in_dim3A_432 = arith.constant true
      %broadcast_in_dim3A_433 = vector.broadcast %broadcast_in_dim3A_432 : i1 to vector<16xi1>
      %unique3A_434, %unique3A_435 = tpu.scan_count mask(%broadcast_in_dim3A_433 : vector<16xi1>) value(%get3A_431 : vector<16xi32>) : vector<16xi1>, vector<16xi32>
      %shift_right_logical3A_436 = arith.constant 7 : i32
      %shift_right_logical3A_437 = vector.broadcast %shift_right_logical3A_436 : i32 to vector<16xi32>
      %shift_right_logical3A_438 = arith.shrui %get3A_431, %shift_right_logical3A_437 : vector<16xi32>
      %and3A_439 = arith.constant 127 : i32
      %and3A_440 = vector.broadcast %and3A_439 : i32 to vector<16xi32>
      %and3A_441 = arith.andi %get3A_431, %and3A_440 : vector<16xi32>
      %convert_element_type3A_442 = arith.sitofp %unique3A_435 : vector<16xi32> to vector<16xf32>
      tpu.vector_store_idx %arg9[%shift_right_logical3A_438, %and3A_441], %convert_element_type3A_442 masked %unique3A_434 {add = true} : memref<80x128xf32, #tpu.memory_space<vmem>>[vector<16xi32>, vector<16xi32>], vector<16xf32>, vector<16xi1>
      %get3A_443 = arith.index_cast %add3A_388 : i32 to index
      %get3A_444 = arith.constant 48 : index
      %get3A_445 = tpu.vector_load %arg6[%get3A_443, %get3A_444] {strides = array<i32>} : memref<16x128xi32, #tpu.memory_space<vmem>>, vector<16xi32>,
      %broadcast_in_dim3A_446 = arith.constant true
      %broadcast_in_dim3A_447 = vector.broadcast %broadcast_in_dim3A_446 : i1 to vector<16xi1>
      %unique3A_448, %unique3A_449 = tpu.scan_count mask(%broadcast_in_dim3A_447 : vector<16xi1>) value(%get3A_445 : vector<16xi32>) : vector<16xi1>, vector<16xi32>
      %shift_right_logical3A_450 = arith.constant 7 : i32
      %shift_right_logical3A_451 = vector.broadcast %shift_right_logical3A_450 : i32 to vector<16xi32>
      %shift_right_logical3A_452 = arith.shrui %get3A_445, %shift_right_logical3A_451 : vector<16xi32>
      %and3A_453 = arith.constant 127 : i32
      %and3A_454 = vector.broadcast %and3A_453 : i32 to vector<16xi32>
      %and3A_455 = arith.andi %get3A_445, %and3A_454 : vector<16xi32>
      %convert_element_type3A_456 = arith.sitofp %unique3A_449 : vector<16xi32> to vector<16xf32>
      tpu.vector_store_idx %arg9[%shift_right_logical3A_452, %and3A_455], %convert_element_type3A_456 masked %unique3A_448 {add = true} : memref<80x128xf32, #tpu.memory_space<vmem>>[vector<16xi32>, vector<16xi32>], vector<16xf32>, vector<16xi1>
      %get3A_457 = arith.index_cast %add3A_388 : i32 to index
      %get3A_458 = arith.constant 64 : index
      %get3A_459 = tpu.vector_load %arg6[%get3A_457, %get3A_458] {strides = array<i32>} : memref<16x128xi32, #tpu.memory_space<vmem>>, vector<16xi32>,
      %broadcast_in_dim3A_460 = arith.constant true
      %broadcast_in_dim3A_461 = vector.broadcast %broadcast_in_dim3A_460 : i1 to vector<16xi1>
      %unique3A_462, %unique3A_463 = tpu.scan_count mask(%broadcast_in_dim3A_461 : vector<16xi1>) value(%get3A_459 : vector<16xi32>) : vector<16xi1>, vector<16xi32>
      %shift_right_logical3A_464 = arith.constant 7 : i32
      %shift_right_logical3A_465 = vector.broadcast %shift_right_logical3A_464 : i32 to vector<16xi32>
      %shift_right_logical3A_466 = arith.shrui %get3A_459, %shift_right_logical3A_465 : vector<16xi32>
      %and3A_467 = arith.constant 127 : i32
      %and3A_468 = vector.broadcast %and3A_467 : i32 to vector<16xi32>
      %and3A_469 = arith.andi %get3A_459, %and3A_468 : vector<16xi32>
      %convert_element_type3A_470 = arith.sitofp %unique3A_463 : vector<16xi32> to vector<16xf32>
      tpu.vector_store_idx %arg9[%shift_right_logical3A_466, %and3A_469], %convert_element_type3A_470 masked %unique3A_462 {add = true} : memref<80x128xf32, #tpu.memory_space<vmem>>[vector<16xi32>, vector<16xi32>], vector<16xf32>, vector<16xi1>
      %get3A_471 = arith.index_cast %add3A_388 : i32 to index
      %get3A_472 = arith.constant 80 : index
      %get3A_473 = tpu.vector_load %arg6[%get3A_471, %get3A_472] {strides = array<i32>} : memref<16x128xi32, #tpu.memory_space<vmem>>, vector<16xi32>,
      %broadcast_in_dim3A_474 = arith.constant true
      %broadcast_in_dim3A_475 = vector.broadcast %broadcast_in_dim3A_474 : i1 to vector<16xi1>
      %unique3A_476, %unique3A_477 = tpu.scan_count mask(%broadcast_in_dim3A_475 : vector<16xi1>) value(%get3A_473 : vector<16xi32>) : vector<16xi1>, vector<16xi32>
      %shift_right_logical3A_478 = arith.constant 7 : i32
      %shift_right_logical3A_479 = vector.broadcast %shift_right_logical3A_478 : i32 to vector<16xi32>
      %shift_right_logical3A_480 = arith.shrui %get3A_473, %shift_right_logical3A_479 : vector<16xi32>
      %and3A_481 = arith.constant 127 : i32
      %and3A_482 = vector.broadcast %and3A_481 : i32 to vector<16xi32>
      %and3A_483 = arith.andi %get3A_473, %and3A_482 : vector<16xi32>
      %convert_element_type3A_484 = arith.sitofp %unique3A_477 : vector<16xi32> to vector<16xf32>
      tpu.vector_store_idx %arg9[%shift_right_logical3A_480, %and3A_483], %convert_element_type3A_484 masked %unique3A_476 {add = true} : memref<80x128xf32, #tpu.memory_space<vmem>>[vector<16xi32>, vector<16xi32>], vector<16xf32>, vector<16xi1>
      %get3A_485 = arith.index_cast %add3A_388 : i32 to index
      %get3A_486 = arith.constant 96 : index
      %get3A_487 = tpu.vector_load %arg6[%get3A_485, %get3A_486] {strides = array<i32>} : memref<16x128xi32, #tpu.memory_space<vmem>>, vector<16xi32>,
      %broadcast_in_dim3A_488 = arith.constant true
      %broadcast_in_dim3A_489 = vector.broadcast %broadcast_in_dim3A_488 : i1 to vector<16xi1>
      %unique3A_490, %unique3A_491 = tpu.scan_count mask(%broadcast_in_dim3A_489 : vector<16xi1>) value(%get3A_487 : vector<16xi32>) : vector<16xi1>, vector<16xi32>
      %shift_right_logical3A_492 = arith.constant 7 : i32
      %shift_right_logical3A_493 = vector.broadcast %shift_right_logical3A_492 : i32 to vector<16xi32>
      %shift_right_logical3A_494 = arith.shrui %get3A_487, %shift_right_logical3A_493 : vector<16xi32>
      %and3A_495 = arith.constant 127 : i32
      %and3A_496 = vector.broadcast %and3A_495 : i32 to vector<16xi32>
      %and3A_497 = arith.andi %get3A_487, %and3A_496 : vector<16xi32>
      %convert_element_type3A_498 = arith.sitofp %unique3A_491 : vector<16xi32> to vector<16xf32>
      tpu.vector_store_idx %arg9[%shift_right_logical3A_494, %and3A_497], %convert_element_type3A_498 masked %unique3A_490 {add = true} : memref<80x128xf32, #tpu.memory_space<vmem>>[vector<16xi32>, vector<16xi32>], vector<16xf32>, vector<16xi1>
      %get3A_499 = arith.index_cast %add3A_388 : i32 to index
      %get3A_500 = arith.constant 112 : index
      %get3A_501 = tpu.vector_load %arg6[%get3A_499, %get3A_500] {strides = array<i32>} : memref<16x128xi32, #tpu.memory_space<vmem>>, vector<16xi32>,
      %broadcast_in_dim3A_502 = arith.constant true
      %broadcast_in_dim3A_503 = vector.broadcast %broadcast_in_dim3A_502 : i1 to vector<16xi1>
      %unique3A_504, %unique3A_505 = tpu.scan_count mask(%broadcast_in_dim3A_503 : vector<16xi1>) value(%get3A_501 : vector<16xi32>) : vector<16xi1>, vector<16xi32>
      %shift_right_logical3A_506 = arith.constant 7 : i32
      %shift_right_logical3A_507 = vector.broadcast %shift_right_logical3A_506 : i32 to vector<16xi32>
      %shift_right_logical3A_508 = arith.shrui %get3A_501, %shift_right_logical3A_507 : vector<16xi32>
      %and3A_509 = arith.constant 127 : i32
      %and3A_510 = vector.broadcast %and3A_509 : i32 to vector<16xi32>
      %and3A_511 = arith.andi %get3A_501, %and3A_510 : vector<16xi32>
      %convert_element_type3A_512 = arith.sitofp %unique3A_505 : vector<16xi32> to vector<16xf32>
      tpu.vector_store_idx %arg9[%shift_right_logical3A_508, %and3A_511], %convert_element_type3A_512 masked %unique3A_504 {add = true} : memref<80x128xf32, #tpu.memory_space<vmem>>[vector<16xi32>, vector<16xi32>], vector<16xf32>, vector<16xi1>
      %dma_wait3A_513 = arith.constant 0 : i32
      %dma_wait3A_514 = tpu.memref_slice %arg6[%add3A_388, %dma_wait3A_513] : memref<16x128xi32, #tpu.memory_space<vmem>> -> memref<1x128xi32, #tpu.memory_space<vmem>>
      %dma_wait3A_515 = tpu.memref_squeeze %dma_wait3A_514 : memref<1x128xi32, #tpu.memory_space<vmem>> -> memref<128xi32, #tpu.memory_space<vmem>>
      %dma_wait3A_516 = arith.constant 0 : i32
      %dma_wait3A_517 = arith.constant 0 : i32
      %dma_wait3A_518 = tpu.memref_slice %arg10[%dma_wait3A_516, %dma_wait3A_517] : memref<10240x128xf32, #tpu.memory_space<vmem_shared>> -> memref<10240x128xf32, #tpu.memory_space<vmem_shared>>
      tpu.wait_indirect_dma semaphore(%arg14 : memref<!tpu.dma_semaphore, #tpu.memory_space<semaphore_mem>>) src(%arg8 : memref<128x128xf32, #tpu.memory_space<vmem>>) dst(%dma_wait3A_518 : memref<10240x128xf32, #tpu.memory_space<vmem_shared>>)
      %add3A_519 = arith.constant 2 : i32
      %add3A_520 = arith.addi %add3A_388, %add3A_519 : i32
      %min3A_521 = arith.constant 15 : i32
      %min3A_522 = arith.minsi %add3A_520, %min3A_521 : i32
      %dma_start3A_523 = arith.constant 0 : i32
      %dma_start3A_524 = tpu.memref_slice %arg5[%min3A_522, %dma_start3A_523] : memref<16x128xi32, #tpu.memory_space<vmem>> -> memref<1x128xi32, #tpu.memory_space<vmem>>
      %dma_start3A_525 = tpu.memref_squeeze %dma_start3A_524 : memref<1x128xi32, #tpu.memory_space<vmem>> -> memref<128xi32, #tpu.memory_space<vmem>>
      %dma_start3A_526 = arith.constant 0 : i32
      %dma_start3A_527 = arith.constant 0 : i32
      %dma_start3A_528 = tpu.memref_slice %arg2[%dma_start3A_526, %dma_start3A_527] : memref<10000x128xf32, #tpu.memory_space<hbm>> -> memref<10000x128xf32, #tpu.memory_space<hbm>>
      tpu.enqueue_indirect_dma source(%dma_start3A_528 : memref<10000x128xf32, #tpu.memory_space<hbm>>) target(%arg8 : memref<128x128xf32, #tpu.memory_space<vmem>>) offsets(%dma_start3A_525 : memref<128xi32, #tpu.memory_space<vmem>>) semaphore(%arg12 : memref<!tpu.dma_semaphore, #tpu.memory_space<semaphore_mem>>)
    }
    %scan3A_92 = arith.constant 8 : i32
    %dma_wait3A_93 = arith.constant 15 : i32
    %dma_wait3A_94 = arith.constant 0 : i32
    %dma_wait3A_95 = tpu.memref_slice %arg5[%dma_wait3A_93, %dma_wait3A_94] : memref<16x128xi32, #tpu.memory_space<vmem>> -> memref<1x128xi32, #tpu.memory_space<vmem>>
    %dma_wait3A_96 = tpu.memref_squeeze %dma_wait3A_95 : memref<1x128xi32, #tpu.memory_space<vmem>> -> memref<128xi32, #tpu.memory_space<vmem>>
    %dma_wait3A_97 = arith.constant 0 : i32
    %dma_wait3A_98 = arith.constant 0 : i32
    %dma_wait3A_99 = tpu.memref_slice %arg2[%dma_wait3A_97, %dma_wait3A_98] : memref<10000x128xf32, #tpu.memory_space<hbm>> -> memref<10000x128xf32, #tpu.memory_space<hbm>>
    tpu.wait_indirect_dma semaphore(%arg11 : memref<!tpu.dma_semaphore, #tpu.memory_space<semaphore_mem>>) src(%dma_wait3A_99 : memref<10000x128xf32, #tpu.memory_space<hbm>>) dst(%arg7 : memref<128x128xf32, #tpu.memory_space<vmem>>)
    %dma_wait3A_100 = arith.constant 15 : i32
    %dma_wait3A_101 = arith.constant 0 : i32
    %dma_wait3A_102 = tpu.memref_slice %arg5[%dma_wait3A_100, %dma_wait3A_101] : memref<16x128xi32, #tpu.memory_space<vmem>> -> memref<1x128xi32, #tpu.memory_space<vmem>>
    %dma_wait3A_103 = tpu.memref_squeeze %dma_wait3A_102 : memref<1x128xi32, #tpu.memory_space<vmem>> -> memref<128xi32, #tpu.memory_space<vmem>>
    %dma_wait3A_104 = arith.constant 0 : i32
    %dma_wait3A_105 = arith.constant 0 : i32
    %dma_wait3A_106 = tpu.memref_slice %arg2[%dma_wait3A_104, %dma_wait3A_105] : memref<10000x128xf32, #tpu.memory_space<hbm>> -> memref<10000x128xf32, #tpu.memory_space<hbm>>
    tpu.wait_indirect_dma semaphore(%arg12 : memref<!tpu.dma_semaphore, #tpu.memory_space<semaphore_mem>>) src(%dma_wait3A_106 : memref<10000x128xf32, #tpu.memory_space<hbm>>) dst(%arg8 : memref<128x128xf32, #tpu.memory_space<vmem>>)
    %mul3A_107 = arith.constant 80 : i32
    %mul3A_108 = arith.muli %add3A, %mul3A_107 : i32
    %add3A_109 = arith.constant 32 : i32
    %add3A_110 = arith.addi %mul3A_108, %add3A_109 : i32
    "tpu.region"() ({
      %run_scoped3A = tpu.sem_alloc : memref<!tpu.dma_semaphore, #tpu.memory_space<semaphore_mem>>
      %dma_start3A_244 = arith.constant 0 : i32
      %dma_start3A_245 = tpu.memref_slice %arg3[%add3A_110, %dma_start3A_244] : memref<5120x128xi32, #tpu.memory_space<hbm>> -> memref<16x128xi32, #tpu.memory_space<hbm>>
      %dma_start3A_246 = arith.constant 0 : i32
      %dma_start3A_247 = tpu.memref_slice %arg3[%add3A_110, %dma_start3A_246] : memref<5120x128xi32, #tpu.memory_space<hbm>> -> memref<16x128xi32, #tpu.memory_space<hbm>>
      tpu.enqueue_dma source(%dma_start3A_247 : memref<16x128xi32, #tpu.memory_space<hbm>>) target(%arg5 : memref<16x128xi32, #tpu.memory_space<vmem>>) target_semaphore(%run_scoped3A : memref<!tpu.dma_semaphore, #tpu.memory_space<semaphore_mem>>)
      %dma_wait3A_248 = arith.constant 0 : i32
      %dma_wait3A_249 = tpu.memref_slice %arg3[%add3A_110, %dma_wait3A_248] : memref<5120x128xi32, #tpu.memory_space<hbm>> -> memref<16x128xi32, #tpu.memory_space<hbm>>
      %dma_wait3A_250 = arith.constant 0 : i32
      %dma_wait3A_251 = tpu.memref_slice %arg3[%add3A_110, %dma_wait3A_250] : memref<5120x128xi32, #tpu.memory_space<hbm>> -> memref<16x128xi32, #tpu.memory_space<hbm>>
      tpu.wait_dma2 semaphore(%run_scoped3A : memref<!tpu.dma_semaphore, #tpu.memory_space<semaphore_mem>>) src(%dma_wait3A_251 : memref<16x128xi32, #tpu.memory_space<hbm>>) dst(%arg5 : memref<16x128xi32, #tpu.memory_space<vmem>>)
      tpu.yield
    }) : () -> ()
    %mul3A_111 = arith.constant 80 : i32
    %mul3A_112 = arith.muli %add3A, %mul3A_111 : i32
    %add3A_113 = arith.constant 2560 : i32
    %add3A_114 = arith.addi %add3A_113, %mul3A_112 : i32
    %add3A_115 = arith.constant 32 : i32
    %add3A_116 = arith.addi %add3A_114, %add3A_115 : i32
    "tpu.region"() ({
      %run_scoped3A = tpu.sem_alloc : memref<!tpu.dma_semaphore, #tpu.memory_space<semaphore_mem>>
      %dma_start3A_244 = arith.constant 0 : i32
      %dma_start3A_245 = tpu.memref_slice %arg3[%add3A_116, %dma_start3A_244] : memref<5120x128xi32, #tpu.memory_space<hbm>> -> memref<16x128xi32, #tpu.memory_space<hbm>>
      %dma_start3A_246 = arith.constant 0 : i32
      %dma_start3A_247 = tpu.memref_slice %arg3[%add3A_116, %dma_start3A_246] : memref<5120x128xi32, #tpu.memory_space<hbm>> -> memref<16x128xi32, #tpu.memory_space<hbm>>
      tpu.enqueue_dma source(%dma_start3A_247 : memref<16x128xi32, #tpu.memory_space<hbm>>) target(%arg6 : memref<16x128xi32, #tpu.memory_space<vmem>>) target_semaphore(%run_scoped3A : memref<!tpu.dma_semaphore, #tpu.memory_space<semaphore_mem>>)
      %dma_wait3A_248 = arith.constant 0 : i32
      %dma_wait3A_249 = tpu.memref_slice %arg3[%add3A_116, %dma_wait3A_248] : memref<5120x128xi32, #tpu.memory_space<hbm>> -> memref<16x128xi32, #tpu.memory_space<hbm>>
      %dma_wait3A_250 = arith.constant 0 : i32
      %dma_wait3A_251 = tpu.memref_slice %arg3[%add3A_116, %dma_wait3A_250] : memref<5120x128xi32, #tpu.memory_space<hbm>> -> memref<16x128xi32, #tpu.memory_space<hbm>>
      tpu.wait_dma2 semaphore(%run_scoped3A : memref<!tpu.dma_semaphore, #tpu.memory_space<semaphore_mem>>) src(%dma_wait3A_251 : memref<16x128xi32, #tpu.memory_space<hbm>>) dst(%arg6 : memref<16x128xi32, #tpu.memory_space<vmem>>)
      tpu.yield
    }) : () -> ()
    %dma_start3A_117 = arith.constant 0 : i32
    %dma_start3A_118 = arith.constant 0 : i32
    %dma_start3A_119 = tpu.memref_slice %arg5[%dma_start3A_117, %dma_start3A_118] : memref<16x128xi32, #tpu.memory_space<vmem>> -> memref<1x128xi32, #tpu.memory_space<vmem>>
    %dma_start3A_120 = tpu.memref_squeeze %dma_start3A_119 : memref<1x128xi32, #tpu.memory_space<vmem>> -> memref<128xi32, #tpu.memory_space<vmem>>
    %dma_start3A_121 = arith.constant 0 : i32
    %dma_start3A_122 = arith.constant 0 : i32
    %dma_start3A_123 = tpu.memref_slice %arg2[%dma_start3A_121, %dma_start3A_122] : memref<10000x128xf32, #tpu.memory_space<hbm>> -> memref<10000x128xf32, #tpu.memory_space<hbm>>
    tpu.enqueue_indirect_dma source(%dma_start3A_123 : memref<10000x128xf32, #tpu.memory_space<hbm>>) target(%arg7 : memref<128x128xf32, #tpu.memory_space<vmem>>) offsets(%dma_start3A_120 : memref<128xi32, #tpu.memory_space<vmem>>) semaphore(%arg11 : memref<!tpu.dma_semaphore, #tpu.memory_space<semaphore_mem>>)
    %dma_start3A_124 = arith.constant 1 : i32
    %dma_start3A_125 = arith.constant 0 : i32
    %dma_start3A_126 = tpu.memref_slice %arg5[%dma_start3A_124, %dma_start3A_125] : memref<16x128xi32, #tpu.memory_space<vmem>> -> memref<1x128xi32, #tpu.memory_space<vmem>>
    %dma_start3A_127 = tpu.memref_squeeze %dma_start3A_126 : memref<1x128xi32, #tpu.memory_space<vmem>> -> memref<128xi32, #tpu.memory_space<vmem>>
    %dma_start3A_128 = arith.constant 0 : i32
    %dma_start3A_129 = arith.constant 0 : i32
    %dma_start3A_130 = tpu.memref_slice %arg2[%dma_start3A_128, %dma_start3A_129] : memref<10000x128xf32, #tpu.memory_space<hbm>> -> memref<10000x128xf32, #tpu.memory_space<hbm>>
    tpu.enqueue_indirect_dma source(%dma_start3A_130 : memref<10000x128xf32, #tpu.memory_space<hbm>>) target(%arg8 : memref<128x128xf32, #tpu.memory_space<vmem>>) offsets(%dma_start3A_127 : memref<128xi32, #tpu.memory_space<vmem>>) semaphore(%arg12 : memref<!tpu.dma_semaphore, #tpu.memory_space<semaphore_mem>>)
    %scan3A_131 = arith.constant 0 : i32
    %scan3A_132 = arith.constant 8 : i32
    %scan3A_133 = arith.addi %scan3A_131, %scan3A_132 : i32
    %scan3A_134 = arith.constant 1 : i32
    scf.for %scan3A_244 = %scan3A_131 to %scan3A_133 step %scan3A_134  : i32 {
      %mul3A_245 = arith.constant 1 : i32
      %mul3A_246 = arith.muli %scan3A_244, %mul3A_245 : i32
      %add3A_247 = arith.constant 0 : i32
      %add3A_248 = arith.addi %add3A_247, %mul3A_246 : i32
      %mul3A_249 = arith.constant 2 : i32
      %mul3A_250 = arith.muli %add3A_248, %mul3A_249 : i32
      %add3A_251 = arith.constant 0 : i32
      %add3A_252 = arith.addi %mul3A_250, %add3A_251 : i32
      %dma_wait3A_253 = arith.constant 0 : i32
      %dma_wait3A_254 = tpu.memref_slice %arg5[%add3A_252, %dma_wait3A_253] : memref<16x128xi32, #tpu.memory_space<vmem>> -> memref<1x128xi32, #tpu.memory_space<vmem>>
      %dma_wait3A_255 = tpu.memref_squeeze %dma_wait3A_254 : memref<1x128xi32, #tpu.memory_space<vmem>> -> memref<128xi32, #tpu.memory_space<vmem>>
      %dma_wait3A_256 = arith.constant 0 : i32
      %dma_wait3A_257 = arith.constant 0 : i32
      %dma_wait3A_258 = tpu.memref_slice %arg2[%dma_wait3A_256, %dma_wait3A_257] : memref<10000x128xf32, #tpu.memory_space<hbm>> -> memref<10000x128xf32, #tpu.memory_space<hbm>>
      tpu.wait_indirect_dma semaphore(%arg11 : memref<!tpu.dma_semaphore, #tpu.memory_space<semaphore_mem>>) src(%dma_wait3A_258 : memref<10000x128xf32, #tpu.memory_space<hbm>>) dst(%arg7 : memref<128x128xf32, #tpu.memory_space<vmem>>)
      %dma_start3A_259 = arith.constant 0 : i32
      %dma_start3A_260 = tpu.memref_slice %arg6[%add3A_252, %dma_start3A_259] : memref<16x128xi32, #tpu.memory_space<vmem>> -> memref<1x128xi32, #tpu.memory_space<vmem>>
      %dma_start3A_261 = tpu.memref_squeeze %dma_start3A_260 : memref<1x128xi32, #tpu.memory_space<vmem>> -> memref<128xi32, #tpu.memory_space<vmem>>
      %dma_start3A_262 = arith.constant 0 : i32
      %dma_start3A_263 = arith.constant 0 : i32
      %dma_start3A_264 = tpu.memref_slice %arg10[%dma_start3A_262, %dma_start3A_263] : memref<10240x128xf32, #tpu.memory_space<vmem_shared>> -> memref<10240x128xf32, #tpu.memory_space<vmem_shared>>
      tpu.enqueue_indirect_dma source(%arg7 : memref<128x128xf32, #tpu.memory_space<vmem>>) target(%dma_start3A_264 : memref<10240x128xf32, #tpu.memory_space<vmem_shared>>) offsets(%dma_start3A_261 : memref<128xi32, #tpu.memory_space<vmem>>) semaphore(%arg13 : memref<!tpu.dma_semaphore, #tpu.memory_space<semaphore_mem>>) {add = true}
      %get3A = arith.index_cast %add3A_252 : i32 to index
      %get3A_265 = arith.constant 0 : index
      %get3A_266 = tpu.vector_load %arg6[%get3A, %get3A_265] {strides = array<i32>} : memref<16x128xi32, #tpu.memory_space<vmem>>, vector<16xi32>,
      %broadcast_in_dim3A_267 = arith.constant true
      %broadcast_in_dim3A_268 = vector.broadcast %broadcast_in_dim3A_267 : i1 to vector<16xi1>
      %unique3A, %unique3A_269 = tpu.scan_count mask(%broadcast_in_dim3A_268 : vector<16xi1>) value(%get3A_266 : vector<16xi32>) : vector<16xi1>, vector<16xi32>
      %shift_right_logical3A = arith.constant 7 : i32
      %shift_right_logical3A_270 = vector.broadcast %shift_right_logical3A : i32 to vector<16xi32>
      %shift_right_logical3A_271 = arith.shrui %get3A_266, %shift_right_logical3A_270 : vector<16xi32>
      %and3A = arith.constant 127 : i32
      %and3A_272 = vector.broadcast %and3A : i32 to vector<16xi32>
      %and3A_273 = arith.andi %get3A_266, %and3A_272 : vector<16xi32>
      %convert_element_type3A = arith.sitofp %unique3A_269 : vector<16xi32> to vector<16xf32>
      tpu.vector_store_idx %arg9[%shift_right_logical3A_271, %and3A_273], %convert_element_type3A masked %unique3A {add = true} : memref<80x128xf32, #tpu.memory_space<vmem>>[vector<16xi32>, vector<16xi32>], vector<16xf32>, vector<16xi1>
      %get3A_274 = arith.index_cast %add3A_252 : i32 to index
      %get3A_275 = arith.constant 16 : index
      %get3A_276 = tpu.vector_load %arg6[%get3A_274, %get3A_275] {strides = array<i32>} : memref<16x128xi32, #tpu.memory_space<vmem>>, vector<16xi32>,
      %broadcast_in_dim3A_277 = arith.constant true
      %broadcast_in_dim3A_278 = vector.broadcast %broadcast_in_dim3A_277 : i1 to vector<16xi1>
      %unique3A_279, %unique3A_280 = tpu.scan_count mask(%broadcast_in_dim3A_278 : vector<16xi1>) value(%get3A_276 : vector<16xi32>) : vector<16xi1>, vector<16xi32>
      %shift_right_logical3A_281 = arith.constant 7 : i32
      %shift_right_logical3A_282 = vector.broadcast %shift_right_logical3A_281 : i32 to vector<16xi32>
      %shift_right_logical3A_283 = arith.shrui %get3A_276, %shift_right_logical3A_282 : vector<16xi32>
      %and3A_284 = arith.constant 127 : i32
      %and3A_285 = vector.broadcast %and3A_284 : i32 to vector<16xi32>
      %and3A_286 = arith.andi %get3A_276, %and3A_285 : vector<16xi32>
      %convert_element_type3A_287 = arith.sitofp %unique3A_280 : vector<16xi32> to vector<16xf32>
      tpu.vector_store_idx %arg9[%shift_right_logical3A_283, %and3A_286], %convert_element_type3A_287 masked %unique3A_279 {add = true} : memref<80x128xf32, #tpu.memory_space<vmem>>[vector<16xi32>, vector<16xi32>], vector<16xf32>, vector<16xi1>
      %get3A_288 = arith.index_cast %add3A_252 : i32 to index
      %get3A_289 = arith.constant 32 : index
      %get3A_290 = tpu.vector_load %arg6[%get3A_288, %get3A_289] {strides = array<i32>} : memref<16x128xi32, #tpu.memory_space<vmem>>, vector<16xi32>,
      %broadcast_in_dim3A_291 = arith.constant true
      %broadcast_in_dim3A_292 = vector.broadcast %broadcast_in_dim3A_291 : i1 to vector<16xi1>
      %unique3A_293, %unique3A_294 = tpu.scan_count mask(%broadcast_in_dim3A_292 : vector<16xi1>) value(%get3A_290 : vector<16xi32>) : vector<16xi1>, vector<16xi32>
      %shift_right_logical3A_295 = arith.constant 7 : i32
      %shift_right_logical3A_296 = vector.broadcast %shift_right_logical3A_295 : i32 to vector<16xi32>
      %shift_right_logical3A_297 = arith.shrui %get3A_290, %shift_right_logical3A_296 : vector<16xi32>
      %and3A_298 = arith.constant 127 : i32
      %and3A_299 = vector.broadcast %and3A_298 : i32 to vector<16xi32>
      %and3A_300 = arith.andi %get3A_290, %and3A_299 : vector<16xi32>
      %convert_element_type3A_301 = arith.sitofp %unique3A_294 : vector<16xi32> to vector<16xf32>
      tpu.vector_store_idx %arg9[%shift_right_logical3A_297, %and3A_300], %convert_element_type3A_301 masked %unique3A_293 {add = true} : memref<80x128xf32, #tpu.memory_space<vmem>>[vector<16xi32>, vector<16xi32>], vector<16xf32>, vector<16xi1>
      %get3A_302 = arith.index_cast %add3A_252 : i32 to index
      %get3A_303 = arith.constant 48 : index
      %get3A_304 = tpu.vector_load %arg6[%get3A_302, %get3A_303] {strides = array<i32>} : memref<16x128xi32, #tpu.memory_space<vmem>>, vector<16xi32>,
      %broadcast_in_dim3A_305 = arith.constant true
      %broadcast_in_dim3A_306 = vector.broadcast %broadcast_in_dim3A_305 : i1 to vector<16xi1>
      %unique3A_307, %unique3A_308 = tpu.scan_count mask(%broadcast_in_dim3A_306 : vector<16xi1>) value(%get3A_304 : vector<16xi32>) : vector<16xi1>, vector<16xi32>
      %shift_right_logical3A_309 = arith.constant 7 : i32
      %shift_right_logical3A_310 = vector.broadcast %shift_right_logical3A_309 : i32 to vector<16xi32>
      %shift_right_logical3A_311 = arith.shrui %get3A_304, %shift_right_logical3A_310 : vector<16xi32>
      %and3A_312 = arith.constant 127 : i32
      %and3A_313 = vector.broadcast %and3A_312 : i32 to vector<16xi32>
      %and3A_314 = arith.andi %get3A_304, %and3A_313 : vector<16xi32>
      %convert_element_type3A_315 = arith.sitofp %unique3A_308 : vector<16xi32> to vector<16xf32>
      tpu.vector_store_idx %arg9[%shift_right_logical3A_311, %and3A_314], %convert_element_type3A_315 masked %unique3A_307 {add = true} : memref<80x128xf32, #tpu.memory_space<vmem>>[vector<16xi32>, vector<16xi32>], vector<16xf32>, vector<16xi1>
      %get3A_316 = arith.index_cast %add3A_252 : i32 to index
      %get3A_317 = arith.constant 64 : index
      %get3A_318 = tpu.vector_load %arg6[%get3A_316, %get3A_317] {strides = array<i32>} : memref<16x128xi32, #tpu.memory_space<vmem>>, vector<16xi32>,
      %broadcast_in_dim3A_319 = arith.constant true
      %broadcast_in_dim3A_320 = vector.broadcast %broadcast_in_dim3A_319 : i1 to vector<16xi1>
      %unique3A_321, %unique3A_322 = tpu.scan_count mask(%broadcast_in_dim3A_320 : vector<16xi1>) value(%get3A_318 : vector<16xi32>) : vector<16xi1>, vector<16xi32>
      %shift_right_logical3A_323 = arith.constant 7 : i32
      %shift_right_logical3A_324 = vector.broadcast %shift_right_logical3A_323 : i32 to vector<16xi32>
      %shift_right_logical3A_325 = arith.shrui %get3A_318, %shift_right_logical3A_324 : vector<16xi32>
      %and3A_326 = arith.constant 127 : i32
      %and3A_327 = vector.broadcast %and3A_326 : i32 to vector<16xi32>
      %and3A_328 = arith.andi %get3A_318, %and3A_327 : vector<16xi32>
      %convert_element_type3A_329 = arith.sitofp %unique3A_322 : vector<16xi32> to vector<16xf32>
      tpu.vector_store_idx %arg9[%shift_right_logical3A_325, %and3A_328], %convert_element_type3A_329 masked %unique3A_321 {add = true} : memref<80x128xf32, #tpu.memory_space<vmem>>[vector<16xi32>, vector<16xi32>], vector<16xf32>, vector<16xi1>
      %get3A_330 = arith.index_cast %add3A_252 : i32 to index
      %get3A_331 = arith.constant 80 : index
      %get3A_332 = tpu.vector_load %arg6[%get3A_330, %get3A_331] {strides = array<i32>} : memref<16x128xi32, #tpu.memory_space<vmem>>, vector<16xi32>,
      %broadcast_in_dim3A_333 = arith.constant true
      %broadcast_in_dim3A_334 = vector.broadcast %broadcast_in_dim3A_333 : i1 to vector<16xi1>
      %unique3A_335, %unique3A_336 = tpu.scan_count mask(%broadcast_in_dim3A_334 : vector<16xi1>) value(%get3A_332 : vector<16xi32>) : vector<16xi1>, vector<16xi32>
      %shift_right_logical3A_337 = arith.constant 7 : i32
      %shift_right_logical3A_338 = vector.broadcast %shift_right_logical3A_337 : i32 to vector<16xi32>
      %shift_right_logical3A_339 = arith.shrui %get3A_332, %shift_right_logical3A_338 : vector<16xi32>
      %and3A_340 = arith.constant 127 : i32
      %and3A_341 = vector.broadcast %and3A_340 : i32 to vector<16xi32>
      %and3A_342 = arith.andi %get3A_332, %and3A_341 : vector<16xi32>
      %convert_element_type3A_343 = arith.sitofp %unique3A_336 : vector<16xi32> to vector<16xf32>
      tpu.vector_store_idx %arg9[%shift_right_logical3A_339, %and3A_342], %convert_element_type3A_343 masked %unique3A_335 {add = true} : memref<80x128xf32, #tpu.memory_space<vmem>>[vector<16xi32>, vector<16xi32>], vector<16xf32>, vector<16xi1>
      %get3A_344 = arith.index_cast %add3A_252 : i32 to index
      %get3A_345 = arith.constant 96 : index
      %get3A_346 = tpu.vector_load %arg6[%get3A_344, %get3A_345] {strides = array<i32>} : memref<16x128xi32, #tpu.memory_space<vmem>>, vector<16xi32>,
      %broadcast_in_dim3A_347 = arith.constant true
      %broadcast_in_dim3A_348 = vector.broadcast %broadcast_in_dim3A_347 : i1 to vector<16xi1>
      %unique3A_349, %unique3A_350 = tpu.scan_count mask(%broadcast_in_dim3A_348 : vector<16xi1>) value(%get3A_346 : vector<16xi32>) : vector<16xi1>, vector<16xi32>
      %shift_right_logical3A_351 = arith.constant 7 : i32
      %shift_right_logical3A_352 = vector.broadcast %shift_right_logical3A_351 : i32 to vector<16xi32>
      %shift_right_logical3A_353 = arith.shrui %get3A_346, %shift_right_logical3A_352 : vector<16xi32>
      %and3A_354 = arith.constant 127 : i32
      %and3A_355 = vector.broadcast %and3A_354 : i32 to vector<16xi32>
      %and3A_356 = arith.andi %get3A_346, %and3A_355 : vector<16xi32>
      %convert_element_type3A_357 = arith.sitofp %unique3A_350 : vector<16xi32> to vector<16xf32>
      tpu.vector_store_idx %arg9[%shift_right_logical3A_353, %and3A_356], %convert_element_type3A_357 masked %unique3A_349 {add = true} : memref<80x128xf32, #tpu.memory_space<vmem>>[vector<16xi32>, vector<16xi32>], vector<16xf32>, vector<16xi1>
      %get3A_358 = arith.index_cast %add3A_252 : i32 to index
      %get3A_359 = arith.constant 112 : index
      %get3A_360 = tpu.vector_load %arg6[%get3A_358, %get3A_359] {strides = array<i32>} : memref<16x128xi32, #tpu.memory_space<vmem>>, vector<16xi32>,
      %broadcast_in_dim3A_361 = arith.constant true
      %broadcast_in_dim3A_362 = vector.broadcast %broadcast_in_dim3A_361 : i1 to vector<16xi1>
      %unique3A_363, %unique3A_364 = tpu.scan_count mask(%broadcast_in_dim3A_362 : vector<16xi1>) value(%get3A_360 : vector<16xi32>) : vector<16xi1>, vector<16xi32>
      %shift_right_logical3A_365 = arith.constant 7 : i32
      %shift_right_logical3A_366 = vector.broadcast %shift_right_logical3A_365 : i32 to vector<16xi32>
      %shift_right_logical3A_367 = arith.shrui %get3A_360, %shift_right_logical3A_366 : vector<16xi32>
      %and3A_368 = arith.constant 127 : i32
      %and3A_369 = vector.broadcast %and3A_368 : i32 to vector<16xi32>
      %and3A_370 = arith.andi %get3A_360, %and3A_369 : vector<16xi32>
      %convert_element_type3A_371 = arith.sitofp %unique3A_364 : vector<16xi32> to vector<16xf32>
      tpu.vector_store_idx %arg9[%shift_right_logical3A_367, %and3A_370], %convert_element_type3A_371 masked %unique3A_363 {add = true} : memref<80x128xf32, #tpu.memory_space<vmem>>[vector<16xi32>, vector<16xi32>], vector<16xf32>, vector<16xi1>
      %dma_wait3A_372 = arith.constant 0 : i32
      %dma_wait3A_373 = tpu.memref_slice %arg6[%add3A_252, %dma_wait3A_372] : memref<16x128xi32, #tpu.memory_space<vmem>> -> memref<1x128xi32, #tpu.memory_space<vmem>>
      %dma_wait3A_374 = tpu.memref_squeeze %dma_wait3A_373 : memref<1x128xi32, #tpu.memory_space<vmem>> -> memref<128xi32, #tpu.memory_space<vmem>>
      %dma_wait3A_375 = arith.constant 0 : i32
      %dma_wait3A_376 = arith.constant 0 : i32
      %dma_wait3A_377 = tpu.memref_slice %arg10[%dma_wait3A_375, %dma_wait3A_376] : memref<10240x128xf32, #tpu.memory_space<vmem_shared>> -> memref<10240x128xf32, #tpu.memory_space<vmem_shared>>
      tpu.wait_indirect_dma semaphore(%arg13 : memref<!tpu.dma_semaphore, #tpu.memory_space<semaphore_mem>>) src(%arg7 : memref<128x128xf32, #tpu.memory_space<vmem>>) dst(%dma_wait3A_377 : memref<10240x128xf32, #tpu.memory_space<vmem_shared>>)
      %add3A_378 = arith.constant 2 : i32
      %add3A_379 = arith.addi %add3A_252, %add3A_378 : i32
      %min3A = arith.constant 15 : i32
      %min3A_380 = arith.minsi %add3A_379, %min3A : i32
      %dma_start3A_381 = arith.constant 0 : i32
      %dma_start3A_382 = tpu.memref_slice %arg5[%min3A_380, %dma_start3A_381] : memref<16x128xi32, #tpu.memory_space<vmem>> -> memref<1x128xi32, #tpu.memory_space<vmem>>
      %dma_start3A_383 = tpu.memref_squeeze %dma_start3A_382 : memref<1x128xi32, #tpu.memory_space<vmem>> -> memref<128xi32, #tpu.memory_space<vmem>>
      %dma_start3A_384 = arith.constant 0 : i32
      %dma_start3A_385 = arith.constant 0 : i32
      %dma_start3A_386 = tpu.memref_slice %arg2[%dma_start3A_384, %dma_start3A_385] : memref<10000x128xf32, #tpu.memory_space<hbm>> -> memref<10000x128xf32, #tpu.memory_space<hbm>>
      tpu.enqueue_indirect_dma source(%dma_start3A_386 : memref<10000x128xf32, #tpu.memory_space<hbm>>) target(%arg7 : memref<128x128xf32, #tpu.memory_space<vmem>>) offsets(%dma_start3A_383 : memref<128xi32, #tpu.memory_space<vmem>>) semaphore(%arg11 : memref<!tpu.dma_semaphore, #tpu.memory_space<semaphore_mem>>)
      %add3A_387 = arith.constant 1 : i32
      %add3A_388 = arith.addi %mul3A_250, %add3A_387 : i32
      %dma_wait3A_389 = arith.constant 0 : i32
      %dma_wait3A_390 = tpu.memref_slice %arg5[%add3A_388, %dma_wait3A_389] : memref<16x128xi32, #tpu.memory_space<vmem>> -> memref<1x128xi32, #tpu.memory_space<vmem>>
      %dma_wait3A_391 = tpu.memref_squeeze %dma_wait3A_390 : memref<1x128xi32, #tpu.memory_space<vmem>> -> memref<128xi32, #tpu.memory_space<vmem>>
      %dma_wait3A_392 = arith.constant 0 : i32
      %dma_wait3A_393 = arith.constant 0 : i32
      %dma_wait3A_394 = tpu.memref_slice %arg2[%dma_wait3A_392, %dma_wait3A_393] : memref<10000x128xf32, #tpu.memory_space<hbm>> -> memref<10000x128xf32, #tpu.memory_space<hbm>>
      tpu.wait_indirect_dma semaphore(%arg12 : memref<!tpu.dma_semaphore, #tpu.memory_space<semaphore_mem>>) src(%dma_wait3A_394 : memref<10000x128xf32, #tpu.memory_space<hbm>>) dst(%arg8 : memref<128x128xf32, #tpu.memory_space<vmem>>)
      %dma_start3A_395 = arith.constant 0 : i32
      %dma_start3A_396 = tpu.memref_slice %arg6[%add3A_388, %dma_start3A_395] : memref<16x128xi32, #tpu.memory_space<vmem>> -> memref<1x128xi32, #tpu.memory_space<vmem>>
      %dma_start3A_397 = tpu.memref_squeeze %dma_start3A_396 : memref<1x128xi32, #tpu.memory_space<vmem>> -> memref<128xi32, #tpu.memory_space<vmem>>
      %dma_start3A_398 = arith.constant 0 : i32
      %dma_start3A_399 = arith.constant 0 : i32
      %dma_start3A_400 = tpu.memref_slice %arg10[%dma_start3A_398, %dma_start3A_399] : memref<10240x128xf32, #tpu.memory_space<vmem_shared>> -> memref<10240x128xf32, #tpu.memory_space<vmem_shared>>
      tpu.enqueue_indirect_dma source(%arg8 : memref<128x128xf32, #tpu.memory_space<vmem>>) target(%dma_start3A_400 : memref<10240x128xf32, #tpu.memory_space<vmem_shared>>) offsets(%dma_start3A_397 : memref<128xi32, #tpu.memory_space<vmem>>) semaphore(%arg14 : memref<!tpu.dma_semaphore, #tpu.memory_space<semaphore_mem>>) {add = true}
      %get3A_401 = arith.index_cast %add3A_388 : i32 to index
      %get3A_402 = arith.constant 0 : index
      %get3A_403 = tpu.vector_load %arg6[%get3A_401, %get3A_402] {strides = array<i32>} : memref<16x128xi32, #tpu.memory_space<vmem>>, vector<16xi32>,
      %broadcast_in_dim3A_404 = arith.constant true
      %broadcast_in_dim3A_405 = vector.broadcast %broadcast_in_dim3A_404 : i1 to vector<16xi1>
      %unique3A_406, %unique3A_407 = tpu.scan_count mask(%broadcast_in_dim3A_405 : vector<16xi1>) value(%get3A_403 : vector<16xi32>) : vector<16xi1>, vector<16xi32>
      %shift_right_logical3A_408 = arith.constant 7 : i32
      %shift_right_logical3A_409 = vector.broadcast %shift_right_logical3A_408 : i32 to vector<16xi32>
      %shift_right_logical3A_410 = arith.shrui %get3A_403, %shift_right_logical3A_409 : vector<16xi32>
      %and3A_411 = arith.constant 127 : i32
      %and3A_412 = vector.broadcast %and3A_411 : i32 to vector<16xi32>
      %and3A_413 = arith.andi %get3A_403, %and3A_412 : vector<16xi32>
      %convert_element_type3A_414 = arith.sitofp %unique3A_407 : vector<16xi32> to vector<16xf32>
      tpu.vector_store_idx %arg9[%shift_right_logical3A_410, %and3A_413], %convert_element_type3A_414 masked %unique3A_406 {add = true} : memref<80x128xf32, #tpu.memory_space<vmem>>[vector<16xi32>, vector<16xi32>], vector<16xf32>, vector<16xi1>
      %get3A_415 = arith.index_cast %add3A_388 : i32 to index
      %get3A_416 = arith.constant 16 : index
      %get3A_417 = tpu.vector_load %arg6[%get3A_415, %get3A_416] {strides = array<i32>} : memref<16x128xi32, #tpu.memory_space<vmem>>, vector<16xi32>,
      %broadcast_in_dim3A_418 = arith.constant true
      %broadcast_in_dim3A_419 = vector.broadcast %broadcast_in_dim3A_418 : i1 to vector<16xi1>
      %unique3A_420, %unique3A_421 = tpu.scan_count mask(%broadcast_in_dim3A_419 : vector<16xi1>) value(%get3A_417 : vector<16xi32>) : vector<16xi1>, vector<16xi32>
      %shift_right_logical3A_422 = arith.constant 7 : i32
      %shift_right_logical3A_423 = vector.broadcast %shift_right_logical3A_422 : i32 to vector<16xi32>
      %shift_right_logical3A_424 = arith.shrui %get3A_417, %shift_right_logical3A_423 : vector<16xi32>
      %and3A_425 = arith.constant 127 : i32
      %and3A_426 = vector.broadcast %and3A_425 : i32 to vector<16xi32>
      %and3A_427 = arith.andi %get3A_417, %and3A_426 : vector<16xi32>
      %convert_element_type3A_428 = arith.sitofp %unique3A_421 : vector<16xi32> to vector<16xf32>
      tpu.vector_store_idx %arg9[%shift_right_logical3A_424, %and3A_427], %convert_element_type3A_428 masked %unique3A_420 {add = true} : memref<80x128xf32, #tpu.memory_space<vmem>>[vector<16xi32>, vector<16xi32>], vector<16xf32>, vector<16xi1>
      %get3A_429 = arith.index_cast %add3A_388 : i32 to index
      %get3A_430 = arith.constant 32 : index
      %get3A_431 = tpu.vector_load %arg6[%get3A_429, %get3A_430] {strides = array<i32>} : memref<16x128xi32, #tpu.memory_space<vmem>>, vector<16xi32>,
      %broadcast_in_dim3A_432 = arith.constant true
      %broadcast_in_dim3A_433 = vector.broadcast %broadcast_in_dim3A_432 : i1 to vector<16xi1>
      %unique3A_434, %unique3A_435 = tpu.scan_count mask(%broadcast_in_dim3A_433 : vector<16xi1>) value(%get3A_431 : vector<16xi32>) : vector<16xi1>, vector<16xi32>
      %shift_right_logical3A_436 = arith.constant 7 : i32
      %shift_right_logical3A_437 = vector.broadcast %shift_right_logical3A_436 : i32 to vector<16xi32>
      %shift_right_logical3A_438 = arith.shrui %get3A_431, %shift_right_logical3A_437 : vector<16xi32>
      %and3A_439 = arith.constant 127 : i32
      %and3A_440 = vector.broadcast %and3A_439 : i32 to vector<16xi32>
      %and3A_441 = arith.andi %get3A_431, %and3A_440 : vector<16xi32>
      %convert_element_type3A_442 = arith.sitofp %unique3A_435 : vector<16xi32> to vector<16xf32>
      tpu.vector_store_idx %arg9[%shift_right_logical3A_438, %and3A_441], %convert_element_type3A_442 masked %unique3A_434 {add = true} : memref<80x128xf32, #tpu.memory_space<vmem>>[vector<16xi32>, vector<16xi32>], vector<16xf32>, vector<16xi1>
      %get3A_443 = arith.index_cast %add3A_388 : i32 to index
      %get3A_444 = arith.constant 48 : index
      %get3A_445 = tpu.vector_load %arg6[%get3A_443, %get3A_444] {strides = array<i32>} : memref<16x128xi32, #tpu.memory_space<vmem>>, vector<16xi32>,
      %broadcast_in_dim3A_446 = arith.constant true
      %broadcast_in_dim3A_447 = vector.broadcast %broadcast_in_dim3A_446 : i1 to vector<16xi1>
      %unique3A_448, %unique3A_449 = tpu.scan_count mask(%broadcast_in_dim3A_447 : vector<16xi1>) value(%get3A_445 : vector<16xi32>) : vector<16xi1>, vector<16xi32>
      %shift_right_logical3A_450 = arith.constant 7 : i32
      %shift_right_logical3A_451 = vector.broadcast %shift_right_logical3A_450 : i32 to vector<16xi32>
      %shift_right_logical3A_452 = arith.shrui %get3A_445, %shift_right_logical3A_451 : vector<16xi32>
      %and3A_453 = arith.constant 127 : i32
      %and3A_454 = vector.broadcast %and3A_453 : i32 to vector<16xi32>
      %and3A_455 = arith.andi %get3A_445, %and3A_454 : vector<16xi32>
      %convert_element_type3A_456 = arith.sitofp %unique3A_449 : vector<16xi32> to vector<16xf32>
      tpu.vector_store_idx %arg9[%shift_right_logical3A_452, %and3A_455], %convert_element_type3A_456 masked %unique3A_448 {add = true} : memref<80x128xf32, #tpu.memory_space<vmem>>[vector<16xi32>, vector<16xi32>], vector<16xf32>, vector<16xi1>
      %get3A_457 = arith.index_cast %add3A_388 : i32 to index
      %get3A_458 = arith.constant 64 : index
      %get3A_459 = tpu.vector_load %arg6[%get3A_457, %get3A_458] {strides = array<i32>} : memref<16x128xi32, #tpu.memory_space<vmem>>, vector<16xi32>,
      %broadcast_in_dim3A_460 = arith.constant true
      %broadcast_in_dim3A_461 = vector.broadcast %broadcast_in_dim3A_460 : i1 to vector<16xi1>
      %unique3A_462, %unique3A_463 = tpu.scan_count mask(%broadcast_in_dim3A_461 : vector<16xi1>) value(%get3A_459 : vector<16xi32>) : vector<16xi1>, vector<16xi32>
      %shift_right_logical3A_464 = arith.constant 7 : i32
      %shift_right_logical3A_465 = vector.broadcast %shift_right_logical3A_464 : i32 to vector<16xi32>
      %shift_right_logical3A_466 = arith.shrui %get3A_459, %shift_right_logical3A_465 : vector<16xi32>
      %and3A_467 = arith.constant 127 : i32
      %and3A_468 = vector.broadcast %and3A_467 : i32 to vector<16xi32>
      %and3A_469 = arith.andi %get3A_459, %and3A_468 : vector<16xi32>
      %convert_element_type3A_470 = arith.sitofp %unique3A_463 : vector<16xi32> to vector<16xf32>
      tpu.vector_store_idx %arg9[%shift_right_logical3A_466, %and3A_469], %convert_element_type3A_470 masked %unique3A_462 {add = true} : memref<80x128xf32, #tpu.memory_space<vmem>>[vector<16xi32>, vector<16xi32>], vector<16xf32>, vector<16xi1>
      %get3A_471 = arith.index_cast %add3A_388 : i32 to index
      %get3A_472 = arith.constant 80 : index
      %get3A_473 = tpu.vector_load %arg6[%get3A_471, %get3A_472] {strides = array<i32>} : memref<16x128xi32, #tpu.memory_space<vmem>>, vector<16xi32>,
      %broadcast_in_dim3A_474 = arith.constant true
      %broadcast_in_dim3A_475 = vector.broadcast %broadcast_in_dim3A_474 : i1 to vector<16xi1>
      %unique3A_476, %unique3A_477 = tpu.scan_count mask(%broadcast_in_dim3A_475 : vector<16xi1>) value(%get3A_473 : vector<16xi32>) : vector<16xi1>, vector<16xi32>
      %shift_right_logical3A_478 = arith.constant 7 : i32
      %shift_right_logical3A_479 = vector.broadcast %shift_right_logical3A_478 : i32 to vector<16xi32>
      %shift_right_logical3A_480 = arith.shrui %get3A_473, %shift_right_logical3A_479 : vector<16xi32>
      %and3A_481 = arith.constant 127 : i32
      %and3A_482 = vector.broadcast %and3A_481 : i32 to vector<16xi32>
      %and3A_483 = arith.andi %get3A_473, %and3A_482 : vector<16xi32>
      %convert_element_type3A_484 = arith.sitofp %unique3A_477 : vector<16xi32> to vector<16xf32>
      tpu.vector_store_idx %arg9[%shift_right_logical3A_480, %and3A_483], %convert_element_type3A_484 masked %unique3A_476 {add = true} : memref<80x128xf32, #tpu.memory_space<vmem>>[vector<16xi32>, vector<16xi32>], vector<16xf32>, vector<16xi1>
      %get3A_485 = arith.index_cast %add3A_388 : i32 to index
      %get3A_486 = arith.constant 96 : index
      %get3A_487 = tpu.vector_load %arg6[%get3A_485, %get3A_486] {strides = array<i32>} : memref<16x128xi32, #tpu.memory_space<vmem>>, vector<16xi32>,
      %broadcast_in_dim3A_488 = arith.constant true
      %broadcast_in_dim3A_489 = vector.broadcast %broadcast_in_dim3A_488 : i1 to vector<16xi1>
      %unique3A_490, %unique3A_491 = tpu.scan_count mask(%broadcast_in_dim3A_489 : vector<16xi1>) value(%get3A_487 : vector<16xi32>) : vector<16xi1>, vector<16xi32>
      %shift_right_logical3A_492 = arith.constant 7 : i32
      %shift_right_logical3A_493 = vector.broadcast %shift_right_logical3A_492 : i32 to vector<16xi32>
      %shift_right_logical3A_494 = arith.shrui %get3A_487, %shift_right_logical3A_493 : vector<16xi32>
      %and3A_495 = arith.constant 127 : i32
      %and3A_496 = vector.broadcast %and3A_495 : i32 to vector<16xi32>
      %and3A_497 = arith.andi %get3A_487, %and3A_496 : vector<16xi32>
      %convert_element_type3A_498 = arith.sitofp %unique3A_491 : vector<16xi32> to vector<16xf32>
      tpu.vector_store_idx %arg9[%shift_right_logical3A_494, %and3A_497], %convert_element_type3A_498 masked %unique3A_490 {add = true} : memref<80x128xf32, #tpu.memory_space<vmem>>[vector<16xi32>, vector<16xi32>], vector<16xf32>, vector<16xi1>
      %get3A_499 = arith.index_cast %add3A_388 : i32 to index
      %get3A_500 = arith.constant 112 : index
      %get3A_501 = tpu.vector_load %arg6[%get3A_499, %get3A_500] {strides = array<i32>} : memref<16x128xi32, #tpu.memory_space<vmem>>, vector<16xi32>,
      %broadcast_in_dim3A_502 = arith.constant true
      %broadcast_in_dim3A_503 = vector.broadcast %broadcast_in_dim3A_502 : i1 to vector<16xi1>
      %unique3A_504, %unique3A_505 = tpu.scan_count mask(%broadcast_in_dim3A_503 : vector<16xi1>) value(%get3A_501 : vector<16xi32>) : vector<16xi1>, vector<16xi32>
      %shift_right_logical3A_506 = arith.constant 7 : i32
      %shift_right_logical3A_507 = vector.broadcast %shift_right_logical3A_506 : i32 to vector<16xi32>
      %shift_right_logical3A_508 = arith.shrui %get3A_501, %shift_right_logical3A_507 : vector<16xi32>
      %and3A_509 = arith.constant 127 : i32
      %and3A_510 = vector.broadcast %and3A_509 : i32 to vector<16xi32>
      %and3A_511 = arith.andi %get3A_501, %and3A_510 : vector<16xi32>
      %convert_element_type3A_512 = arith.sitofp %unique3A_505 : vector<16xi32> to vector<16xf32>
      tpu.vector_store_idx %arg9[%shift_right_logical3A_508, %and3A_511], %convert_element_type3A_512 masked %unique3A_504 {add = true} : memref<80x128xf32, #tpu.memory_space<vmem>>[vector<16xi32>, vector<16xi32>], vector<16xf32>, vector<16xi1>
      %dma_wait3A_513 = arith.constant 0 : i32
      %dma_wait3A_514 = tpu.memref_slice %arg6[%add3A_388, %dma_wait3A_513] : memref<16x128xi32, #tpu.memory_space<vmem>> -> memref<1x128xi32, #tpu.memory_space<vmem>>
      %dma_wait3A_515 = tpu.memref_squeeze %dma_wait3A_514 : memref<1x128xi32, #tpu.memory_space<vmem>> -> memref<128xi32, #tpu.memory_space<vmem>>
      %dma_wait3A_516 = arith.constant 0 : i32
      %dma_wait3A_517 = arith.constant 0 : i32
      %dma_wait3A_518 = tpu.memref_slice %arg10[%dma_wait3A_516, %dma_wait3A_517] : memref<10240x128xf32, #tpu.memory_space<vmem_shared>> -> memref<10240x128xf32, #tpu.memory_space<vmem_shared>>
      tpu.wait_indirect_dma semaphore(%arg14 : memref<!tpu.dma_semaphore, #tpu.memory_space<semaphore_mem>>) src(%arg8 : memref<128x128xf32, #tpu.memory_space<vmem>>) dst(%dma_wait3A_518 : memref<10240x128xf32, #tpu.memory_space<vmem_shared>>)
      %add3A_519 = arith.constant 2 : i32
      %add3A_520 = arith.addi %add3A_388, %add3A_519 : i32
      %min3A_521 = arith.constant 15 : i32
      %min3A_522 = arith.minsi %add3A_520, %min3A_521 : i32
      %dma_start3A_523 = arith.constant 0 : i32
      %dma_start3A_524 = tpu.memref_slice %arg5[%min3A_522, %dma_start3A_523] : memref<16x128xi32, #tpu.memory_space<vmem>> -> memref<1x128xi32, #tpu.memory_space<vmem>>
      %dma_start3A_525 = tpu.memref_squeeze %dma_start3A_524 : memref<1x128xi32, #tpu.memory_space<vmem>> -> memref<128xi32, #tpu.memory_space<vmem>>
      %dma_start3A_526 = arith.constant 0 : i32
      %dma_start3A_527 = arith.constant 0 : i32
      %dma_start3A_528 = tpu.memref_slice %arg2[%dma_start3A_526, %dma_start3A_527] : memref<10000x128xf32, #tpu.memory_space<hbm>> -> memref<10000x128xf32, #tpu.memory_space<hbm>>
      tpu.enqueue_indirect_dma source(%dma_start3A_528 : memref<10000x128xf32, #tpu.memory_space<hbm>>) target(%arg8 : memref<128x128xf32, #tpu.memory_space<vmem>>) offsets(%dma_start3A_525 : memref<128xi32, #tpu.memory_space<vmem>>) semaphore(%arg12 : memref<!tpu.dma_semaphore, #tpu.memory_space<semaphore_mem>>)
    }
    %scan3A_135 = arith.constant 8 : i32
    %dma_wait3A_136 = arith.constant 15 : i32
    %dma_wait3A_137 = arith.constant 0 : i32
    %dma_wait3A_138 = tpu.memref_slice %arg5[%dma_wait3A_136, %dma_wait3A_137] : memref<16x128xi32, #tpu.memory_space<vmem>> -> memref<1x128xi32, #tpu.memory_space<vmem>>
    %dma_wait3A_139 = tpu.memref_squeeze %dma_wait3A_138 : memref<1x128xi32, #tpu.memory_space<vmem>> -> memref<128xi32, #tpu.memory_space<vmem>>
    %dma_wait3A_140 = arith.constant 0 : i32
    %dma_wait3A_141 = arith.constant 0 : i32
    %dma_wait3A_142 = tpu.memref_slice %arg2[%dma_wait3A_140, %dma_wait3A_141] : memref<10000x128xf32, #tpu.memory_space<hbm>> -> memref<10000x128xf32, #tpu.memory_space<hbm>>
    tpu.wait_indirect_dma semaphore(%arg11 : memref<!tpu.dma_semaphore, #tpu.memory_space<semaphore_mem>>) src(%dma_wait3A_142 : memref<10000x128xf32, #tpu.memory_space<hbm>>) dst(%arg7 : memref<128x128xf32, #tpu.memory_space<vmem>>)
    %dma_wait3A_143 = arith.constant 15 : i32
    %dma_wait3A_144 = arith.constant 0 : i32
    %dma_wait3A_145 = tpu.memref_slice %arg5[%dma_wait3A_143, %dma_wait3A_144] : memref<16x128xi32, #tpu.memory_space<vmem>> -> memref<1x128xi32, #tpu.memory_space<vmem>>
    %dma_wait3A_146 = tpu.memref_squeeze %dma_wait3A_145 : memref<1x128xi32, #tpu.memory_space<vmem>> -> memref<128xi32, #tpu.memory_space<vmem>>
    %dma_wait3A_147 = arith.constant 0 : i32
    %dma_wait3A_148 = arith.constant 0 : i32
    %dma_wait3A_149 = tpu.memref_slice %arg2[%dma_wait3A_147, %dma_wait3A_148] : memref<10000x128xf32, #tpu.memory_space<hbm>> -> memref<10000x128xf32, #tpu.memory_space<hbm>>
    tpu.wait_indirect_dma semaphore(%arg12 : memref<!tpu.dma_semaphore, #tpu.memory_space<semaphore_mem>>) src(%dma_wait3A_149 : memref<10000x128xf32, #tpu.memory_space<hbm>>) dst(%arg8 : memref<128x128xf32, #tpu.memory_space<vmem>>)
    %mul3A_150 = arith.constant 80 : i32
    %mul3A_151 = arith.muli %add3A, %mul3A_150 : i32
    %add3A_152 = arith.constant 48 : i32
    %add3A_153 = arith.addi %mul3A_151, %add3A_152 : i32
    "tpu.region"() ({
      %run_scoped3A = tpu.sem_alloc : memref<!tpu.dma_semaphore, #tpu.memory_space<semaphore_mem>>
      %dma_start3A_244 = arith.constant 0 : i32
      %dma_start3A_245 = tpu.memref_slice %arg3[%add3A_153, %dma_start3A_244] : memref<5120x128xi32, #tpu.memory_space<hbm>> -> memref<16x128xi32, #tpu.memory_space<hbm>>
      %dma_start3A_246 = arith.constant 0 : i32
      %dma_start3A_247 = tpu.memref_slice %arg3[%add3A_153, %dma_start3A_246] : memref<5120x128xi32, #tpu.memory_space<hbm>> -> memref<16x128xi32, #tpu.memory_space<hbm>>
      tpu.enqueue_dma source(%dma_start3A_247 : memref<16x128xi32, #tpu.memory_space<hbm>>) target(%arg5 : memref<16x128xi32, #tpu.memory_space<vmem>>) target_semaphore(%run_scoped3A : memref<!tpu.dma_semaphore, #tpu.memory_space<semaphore_mem>>)
      %dma_wait3A_248 = arith.constant 0 : i32
      %dma_wait3A_249 = tpu.memref_slice %arg3[%add3A_153, %dma_wait3A_248] : memref<5120x128xi32, #tpu.memory_space<hbm>> -> memref<16x128xi32, #tpu.memory_space<hbm>>
      %dma_wait3A_250 = arith.constant 0 : i32
      %dma_wait3A_251 = tpu.memref_slice %arg3[%add3A_153, %dma_wait3A_250] : memref<5120x128xi32, #tpu.memory_space<hbm>> -> memref<16x128xi32, #tpu.memory_space<hbm>>
      tpu.wait_dma2 semaphore(%run_scoped3A : memref<!tpu.dma_semaphore, #tpu.memory_space<semaphore_mem>>) src(%dma_wait3A_251 : memref<16x128xi32, #tpu.memory_space<hbm>>) dst(%arg5 : memref<16x128xi32, #tpu.memory_space<vmem>>)
      tpu.yield
    }) : () -> ()
    %mul3A_154 = arith.constant 80 : i32
    %mul3A_155 = arith.muli %add3A, %mul3A_154 : i32
    %add3A_156 = arith.constant 2560 : i32
    %add3A_157 = arith.addi %add3A_156, %mul3A_155 : i32
    %add3A_158 = arith.constant 48 : i32
    %add3A_159 = arith.addi %add3A_157, %add3A_158 : i32
    "tpu.region"() ({
      %run_scoped3A = tpu.sem_alloc : memref<!tpu.dma_semaphore, #tpu.memory_space<semaphore_mem>>
      %dma_start3A_244 = arith.constant 0 : i32
      %dma_start3A_245 = tpu.memref_slice %arg3[%add3A_159, %dma_start3A_244] : memref<5120x128xi32, #tpu.memory_space<hbm>> -> memref<16x128xi32, #tpu.memory_space<hbm>>
      %dma_start3A_246 = arith.constant 0 : i32
      %dma_start3A_247 = tpu.memref_slice %arg3[%add3A_159, %dma_start3A_246] : memref<5120x128xi32, #tpu.memory_space<hbm>> -> memref<16x128xi32, #tpu.memory_space<hbm>>
      tpu.enqueue_dma source(%dma_start3A_247 : memref<16x128xi32, #tpu.memory_space<hbm>>) target(%arg6 : memref<16x128xi32, #tpu.memory_space<vmem>>) target_semaphore(%run_scoped3A : memref<!tpu.dma_semaphore, #tpu.memory_space<semaphore_mem>>)
      %dma_wait3A_248 = arith.constant 0 : i32
      %dma_wait3A_249 = tpu.memref_slice %arg3[%add3A_159, %dma_wait3A_248] : memref<5120x128xi32, #tpu.memory_space<hbm>> -> memref<16x128xi32, #tpu.memory_space<hbm>>
      %dma_wait3A_250 = arith.constant 0 : i32
      %dma_wait3A_251 = tpu.memref_slice %arg3[%add3A_159, %dma_wait3A_250] : memref<5120x128xi32, #tpu.memory_space<hbm>> -> memref<16x128xi32, #tpu.memory_space<hbm>>
      tpu.wait_dma2 semaphore(%run_scoped3A : memref<!tpu.dma_semaphore, #tpu.memory_space<semaphore_mem>>) src(%dma_wait3A_251 : memref<16x128xi32, #tpu.memory_space<hbm>>) dst(%arg6 : memref<16x128xi32, #tpu.memory_space<vmem>>)
      tpu.yield
    }) : () -> ()
    %dma_start3A_160 = arith.constant 0 : i32
    %dma_start3A_161 = arith.constant 0 : i32
    %dma_start3A_162 = tpu.memref_slice %arg5[%dma_start3A_160, %dma_start3A_161] : memref<16x128xi32, #tpu.memory_space<vmem>> -> memref<1x128xi32, #tpu.memory_space<vmem>>
    %dma_start3A_163 = tpu.memref_squeeze %dma_start3A_162 : memref<1x128xi32, #tpu.memory_space<vmem>> -> memref<128xi32, #tpu.memory_space<vmem>>
    %dma_start3A_164 = arith.constant 0 : i32
    %dma_start3A_165 = arith.constant 0 : i32
    %dma_start3A_166 = tpu.memref_slice %arg2[%dma_start3A_164, %dma_start3A_165] : memref<10000x128xf32, #tpu.memory_space<hbm>> -> memref<10000x128xf32, #tpu.memory_space<hbm>>
    tpu.enqueue_indirect_dma source(%dma_start3A_166 : memref<10000x128xf32, #tpu.memory_space<hbm>>) target(%arg7 : memref<128x128xf32, #tpu.memory_space<vmem>>) offsets(%dma_start3A_163 : memref<128xi32, #tpu.memory_space<vmem>>) semaphore(%arg11 : memref<!tpu.dma_semaphore, #tpu.memory_space<semaphore_mem>>)
    %dma_start3A_167 = arith.constant 1 : i32
    %dma_start3A_168 = arith.constant 0 : i32
    %dma_start3A_169 = tpu.memref_slice %arg5[%dma_start3A_167, %dma_start3A_168] : memref<16x128xi32, #tpu.memory_space<vmem>> -> memref<1x128xi32, #tpu.memory_space<vmem>>
    %dma_start3A_170 = tpu.memref_squeeze %dma_start3A_169 : memref<1x128xi32, #tpu.memory_space<vmem>> -> memref<128xi32, #tpu.memory_space<vmem>>
    %dma_start3A_171 = arith.constant 0 : i32
    %dma_start3A_172 = arith.constant 0 : i32
    %dma_start3A_173 = tpu.memref_slice %arg2[%dma_start3A_171, %dma_start3A_172] : memref<10000x128xf32, #tpu.memory_space<hbm>> -> memref<10000x128xf32, #tpu.memory_space<hbm>>
    tpu.enqueue_indirect_dma source(%dma_start3A_173 : memref<10000x128xf32, #tpu.memory_space<hbm>>) target(%arg8 : memref<128x128xf32, #tpu.memory_space<vmem>>) offsets(%dma_start3A_170 : memref<128xi32, #tpu.memory_space<vmem>>) semaphore(%arg12 : memref<!tpu.dma_semaphore, #tpu.memory_space<semaphore_mem>>)
    %scan3A_174 = arith.constant 0 : i32
    %scan3A_175 = arith.constant 8 : i32
    %scan3A_176 = arith.addi %scan3A_174, %scan3A_175 : i32
    %scan3A_177 = arith.constant 1 : i32
    scf.for %scan3A_244 = %scan3A_174 to %scan3A_176 step %scan3A_177  : i32 {
      %mul3A_245 = arith.constant 1 : i32
      %mul3A_246 = arith.muli %scan3A_244, %mul3A_245 : i32
      %add3A_247 = arith.constant 0 : i32
      %add3A_248 = arith.addi %add3A_247, %mul3A_246 : i32
      %mul3A_249 = arith.constant 2 : i32
      %mul3A_250 = arith.muli %add3A_248, %mul3A_249 : i32
      %add3A_251 = arith.constant 0 : i32
      %add3A_252 = arith.addi %mul3A_250, %add3A_251 : i32
      %dma_wait3A_253 = arith.constant 0 : i32
      %dma_wait3A_254 = tpu.memref_slice %arg5[%add3A_252, %dma_wait3A_253] : memref<16x128xi32, #tpu.memory_space<vmem>> -> memref<1x128xi32, #tpu.memory_space<vmem>>
      %dma_wait3A_255 = tpu.memref_squeeze %dma_wait3A_254 : memref<1x128xi32, #tpu.memory_space<vmem>> -> memref<128xi32, #tpu.memory_space<vmem>>
      %dma_wait3A_256 = arith.constant 0 : i32
      %dma_wait3A_257 = arith.constant 0 : i32
      %dma_wait3A_258 = tpu.memref_slice %arg2[%dma_wait3A_256, %dma_wait3A_257] : memref<10000x128xf32, #tpu.memory_space<hbm>> -> memref<10000x128xf32, #tpu.memory_space<hbm>>
      tpu.wait_indirect_dma semaphore(%arg11 : memref<!tpu.dma_semaphore, #tpu.memory_space<semaphore_mem>>) src(%dma_wait3A_258 : memref<10000x128xf32, #tpu.memory_space<hbm>>) dst(%arg7 : memref<128x128xf32, #tpu.memory_space<vmem>>)
      %dma_start3A_259 = arith.constant 0 : i32
      %dma_start3A_260 = tpu.memref_slice %arg6[%add3A_252, %dma_start3A_259] : memref<16x128xi32, #tpu.memory_space<vmem>> -> memref<1x128xi32, #tpu.memory_space<vmem>>
      %dma_start3A_261 = tpu.memref_squeeze %dma_start3A_260 : memref<1x128xi32, #tpu.memory_space<vmem>> -> memref<128xi32, #tpu.memory_space<vmem>>
      %dma_start3A_262 = arith.constant 0 : i32
      %dma_start3A_263 = arith.constant 0 : i32
      %dma_start3A_264 = tpu.memref_slice %arg10[%dma_start3A_262, %dma_start3A_263] : memref<10240x128xf32, #tpu.memory_space<vmem_shared>> -> memref<10240x128xf32, #tpu.memory_space<vmem_shared>>
      tpu.enqueue_indirect_dma source(%arg7 : memref<128x128xf32, #tpu.memory_space<vmem>>) target(%dma_start3A_264 : memref<10240x128xf32, #tpu.memory_space<vmem_shared>>) offsets(%dma_start3A_261 : memref<128xi32, #tpu.memory_space<vmem>>) semaphore(%arg13 : memref<!tpu.dma_semaphore, #tpu.memory_space<semaphore_mem>>) {add = true}
      %get3A = arith.index_cast %add3A_252 : i32 to index
      %get3A_265 = arith.constant 0 : index
      %get3A_266 = tpu.vector_load %arg6[%get3A, %get3A_265] {strides = array<i32>} : memref<16x128xi32, #tpu.memory_space<vmem>>, vector<16xi32>,
      %broadcast_in_dim3A_267 = arith.constant true
      %broadcast_in_dim3A_268 = vector.broadcast %broadcast_in_dim3A_267 : i1 to vector<16xi1>
      %unique3A, %unique3A_269 = tpu.scan_count mask(%broadcast_in_dim3A_268 : vector<16xi1>) value(%get3A_266 : vector<16xi32>) : vector<16xi1>, vector<16xi32>
      %shift_right_logical3A = arith.constant 7 : i32
      %shift_right_logical3A_270 = vector.broadcast %shift_right_logical3A : i32 to vector<16xi32>
      %shift_right_logical3A_271 = arith.shrui %get3A_266, %shift_right_logical3A_270 : vector<16xi32>
      %and3A = arith.constant 127 : i32
      %and3A_272 = vector.broadcast %and3A : i32 to vector<16xi32>
      %and3A_273 = arith.andi %get3A_266, %and3A_272 : vector<16xi32>
      %convert_element_type3A = arith.sitofp %unique3A_269 : vector<16xi32> to vector<16xf32>
      tpu.vector_store_idx %arg9[%shift_right_logical3A_271, %and3A_273], %convert_element_type3A masked %unique3A {add = true} : memref<80x128xf32, #tpu.memory_space<vmem>>[vector<16xi32>, vector<16xi32>], vector<16xf32>, vector<16xi1>
      %get3A_274 = arith.index_cast %add3A_252 : i32 to index
      %get3A_275 = arith.constant 16 : index
      %get3A_276 = tpu.vector_load %arg6[%get3A_274, %get3A_275] {strides = array<i32>} : memref<16x128xi32, #tpu.memory_space<vmem>>, vector<16xi32>,
      %broadcast_in_dim3A_277 = arith.constant true
      %broadcast_in_dim3A_278 = vector.broadcast %broadcast_in_dim3A_277 : i1 to vector<16xi1>
      %unique3A_279, %unique3A_280 = tpu.scan_count mask(%broadcast_in_dim3A_278 : vector<16xi1>) value(%get3A_276 : vector<16xi32>) : vector<16xi1>, vector<16xi32>
      %shift_right_logical3A_281 = arith.constant 7 : i32
      %shift_right_logical3A_282 = vector.broadcast %shift_right_logical3A_281 : i32 to vector<16xi32>
      %shift_right_logical3A_283 = arith.shrui %get3A_276, %shift_right_logical3A_282 : vector<16xi32>
      %and3A_284 = arith.constant 127 : i32
      %and3A_285 = vector.broadcast %and3A_284 : i32 to vector<16xi32>
      %and3A_286 = arith.andi %get3A_276, %and3A_285 : vector<16xi32>
      %convert_element_type3A_287 = arith.sitofp %unique3A_280 : vector<16xi32> to vector<16xf32>
      tpu.vector_store_idx %arg9[%shift_right_logical3A_283, %and3A_286], %convert_element_type3A_287 masked %unique3A_279 {add = true} : memref<80x128xf32, #tpu.memory_space<vmem>>[vector<16xi32>, vector<16xi32>], vector<16xf32>, vector<16xi1>
      %get3A_288 = arith.index_cast %add3A_252 : i32 to index
      %get3A_289 = arith.constant 32 : index
      %get3A_290 = tpu.vector_load %arg6[%get3A_288, %get3A_289] {strides = array<i32>} : memref<16x128xi32, #tpu.memory_space<vmem>>, vector<16xi32>,
      %broadcast_in_dim3A_291 = arith.constant true
      %broadcast_in_dim3A_292 = vector.broadcast %broadcast_in_dim3A_291 : i1 to vector<16xi1>
      %unique3A_293, %unique3A_294 = tpu.scan_count mask(%broadcast_in_dim3A_292 : vector<16xi1>) value(%get3A_290 : vector<16xi32>) : vector<16xi1>, vector<16xi32>
      %shift_right_logical3A_295 = arith.constant 7 : i32
      %shift_right_logical3A_296 = vector.broadcast %shift_right_logical3A_295 : i32 to vector<16xi32>
      %shift_right_logical3A_297 = arith.shrui %get3A_290, %shift_right_logical3A_296 : vector<16xi32>
      %and3A_298 = arith.constant 127 : i32
      %and3A_299 = vector.broadcast %and3A_298 : i32 to vector<16xi32>
      %and3A_300 = arith.andi %get3A_290, %and3A_299 : vector<16xi32>
      %convert_element_type3A_301 = arith.sitofp %unique3A_294 : vector<16xi32> to vector<16xf32>
      tpu.vector_store_idx %arg9[%shift_right_logical3A_297, %and3A_300], %convert_element_type3A_301 masked %unique3A_293 {add = true} : memref<80x128xf32, #tpu.memory_space<vmem>>[vector<16xi32>, vector<16xi32>], vector<16xf32>, vector<16xi1>
      %get3A_302 = arith.index_cast %add3A_252 : i32 to index
      %get3A_303 = arith.constant 48 : index
      %get3A_304 = tpu.vector_load %arg6[%get3A_302, %get3A_303] {strides = array<i32>} : memref<16x128xi32, #tpu.memory_space<vmem>>, vector<16xi32>,
      %broadcast_in_dim3A_305 = arith.constant true
      %broadcast_in_dim3A_306 = vector.broadcast %broadcast_in_dim3A_305 : i1 to vector<16xi1>
      %unique3A_307, %unique3A_308 = tpu.scan_count mask(%broadcast_in_dim3A_306 : vector<16xi1>) value(%get3A_304 : vector<16xi32>) : vector<16xi1>, vector<16xi32>
      %shift_right_logical3A_309 = arith.constant 7 : i32
      %shift_right_logical3A_310 = vector.broadcast %shift_right_logical3A_309 : i32 to vector<16xi32>
      %shift_right_logical3A_311 = arith.shrui %get3A_304, %shift_right_logical3A_310 : vector<16xi32>
      %and3A_312 = arith.constant 127 : i32
      %and3A_313 = vector.broadcast %and3A_312 : i32 to vector<16xi32>
      %and3A_314 = arith.andi %get3A_304, %and3A_313 : vector<16xi32>
      %convert_element_type3A_315 = arith.sitofp %unique3A_308 : vector<16xi32> to vector<16xf32>
      tpu.vector_store_idx %arg9[%shift_right_logical3A_311, %and3A_314], %convert_element_type3A_315 masked %unique3A_307 {add = true} : memref<80x128xf32, #tpu.memory_space<vmem>>[vector<16xi32>, vector<16xi32>], vector<16xf32>, vector<16xi1>
      %get3A_316 = arith.index_cast %add3A_252 : i32 to index
      %get3A_317 = arith.constant 64 : index
      %get3A_318 = tpu.vector_load %arg6[%get3A_316, %get3A_317] {strides = array<i32>} : memref<16x128xi32, #tpu.memory_space<vmem>>, vector<16xi32>,
      %broadcast_in_dim3A_319 = arith.constant true
      %broadcast_in_dim3A_320 = vector.broadcast %broadcast_in_dim3A_319 : i1 to vector<16xi1>
      %unique3A_321, %unique3A_322 = tpu.scan_count mask(%broadcast_in_dim3A_320 : vector<16xi1>) value(%get3A_318 : vector<16xi32>) : vector<16xi1>, vector<16xi32>
      %shift_right_logical3A_323 = arith.constant 7 : i32
      %shift_right_logical3A_324 = vector.broadcast %shift_right_logical3A_323 : i32 to vector<16xi32>
      %shift_right_logical3A_325 = arith.shrui %get3A_318, %shift_right_logical3A_324 : vector<16xi32>
      %and3A_326 = arith.constant 127 : i32
      %and3A_327 = vector.broadcast %and3A_326 : i32 to vector<16xi32>
      %and3A_328 = arith.andi %get3A_318, %and3A_327 : vector<16xi32>
      %convert_element_type3A_329 = arith.sitofp %unique3A_322 : vector<16xi32> to vector<16xf32>
      tpu.vector_store_idx %arg9[%shift_right_logical3A_325, %and3A_328], %convert_element_type3A_329 masked %unique3A_321 {add = true} : memref<80x128xf32, #tpu.memory_space<vmem>>[vector<16xi32>, vector<16xi32>], vector<16xf32>, vector<16xi1>
      %get3A_330 = arith.index_cast %add3A_252 : i32 to index
      %get3A_331 = arith.constant 80 : index
      %get3A_332 = tpu.vector_load %arg6[%get3A_330, %get3A_331] {strides = array<i32>} : memref<16x128xi32, #tpu.memory_space<vmem>>, vector<16xi32>,
      %broadcast_in_dim3A_333 = arith.constant true
      %broadcast_in_dim3A_334 = vector.broadcast %broadcast_in_dim3A_333 : i1 to vector<16xi1>
      %unique3A_335, %unique3A_336 = tpu.scan_count mask(%broadcast_in_dim3A_334 : vector<16xi1>) value(%get3A_332 : vector<16xi32>) : vector<16xi1>, vector<16xi32>
      %shift_right_logical3A_337 = arith.constant 7 : i32
      %shift_right_logical3A_338 = vector.broadcast %shift_right_logical3A_337 : i32 to vector<16xi32>
      %shift_right_logical3A_339 = arith.shrui %get3A_332, %shift_right_logical3A_338 : vector<16xi32>
      %and3A_340 = arith.constant 127 : i32
      %and3A_341 = vector.broadcast %and3A_340 : i32 to vector<16xi32>
      %and3A_342 = arith.andi %get3A_332, %and3A_341 : vector<16xi32>
      %convert_element_type3A_343 = arith.sitofp %unique3A_336 : vector<16xi32> to vector<16xf32>
      tpu.vector_store_idx %arg9[%shift_right_logical3A_339, %and3A_342], %convert_element_type3A_343 masked %unique3A_335 {add = true} : memref<80x128xf32, #tpu.memory_space<vmem>>[vector<16xi32>, vector<16xi32>], vector<16xf32>, vector<16xi1>
      %get3A_344 = arith.index_cast %add3A_252 : i32 to index
      %get3A_345 = arith.constant 96 : index
      %get3A_346 = tpu.vector_load %arg6[%get3A_344, %get3A_345] {strides = array<i32>} : memref<16x128xi32, #tpu.memory_space<vmem>>, vector<16xi32>,
      %broadcast_in_dim3A_347 = arith.constant true
      %broadcast_in_dim3A_348 = vector.broadcast %broadcast_in_dim3A_347 : i1 to vector<16xi1>
      %unique3A_349, %unique3A_350 = tpu.scan_count mask(%broadcast_in_dim3A_348 : vector<16xi1>) value(%get3A_346 : vector<16xi32>) : vector<16xi1>, vector<16xi32>
      %shift_right_logical3A_351 = arith.constant 7 : i32
      %shift_right_logical3A_352 = vector.broadcast %shift_right_logical3A_351 : i32 to vector<16xi32>
      %shift_right_logical3A_353 = arith.shrui %get3A_346, %shift_right_logical3A_352 : vector<16xi32>
      %and3A_354 = arith.constant 127 : i32
      %and3A_355 = vector.broadcast %and3A_354 : i32 to vector<16xi32>
      %and3A_356 = arith.andi %get3A_346, %and3A_355 : vector<16xi32>
      %convert_element_type3A_357 = arith.sitofp %unique3A_350 : vector<16xi32> to vector<16xf32>
      tpu.vector_store_idx %arg9[%shift_right_logical3A_353, %and3A_356], %convert_element_type3A_357 masked %unique3A_349 {add = true} : memref<80x128xf32, #tpu.memory_space<vmem>>[vector<16xi32>, vector<16xi32>], vector<16xf32>, vector<16xi1>
      %get3A_358 = arith.index_cast %add3A_252 : i32 to index
      %get3A_359 = arith.constant 112 : index
      %get3A_360 = tpu.vector_load %arg6[%get3A_358, %get3A_359] {strides = array<i32>} : memref<16x128xi32, #tpu.memory_space<vmem>>, vector<16xi32>,
      %broadcast_in_dim3A_361 = arith.constant true
      %broadcast_in_dim3A_362 = vector.broadcast %broadcast_in_dim3A_361 : i1 to vector<16xi1>
      %unique3A_363, %unique3A_364 = tpu.scan_count mask(%broadcast_in_dim3A_362 : vector<16xi1>) value(%get3A_360 : vector<16xi32>) : vector<16xi1>, vector<16xi32>
      %shift_right_logical3A_365 = arith.constant 7 : i32
      %shift_right_logical3A_366 = vector.broadcast %shift_right_logical3A_365 : i32 to vector<16xi32>
      %shift_right_logical3A_367 = arith.shrui %get3A_360, %shift_right_logical3A_366 : vector<16xi32>
      %and3A_368 = arith.constant 127 : i32
      %and3A_369 = vector.broadcast %and3A_368 : i32 to vector<16xi32>
      %and3A_370 = arith.andi %get3A_360, %and3A_369 : vector<16xi32>
      %convert_element_type3A_371 = arith.sitofp %unique3A_364 : vector<16xi32> to vector<16xf32>
      tpu.vector_store_idx %arg9[%shift_right_logical3A_367, %and3A_370], %convert_element_type3A_371 masked %unique3A_363 {add = true} : memref<80x128xf32, #tpu.memory_space<vmem>>[vector<16xi32>, vector<16xi32>], vector<16xf32>, vector<16xi1>
      %dma_wait3A_372 = arith.constant 0 : i32
      %dma_wait3A_373 = tpu.memref_slice %arg6[%add3A_252, %dma_wait3A_372] : memref<16x128xi32, #tpu.memory_space<vmem>> -> memref<1x128xi32, #tpu.memory_space<vmem>>
      %dma_wait3A_374 = tpu.memref_squeeze %dma_wait3A_373 : memref<1x128xi32, #tpu.memory_space<vmem>> -> memref<128xi32, #tpu.memory_space<vmem>>
      %dma_wait3A_375 = arith.constant 0 : i32
      %dma_wait3A_376 = arith.constant 0 : i32
      %dma_wait3A_377 = tpu.memref_slice %arg10[%dma_wait3A_375, %dma_wait3A_376] : memref<10240x128xf32, #tpu.memory_space<vmem_shared>> -> memref<10240x128xf32, #tpu.memory_space<vmem_shared>>
      tpu.wait_indirect_dma semaphore(%arg13 : memref<!tpu.dma_semaphore, #tpu.memory_space<semaphore_mem>>) src(%arg7 : memref<128x128xf32, #tpu.memory_space<vmem>>) dst(%dma_wait3A_377 : memref<10240x128xf32, #tpu.memory_space<vmem_shared>>)
      %add3A_378 = arith.constant 2 : i32
      %add3A_379 = arith.addi %add3A_252, %add3A_378 : i32
      %min3A = arith.constant 15 : i32
      %min3A_380 = arith.minsi %add3A_379, %min3A : i32
      %dma_start3A_381 = arith.constant 0 : i32
      %dma_start3A_382 = tpu.memref_slice %arg5[%min3A_380, %dma_start3A_381] : memref<16x128xi32, #tpu.memory_space<vmem>> -> memref<1x128xi32, #tpu.memory_space<vmem>>
      %dma_start3A_383 = tpu.memref_squeeze %dma_start3A_382 : memref<1x128xi32, #tpu.memory_space<vmem>> -> memref<128xi32, #tpu.memory_space<vmem>>
      %dma_start3A_384 = arith.constant 0 : i32
      %dma_start3A_385 = arith.constant 0 : i32
      %dma_start3A_386 = tpu.memref_slice %arg2[%dma_start3A_384, %dma_start3A_385] : memref<10000x128xf32, #tpu.memory_space<hbm>> -> memref<10000x128xf32, #tpu.memory_space<hbm>>
      tpu.enqueue_indirect_dma source(%dma_start3A_386 : memref<10000x128xf32, #tpu.memory_space<hbm>>) target(%arg7 : memref<128x128xf32, #tpu.memory_space<vmem>>) offsets(%dma_start3A_383 : memref<128xi32, #tpu.memory_space<vmem>>) semaphore(%arg11 : memref<!tpu.dma_semaphore, #tpu.memory_space<semaphore_mem>>)
      %add3A_387 = arith.constant 1 : i32
      %add3A_388 = arith.addi %mul3A_250, %add3A_387 : i32
      %dma_wait3A_389 = arith.constant 0 : i32
      %dma_wait3A_390 = tpu.memref_slice %arg5[%add3A_388, %dma_wait3A_389] : memref<16x128xi32, #tpu.memory_space<vmem>> -> memref<1x128xi32, #tpu.memory_space<vmem>>
      %dma_wait3A_391 = tpu.memref_squeeze %dma_wait3A_390 : memref<1x128xi32, #tpu.memory_space<vmem>> -> memref<128xi32, #tpu.memory_space<vmem>>
      %dma_wait3A_392 = arith.constant 0 : i32
      %dma_wait3A_393 = arith.constant 0 : i32
      %dma_wait3A_394 = tpu.memref_slice %arg2[%dma_wait3A_392, %dma_wait3A_393] : memref<10000x128xf32, #tpu.memory_space<hbm>> -> memref<10000x128xf32, #tpu.memory_space<hbm>>
      tpu.wait_indirect_dma semaphore(%arg12 : memref<!tpu.dma_semaphore, #tpu.memory_space<semaphore_mem>>) src(%dma_wait3A_394 : memref<10000x128xf32, #tpu.memory_space<hbm>>) dst(%arg8 : memref<128x128xf32, #tpu.memory_space<vmem>>)
      %dma_start3A_395 = arith.constant 0 : i32
      %dma_start3A_396 = tpu.memref_slice %arg6[%add3A_388, %dma_start3A_395] : memref<16x128xi32, #tpu.memory_space<vmem>> -> memref<1x128xi32, #tpu.memory_space<vmem>>
      %dma_start3A_397 = tpu.memref_squeeze %dma_start3A_396 : memref<1x128xi32, #tpu.memory_space<vmem>> -> memref<128xi32, #tpu.memory_space<vmem>>
      %dma_start3A_398 = arith.constant 0 : i32
      %dma_start3A_399 = arith.constant 0 : i32
      %dma_start3A_400 = tpu.memref_slice %arg10[%dma_start3A_398, %dma_start3A_399] : memref<10240x128xf32, #tpu.memory_space<vmem_shared>> -> memref<10240x128xf32, #tpu.memory_space<vmem_shared>>
      tpu.enqueue_indirect_dma source(%arg8 : memref<128x128xf32, #tpu.memory_space<vmem>>) target(%dma_start3A_400 : memref<10240x128xf32, #tpu.memory_space<vmem_shared>>) offsets(%dma_start3A_397 : memref<128xi32, #tpu.memory_space<vmem>>) semaphore(%arg14 : memref<!tpu.dma_semaphore, #tpu.memory_space<semaphore_mem>>) {add = true}
      %get3A_401 = arith.index_cast %add3A_388 : i32 to index
      %get3A_402 = arith.constant 0 : index
      %get3A_403 = tpu.vector_load %arg6[%get3A_401, %get3A_402] {strides = array<i32>} : memref<16x128xi32, #tpu.memory_space<vmem>>, vector<16xi32>,
      %broadcast_in_dim3A_404 = arith.constant true
      %broadcast_in_dim3A_405 = vector.broadcast %broadcast_in_dim3A_404 : i1 to vector<16xi1>
      %unique3A_406, %unique3A_407 = tpu.scan_count mask(%broadcast_in_dim3A_405 : vector<16xi1>) value(%get3A_403 : vector<16xi32>) : vector<16xi1>, vector<16xi32>
      %shift_right_logical3A_408 = arith.constant 7 : i32
      %shift_right_logical3A_409 = vector.broadcast %shift_right_logical3A_408 : i32 to vector<16xi32>
      %shift_right_logical3A_410 = arith.shrui %get3A_403, %shift_right_logical3A_409 : vector<16xi32>
      %and3A_411 = arith.constant 127 : i32
      %and3A_412 = vector.broadcast %and3A_411 : i32 to vector<16xi32>
      %and3A_413 = arith.andi %get3A_403, %and3A_412 : vector<16xi32>
      %convert_element_type3A_414 = arith.sitofp %unique3A_407 : vector<16xi32> to vector<16xf32>
      tpu.vector_store_idx %arg9[%shift_right_logical3A_410, %and3A_413], %convert_element_type3A_414 masked %unique3A_406 {add = true} : memref<80x128xf32, #tpu.memory_space<vmem>>[vector<16xi32>, vector<16xi32>], vector<16xf32>, vector<16xi1>
      %get3A_415 = arith.index_cast %add3A_388 : i32 to index
      %get3A_416 = arith.constant 16 : index
      %get3A_417 = tpu.vector_load %arg6[%get3A_415, %get3A_416] {strides = array<i32>} : memref<16x128xi32, #tpu.memory_space<vmem>>, vector<16xi32>,
      %broadcast_in_dim3A_418 = arith.constant true
      %broadcast_in_dim3A_419 = vector.broadcast %broadcast_in_dim3A_418 : i1 to vector<16xi1>
      %unique3A_420, %unique3A_421 = tpu.scan_count mask(%broadcast_in_dim3A_419 : vector<16xi1>) value(%get3A_417 : vector<16xi32>) : vector<16xi1>, vector<16xi32>
      %shift_right_logical3A_422 = arith.constant 7 : i32
      %shift_right_logical3A_423 = vector.broadcast %shift_right_logical3A_422 : i32 to vector<16xi32>
      %shift_right_logical3A_424 = arith.shrui %get3A_417, %shift_right_logical3A_423 : vector<16xi32>
      %and3A_425 = arith.constant 127 : i32
      %and3A_426 = vector.broadcast %and3A_425 : i32 to vector<16xi32>
      %and3A_427 = arith.andi %get3A_417, %and3A_426 : vector<16xi32>
      %convert_element_type3A_428 = arith.sitofp %unique3A_421 : vector<16xi32> to vector<16xf32>
      tpu.vector_store_idx %arg9[%shift_right_logical3A_424, %and3A_427], %convert_element_type3A_428 masked %unique3A_420 {add = true} : memref<80x128xf32, #tpu.memory_space<vmem>>[vector<16xi32>, vector<16xi32>], vector<16xf32>, vector<16xi1>
      %get3A_429 = arith.index_cast %add3A_388 : i32 to index
      %get3A_430 = arith.constant 32 : index
      %get3A_431 = tpu.vector_load %arg6[%get3A_429, %get3A_430] {strides = array<i32>} : memref<16x128xi32, #tpu.memory_space<vmem>>, vector<16xi32>,
      %broadcast_in_dim3A_432 = arith.constant true
      %broadcast_in_dim3A_433 = vector.broadcast %broadcast_in_dim3A_432 : i1 to vector<16xi1>
      %unique3A_434, %unique3A_435 = tpu.scan_count mask(%broadcast_in_dim3A_433 : vector<16xi1>) value(%get3A_431 : vector<16xi32>) : vector<16xi1>, vector<16xi32>
      %shift_right_logical3A_436 = arith.constant 7 : i32
      %shift_right_logical3A_437 = vector.broadcast %shift_right_logical3A_436 : i32 to vector<16xi32>
      %shift_right_logical3A_438 = arith.shrui %get3A_431, %shift_right_logical3A_437 : vector<16xi32>
      %and3A_439 = arith.constant 127 : i32
      %and3A_440 = vector.broadcast %and3A_439 : i32 to vector<16xi32>
      %and3A_441 = arith.andi %get3A_431, %and3A_440 : vector<16xi32>
      %convert_element_type3A_442 = arith.sitofp %unique3A_435 : vector<16xi32> to vector<16xf32>
      tpu.vector_store_idx %arg9[%shift_right_logical3A_438, %and3A_441], %convert_element_type3A_442 masked %unique3A_434 {add = true} : memref<80x128xf32, #tpu.memory_space<vmem>>[vector<16xi32>, vector<16xi32>], vector<16xf32>, vector<16xi1>
      %get3A_443 = arith.index_cast %add3A_388 : i32 to index
      %get3A_444 = arith.constant 48 : index
      %get3A_445 = tpu.vector_load %arg6[%get3A_443, %get3A_444] {strides = array<i32>} : memref<16x128xi32, #tpu.memory_space<vmem>>, vector<16xi32>,
      %broadcast_in_dim3A_446 = arith.constant true
      %broadcast_in_dim3A_447 = vector.broadcast %broadcast_in_dim3A_446 : i1 to vector<16xi1>
      %unique3A_448, %unique3A_449 = tpu.scan_count mask(%broadcast_in_dim3A_447 : vector<16xi1>) value(%get3A_445 : vector<16xi32>) : vector<16xi1>, vector<16xi32>
      %shift_right_logical3A_450 = arith.constant 7 : i32
      %shift_right_logical3A_451 = vector.broadcast %shift_right_logical3A_450 : i32 to vector<16xi32>
      %shift_right_logical3A_452 = arith.shrui %get3A_445, %shift_right_logical3A_451 : vector<16xi32>
      %and3A_453 = arith.constant 127 : i32
      %and3A_454 = vector.broadcast %and3A_453 : i32 to vector<16xi32>
      %and3A_455 = arith.andi %get3A_445, %and3A_454 : vector<16xi32>
      %convert_element_type3A_456 = arith.sitofp %unique3A_449 : vector<16xi32> to vector<16xf32>
      tpu.vector_store_idx %arg9[%shift_right_logical3A_452, %and3A_455], %convert_element_type3A_456 masked %unique3A_448 {add = true} : memref<80x128xf32, #tpu.memory_space<vmem>>[vector<16xi32>, vector<16xi32>], vector<16xf32>, vector<16xi1>
      %get3A_457 = arith.index_cast %add3A_388 : i32 to index
      %get3A_458 = arith.constant 64 : index
      %get3A_459 = tpu.vector_load %arg6[%get3A_457, %get3A_458] {strides = array<i32>} : memref<16x128xi32, #tpu.memory_space<vmem>>, vector<16xi32>,
      %broadcast_in_dim3A_460 = arith.constant true
      %broadcast_in_dim3A_461 = vector.broadcast %broadcast_in_dim3A_460 : i1 to vector<16xi1>
      %unique3A_462, %unique3A_463 = tpu.scan_count mask(%broadcast_in_dim3A_461 : vector<16xi1>) value(%get3A_459 : vector<16xi32>) : vector<16xi1>, vector<16xi32>
      %shift_right_logical3A_464 = arith.constant 7 : i32
      %shift_right_logical3A_465 = vector.broadcast %shift_right_logical3A_464 : i32 to vector<16xi32>
      %shift_right_logical3A_466 = arith.shrui %get3A_459, %shift_right_logical3A_465 : vector<16xi32>
      %and3A_467 = arith.constant 127 : i32
      %and3A_468 = vector.broadcast %and3A_467 : i32 to vector<16xi32>
      %and3A_469 = arith.andi %get3A_459, %and3A_468 : vector<16xi32>
      %convert_element_type3A_470 = arith.sitofp %unique3A_463 : vector<16xi32> to vector<16xf32>
      tpu.vector_store_idx %arg9[%shift_right_logical3A_466, %and3A_469], %convert_element_type3A_470 masked %unique3A_462 {add = true} : memref<80x128xf32, #tpu.memory_space<vmem>>[vector<16xi32>, vector<16xi32>], vector<16xf32>, vector<16xi1>
      %get3A_471 = arith.index_cast %add3A_388 : i32 to index
      %get3A_472 = arith.constant 80 : index
      %get3A_473 = tpu.vector_load %arg6[%get3A_471, %get3A_472] {strides = array<i32>} : memref<16x128xi32, #tpu.memory_space<vmem>>, vector<16xi32>,
      %broadcast_in_dim3A_474 = arith.constant true
      %broadcast_in_dim3A_475 = vector.broadcast %broadcast_in_dim3A_474 : i1 to vector<16xi1>
      %unique3A_476, %unique3A_477 = tpu.scan_count mask(%broadcast_in_dim3A_475 : vector<16xi1>) value(%get3A_473 : vector<16xi32>) : vector<16xi1>, vector<16xi32>
      %shift_right_logical3A_478 = arith.constant 7 : i32
      %shift_right_logical3A_479 = vector.broadcast %shift_right_logical3A_478 : i32 to vector<16xi32>
      %shift_right_logical3A_480 = arith.shrui %get3A_473, %shift_right_logical3A_479 : vector<16xi32>
      %and3A_481 = arith.constant 127 : i32
      %and3A_482 = vector.broadcast %and3A_481 : i32 to vector<16xi32>
      %and3A_483 = arith.andi %get3A_473, %and3A_482 : vector<16xi32>
      %convert_element_type3A_484 = arith.sitofp %unique3A_477 : vector<16xi32> to vector<16xf32>
      tpu.vector_store_idx %arg9[%shift_right_logical3A_480, %and3A_483], %convert_element_type3A_484 masked %unique3A_476 {add = true} : memref<80x128xf32, #tpu.memory_space<vmem>>[vector<16xi32>, vector<16xi32>], vector<16xf32>, vector<16xi1>
      %get3A_485 = arith.index_cast %add3A_388 : i32 to index
      %get3A_486 = arith.constant 96 : index
      %get3A_487 = tpu.vector_load %arg6[%get3A_485, %get3A_486] {strides = array<i32>} : memref<16x128xi32, #tpu.memory_space<vmem>>, vector<16xi32>,
      %broadcast_in_dim3A_488 = arith.constant true
      %broadcast_in_dim3A_489 = vector.broadcast %broadcast_in_dim3A_488 : i1 to vector<16xi1>
      %unique3A_490, %unique3A_491 = tpu.scan_count mask(%broadcast_in_dim3A_489 : vector<16xi1>) value(%get3A_487 : vector<16xi32>) : vector<16xi1>, vector<16xi32>
      %shift_right_logical3A_492 = arith.constant 7 : i32
      %shift_right_logical3A_493 = vector.broadcast %shift_right_logical3A_492 : i32 to vector<16xi32>
      %shift_right_logical3A_494 = arith.shrui %get3A_487, %shift_right_logical3A_493 : vector<16xi32>
      %and3A_495 = arith.constant 127 : i32
      %and3A_496 = vector.broadcast %and3A_495 : i32 to vector<16xi32>
      %and3A_497 = arith.andi %get3A_487, %and3A_496 : vector<16xi32>
      %convert_element_type3A_498 = arith.sitofp %unique3A_491 : vector<16xi32> to vector<16xf32>
      tpu.vector_store_idx %arg9[%shift_right_logical3A_494, %and3A_497], %convert_element_type3A_498 masked %unique3A_490 {add = true} : memref<80x128xf32, #tpu.memory_space<vmem>>[vector<16xi32>, vector<16xi32>], vector<16xf32>, vector<16xi1>
      %get3A_499 = arith.index_cast %add3A_388 : i32 to index
      %get3A_500 = arith.constant 112 : index
      %get3A_501 = tpu.vector_load %arg6[%get3A_499, %get3A_500] {strides = array<i32>} : memref<16x128xi32, #tpu.memory_space<vmem>>, vector<16xi32>,
      %broadcast_in_dim3A_502 = arith.constant true
      %broadcast_in_dim3A_503 = vector.broadcast %broadcast_in_dim3A_502 : i1 to vector<16xi1>
      %unique3A_504, %unique3A_505 = tpu.scan_count mask(%broadcast_in_dim3A_503 : vector<16xi1>) value(%get3A_501 : vector<16xi32>) : vector<16xi1>, vector<16xi32>
      %shift_right_logical3A_506 = arith.constant 7 : i32
      %shift_right_logical3A_507 = vector.broadcast %shift_right_logical3A_506 : i32 to vector<16xi32>
      %shift_right_logical3A_508 = arith.shrui %get3A_501, %shift_right_logical3A_507 : vector<16xi32>
      %and3A_509 = arith.constant 127 : i32
      %and3A_510 = vector.broadcast %and3A_509 : i32 to vector<16xi32>
      %and3A_511 = arith.andi %get3A_501, %and3A_510 : vector<16xi32>
      %convert_element_type3A_512 = arith.sitofp %unique3A_505 : vector<16xi32> to vector<16xf32>
      tpu.vector_store_idx %arg9[%shift_right_logical3A_508, %and3A_511], %convert_element_type3A_512 masked %unique3A_504 {add = true} : memref<80x128xf32, #tpu.memory_space<vmem>>[vector<16xi32>, vector<16xi32>], vector<16xf32>, vector<16xi1>
      %dma_wait3A_513 = arith.constant 0 : i32
      %dma_wait3A_514 = tpu.memref_slice %arg6[%add3A_388, %dma_wait3A_513] : memref<16x128xi32, #tpu.memory_space<vmem>> -> memref<1x128xi32, #tpu.memory_space<vmem>>
      %dma_wait3A_515 = tpu.memref_squeeze %dma_wait3A_514 : memref<1x128xi32, #tpu.memory_space<vmem>> -> memref<128xi32, #tpu.memory_space<vmem>>
      %dma_wait3A_516 = arith.constant 0 : i32
      %dma_wait3A_517 = arith.constant 0 : i32
      %dma_wait3A_518 = tpu.memref_slice %arg10[%dma_wait3A_516, %dma_wait3A_517] : memref<10240x128xf32, #tpu.memory_space<vmem_shared>> -> memref<10240x128xf32, #tpu.memory_space<vmem_shared>>
      tpu.wait_indirect_dma semaphore(%arg14 : memref<!tpu.dma_semaphore, #tpu.memory_space<semaphore_mem>>) src(%arg8 : memref<128x128xf32, #tpu.memory_space<vmem>>) dst(%dma_wait3A_518 : memref<10240x128xf32, #tpu.memory_space<vmem_shared>>)
      %add3A_519 = arith.constant 2 : i32
      %add3A_520 = arith.addi %add3A_388, %add3A_519 : i32
      %min3A_521 = arith.constant 15 : i32
      %min3A_522 = arith.minsi %add3A_520, %min3A_521 : i32
      %dma_start3A_523 = arith.constant 0 : i32
      %dma_start3A_524 = tpu.memref_slice %arg5[%min3A_522, %dma_start3A_523] : memref<16x128xi32, #tpu.memory_space<vmem>> -> memref<1x128xi32, #tpu.memory_space<vmem>>
      %dma_start3A_525 = tpu.memref_squeeze %dma_start3A_524 : memref<1x128xi32, #tpu.memory_space<vmem>> -> memref<128xi32, #tpu.memory_space<vmem>>
      %dma_start3A_526 = arith.constant 0 : i32
      %dma_start3A_527 = arith.constant 0 : i32
      %dma_start3A_528 = tpu.memref_slice %arg2[%dma_start3A_526, %dma_start3A_527] : memref<10000x128xf32, #tpu.memory_space<hbm>> -> memref<10000x128xf32, #tpu.memory_space<hbm>>
      tpu.enqueue_indirect_dma source(%dma_start3A_528 : memref<10000x128xf32, #tpu.memory_space<hbm>>) target(%arg8 : memref<128x128xf32, #tpu.memory_space<vmem>>) offsets(%dma_start3A_525 : memref<128xi32, #tpu.memory_space<vmem>>) semaphore(%arg12 : memref<!tpu.dma_semaphore, #tpu.memory_space<semaphore_mem>>)
    }
    %scan3A_178 = arith.constant 8 : i32
    %dma_wait3A_179 = arith.constant 15 : i32
    %dma_wait3A_180 = arith.constant 0 : i32
    %dma_wait3A_181 = tpu.memref_slice %arg5[%dma_wait3A_179, %dma_wait3A_180] : memref<16x128xi32, #tpu.memory_space<vmem>> -> memref<1x128xi32, #tpu.memory_space<vmem>>
    %dma_wait3A_182 = tpu.memref_squeeze %dma_wait3A_181 : memref<1x128xi32, #tpu.memory_space<vmem>> -> memref<128xi32, #tpu.memory_space<vmem>>
    %dma_wait3A_183 = arith.constant 0 : i32
    %dma_wait3A_184 = arith.constant 0 : i32
    %dma_wait3A_185 = tpu.memref_slice %arg2[%dma_wait3A_183, %dma_wait3A_184] : memref<10000x128xf32, #tpu.memory_space<hbm>> -> memref<10000x128xf32, #tpu.memory_space<hbm>>
    tpu.wait_indirect_dma semaphore(%arg11 : memref<!tpu.dma_semaphore, #tpu.memory_space<semaphore_mem>>) src(%dma_wait3A_185 : memref<10000x128xf32, #tpu.memory_space<hbm>>) dst(%arg7 : memref<128x128xf32, #tpu.memory_space<vmem>>)
    %dma_wait3A_186 = arith.constant 15 : i32
    %dma_wait3A_187 = arith.constant 0 : i32
    %dma_wait3A_188 = tpu.memref_slice %arg5[%dma_wait3A_186, %dma_wait3A_187] : memref<16x128xi32, #tpu.memory_space<vmem>> -> memref<1x128xi32, #tpu.memory_space<vmem>>
    %dma_wait3A_189 = tpu.memref_squeeze %dma_wait3A_188 : memref<1x128xi32, #tpu.memory_space<vmem>> -> memref<128xi32, #tpu.memory_space<vmem>>
    %dma_wait3A_190 = arith.constant 0 : i32
    %dma_wait3A_191 = arith.constant 0 : i32
    %dma_wait3A_192 = tpu.memref_slice %arg2[%dma_wait3A_190, %dma_wait3A_191] : memref<10000x128xf32, #tpu.memory_space<hbm>> -> memref<10000x128xf32, #tpu.memory_space<hbm>>
    tpu.wait_indirect_dma semaphore(%arg12 : memref<!tpu.dma_semaphore, #tpu.memory_space<semaphore_mem>>) src(%dma_wait3A_192 : memref<10000x128xf32, #tpu.memory_space<hbm>>) dst(%arg8 : memref<128x128xf32, #tpu.memory_space<vmem>>)
    %mul3A_193 = arith.constant 80 : i32
    %mul3A_194 = arith.muli %add3A, %mul3A_193 : i32
    %add3A_195 = arith.constant 64 : i32
    %add3A_196 = arith.addi %mul3A_194, %add3A_195 : i32
    "tpu.region"() ({
      %run_scoped3A = tpu.sem_alloc : memref<!tpu.dma_semaphore, #tpu.memory_space<semaphore_mem>>
      %dma_start3A_244 = arith.constant 0 : i32
      %dma_start3A_245 = tpu.memref_slice %arg3[%add3A_196, %dma_start3A_244] : memref<5120x128xi32, #tpu.memory_space<hbm>> -> memref<16x128xi32, #tpu.memory_space<hbm>>
      %dma_start3A_246 = arith.constant 0 : i32
      %dma_start3A_247 = tpu.memref_slice %arg3[%add3A_196, %dma_start3A_246] : memref<5120x128xi32, #tpu.memory_space<hbm>> -> memref<16x128xi32, #tpu.memory_space<hbm>>
      tpu.enqueue_dma source(%dma_start3A_247 : memref<16x128xi32, #tpu.memory_space<hbm>>) target(%arg5 : memref<16x128xi32, #tpu.memory_space<vmem>>) target_semaphore(%run_scoped3A : memref<!tpu.dma_semaphore, #tpu.memory_space<semaphore_mem>>)
      %dma_wait3A_248 = arith.constant 0 : i32
      %dma_wait3A_249 = tpu.memref_slice %arg3[%add3A_196, %dma_wait3A_248] : memref<5120x128xi32, #tpu.memory_space<hbm>> -> memref<16x128xi32, #tpu.memory_space<hbm>>
      %dma_wait3A_250 = arith.constant 0 : i32
      %dma_wait3A_251 = tpu.memref_slice %arg3[%add3A_196, %dma_wait3A_250] : memref<5120x128xi32, #tpu.memory_space<hbm>> -> memref<16x128xi32, #tpu.memory_space<hbm>>
      tpu.wait_dma2 semaphore(%run_scoped3A : memref<!tpu.dma_semaphore, #tpu.memory_space<semaphore_mem>>) src(%dma_wait3A_251 : memref<16x128xi32, #tpu.memory_space<hbm>>) dst(%arg5 : memref<16x128xi32, #tpu.memory_space<vmem>>)
      tpu.yield
    }) : () -> ()
    %mul3A_197 = arith.constant 80 : i32
    %mul3A_198 = arith.muli %add3A, %mul3A_197 : i32
    %add3A_199 = arith.constant 2560 : i32
    %add3A_200 = arith.addi %add3A_199, %mul3A_198 : i32
    %add3A_201 = arith.constant 64 : i32
    %add3A_202 = arith.addi %add3A_200, %add3A_201 : i32
    "tpu.region"() ({
      %run_scoped3A = tpu.sem_alloc : memref<!tpu.dma_semaphore, #tpu.memory_space<semaphore_mem>>
      %dma_start3A_244 = arith.constant 0 : i32
      %dma_start3A_245 = tpu.memref_slice %arg3[%add3A_202, %dma_start3A_244] : memref<5120x128xi32, #tpu.memory_space<hbm>> -> memref<16x128xi32, #tpu.memory_space<hbm>>
      %dma_start3A_246 = arith.constant 0 : i32
      %dma_start3A_247 = tpu.memref_slice %arg3[%add3A_202, %dma_start3A_246] : memref<5120x128xi32, #tpu.memory_space<hbm>> -> memref<16x128xi32, #tpu.memory_space<hbm>>
      tpu.enqueue_dma source(%dma_start3A_247 : memref<16x128xi32, #tpu.memory_space<hbm>>) target(%arg6 : memref<16x128xi32, #tpu.memory_space<vmem>>) target_semaphore(%run_scoped3A : memref<!tpu.dma_semaphore, #tpu.memory_space<semaphore_mem>>)
      %dma_wait3A_248 = arith.constant 0 : i32
      %dma_wait3A_249 = tpu.memref_slice %arg3[%add3A_202, %dma_wait3A_248] : memref<5120x128xi32, #tpu.memory_space<hbm>> -> memref<16x128xi32, #tpu.memory_space<hbm>>
      %dma_wait3A_250 = arith.constant 0 : i32
      %dma_wait3A_251 = tpu.memref_slice %arg3[%add3A_202, %dma_wait3A_250] : memref<5120x128xi32, #tpu.memory_space<hbm>> -> memref<16x128xi32, #tpu.memory_space<hbm>>
      tpu.wait_dma2 semaphore(%run_scoped3A : memref<!tpu.dma_semaphore, #tpu.memory_space<semaphore_mem>>) src(%dma_wait3A_251 : memref<16x128xi32, #tpu.memory_space<hbm>>) dst(%arg6 : memref<16x128xi32, #tpu.memory_space<vmem>>)
      tpu.yield
    }) : () -> ()
    %dma_start3A_203 = arith.constant 0 : i32
    %dma_start3A_204 = arith.constant 0 : i32
    %dma_start3A_205 = tpu.memref_slice %arg5[%dma_start3A_203, %dma_start3A_204] : memref<16x128xi32, #tpu.memory_space<vmem>> -> memref<1x128xi32, #tpu.memory_space<vmem>>
    %dma_start3A_206 = tpu.memref_squeeze %dma_start3A_205 : memref<1x128xi32, #tpu.memory_space<vmem>> -> memref<128xi32, #tpu.memory_space<vmem>>
    %dma_start3A_207 = arith.constant 0 : i32
    %dma_start3A_208 = arith.constant 0 : i32
    %dma_start3A_209 = tpu.memref_slice %arg2[%dma_start3A_207, %dma_start3A_208] : memref<10000x128xf32, #tpu.memory_space<hbm>> -> memref<10000x128xf32, #tpu.memory_space<hbm>>
    tpu.enqueue_indirect_dma source(%dma_start3A_209 : memref<10000x128xf32, #tpu.memory_space<hbm>>) target(%arg7 : memref<128x128xf32, #tpu.memory_space<vmem>>) offsets(%dma_start3A_206 : memref<128xi32, #tpu.memory_space<vmem>>) semaphore(%arg11 : memref<!tpu.dma_semaphore, #tpu.memory_space<semaphore_mem>>)
    %dma_start3A_210 = arith.constant 1 : i32
    %dma_start3A_211 = arith.constant 0 : i32
    %dma_start3A_212 = tpu.memref_slice %arg5[%dma_start3A_210, %dma_start3A_211] : memref<16x128xi32, #tpu.memory_space<vmem>> -> memref<1x128xi32, #tpu.memory_space<vmem>>
    %dma_start3A_213 = tpu.memref_squeeze %dma_start3A_212 : memref<1x128xi32, #tpu.memory_space<vmem>> -> memref<128xi32, #tpu.memory_space<vmem>>
    %dma_start3A_214 = arith.constant 0 : i32
    %dma_start3A_215 = arith.constant 0 : i32
    %dma_start3A_216 = tpu.memref_slice %arg2[%dma_start3A_214, %dma_start3A_215] : memref<10000x128xf32, #tpu.memory_space<hbm>> -> memref<10000x128xf32, #tpu.memory_space<hbm>>
    tpu.enqueue_indirect_dma source(%dma_start3A_216 : memref<10000x128xf32, #tpu.memory_space<hbm>>) target(%arg8 : memref<128x128xf32, #tpu.memory_space<vmem>>) offsets(%dma_start3A_213 : memref<128xi32, #tpu.memory_space<vmem>>) semaphore(%arg12 : memref<!tpu.dma_semaphore, #tpu.memory_space<semaphore_mem>>)
    %scan3A_217 = arith.constant 0 : i32
    %scan3A_218 = arith.constant 8 : i32
    %scan3A_219 = arith.addi %scan3A_217, %scan3A_218 : i32
    %scan3A_220 = arith.constant 1 : i32
    scf.for %scan3A_244 = %scan3A_217 to %scan3A_219 step %scan3A_220  : i32 {
      %mul3A_245 = arith.constant 1 : i32
      %mul3A_246 = arith.muli %scan3A_244, %mul3A_245 : i32
      %add3A_247 = arith.constant 0 : i32
      %add3A_248 = arith.addi %add3A_247, %mul3A_246 : i32
      %mul3A_249 = arith.constant 2 : i32
      %mul3A_250 = arith.muli %add3A_248, %mul3A_249 : i32
      %add3A_251 = arith.constant 0 : i32
      %add3A_252 = arith.addi %mul3A_250, %add3A_251 : i32
      %dma_wait3A_253 = arith.constant 0 : i32
      %dma_wait3A_254 = tpu.memref_slice %arg5[%add3A_252, %dma_wait3A_253] : memref<16x128xi32, #tpu.memory_space<vmem>> -> memref<1x128xi32, #tpu.memory_space<vmem>>
      %dma_wait3A_255 = tpu.memref_squeeze %dma_wait3A_254 : memref<1x128xi32, #tpu.memory_space<vmem>> -> memref<128xi32, #tpu.memory_space<vmem>>
      %dma_wait3A_256 = arith.constant 0 : i32
      %dma_wait3A_257 = arith.constant 0 : i32
      %dma_wait3A_258 = tpu.memref_slice %arg2[%dma_wait3A_256, %dma_wait3A_257] : memref<10000x128xf32, #tpu.memory_space<hbm>> -> memref<10000x128xf32, #tpu.memory_space<hbm>>
      tpu.wait_indirect_dma semaphore(%arg11 : memref<!tpu.dma_semaphore, #tpu.memory_space<semaphore_mem>>) src(%dma_wait3A_258 : memref<10000x128xf32, #tpu.memory_space<hbm>>) dst(%arg7 : memref<128x128xf32, #tpu.memory_space<vmem>>)
      %dma_start3A_259 = arith.constant 0 : i32
      %dma_start3A_260 = tpu.memref_slice %arg6[%add3A_252, %dma_start3A_259] : memref<16x128xi32, #tpu.memory_space<vmem>> -> memref<1x128xi32, #tpu.memory_space<vmem>>
      %dma_start3A_261 = tpu.memref_squeeze %dma_start3A_260 : memref<1x128xi32, #tpu.memory_space<vmem>> -> memref<128xi32, #tpu.memory_space<vmem>>
      %dma_start3A_262 = arith.constant 0 : i32
      %dma_start3A_263 = arith.constant 0 : i32
      %dma_start3A_264 = tpu.memref_slice %arg10[%dma_start3A_262, %dma_start3A_263] : memref<10240x128xf32, #tpu.memory_space<vmem_shared>> -> memref<10240x128xf32, #tpu.memory_space<vmem_shared>>
      tpu.enqueue_indirect_dma source(%arg7 : memref<128x128xf32, #tpu.memory_space<vmem>>) target(%dma_start3A_264 : memref<10240x128xf32, #tpu.memory_space<vmem_shared>>) offsets(%dma_start3A_261 : memref<128xi32, #tpu.memory_space<vmem>>) semaphore(%arg13 : memref<!tpu.dma_semaphore, #tpu.memory_space<semaphore_mem>>) {add = true}
      %get3A = arith.index_cast %add3A_252 : i32 to index
      %get3A_265 = arith.constant 0 : index
      %get3A_266 = tpu.vector_load %arg6[%get3A, %get3A_265] {strides = array<i32>} : memref<16x128xi32, #tpu.memory_space<vmem>>, vector<16xi32>,
      %broadcast_in_dim3A_267 = arith.constant true
      %broadcast_in_dim3A_268 = vector.broadcast %broadcast_in_dim3A_267 : i1 to vector<16xi1>
      %unique3A, %unique3A_269 = tpu.scan_count mask(%broadcast_in_dim3A_268 : vector<16xi1>) value(%get3A_266 : vector<16xi32>) : vector<16xi1>, vector<16xi32>
      %shift_right_logical3A = arith.constant 7 : i32
      %shift_right_logical3A_270 = vector.broadcast %shift_right_logical3A : i32 to vector<16xi32>
      %shift_right_logical3A_271 = arith.shrui %get3A_266, %shift_right_logical3A_270 : vector<16xi32>
      %and3A = arith.constant 127 : i32
      %and3A_272 = vector.broadcast %and3A : i32 to vector<16xi32>
      %and3A_273 = arith.andi %get3A_266, %and3A_272 : vector<16xi32>
      %convert_element_type3A = arith.sitofp %unique3A_269 : vector<16xi32> to vector<16xf32>
      tpu.vector_store_idx %arg9[%shift_right_logical3A_271, %and3A_273], %convert_element_type3A masked %unique3A {add = true} : memref<80x128xf32, #tpu.memory_space<vmem>>[vector<16xi32>, vector<16xi32>], vector<16xf32>, vector<16xi1>
      %get3A_274 = arith.index_cast %add3A_252 : i32 to index
      %get3A_275 = arith.constant 16 : index
      %get3A_276 = tpu.vector_load %arg6[%get3A_274, %get3A_275] {strides = array<i32>} : memref<16x128xi32, #tpu.memory_space<vmem>>, vector<16xi32>,
      %broadcast_in_dim3A_277 = arith.constant true
      %broadcast_in_dim3A_278 = vector.broadcast %broadcast_in_dim3A_277 : i1 to vector<16xi1>
      %unique3A_279, %unique3A_280 = tpu.scan_count mask(%broadcast_in_dim3A_278 : vector<16xi1>) value(%get3A_276 : vector<16xi32>) : vector<16xi1>, vector<16xi32>
      %shift_right_logical3A_281 = arith.constant 7 : i32
      %shift_right_logical3A_282 = vector.broadcast %shift_right_logical3A_281 : i32 to vector<16xi32>
      %shift_right_logical3A_283 = arith.shrui %get3A_276, %shift_right_logical3A_282 : vector<16xi32>
      %and3A_284 = arith.constant 127 : i32
      %and3A_285 = vector.broadcast %and3A_284 : i32 to vector<16xi32>
      %and3A_286 = arith.andi %get3A_276, %and3A_285 : vector<16xi32>
      %convert_element_type3A_287 = arith.sitofp %unique3A_280 : vector<16xi32> to vector<16xf32>
      tpu.vector_store_idx %arg9[%shift_right_logical3A_283, %and3A_286], %convert_element_type3A_287 masked %unique3A_279 {add = true} : memref<80x128xf32, #tpu.memory_space<vmem>>[vector<16xi32>, vector<16xi32>], vector<16xf32>, vector<16xi1>
      %get3A_288 = arith.index_cast %add3A_252 : i32 to index
      %get3A_289 = arith.constant 32 : index
      %get3A_290 = tpu.vector_load %arg6[%get3A_288, %get3A_289] {strides = array<i32>} : memref<16x128xi32, #tpu.memory_space<vmem>>, vector<16xi32>,
      %broadcast_in_dim3A_291 = arith.constant true
      %broadcast_in_dim3A_292 = vector.broadcast %broadcast_in_dim3A_291 : i1 to vector<16xi1>
      %unique3A_293, %unique3A_294 = tpu.scan_count mask(%broadcast_in_dim3A_292 : vector<16xi1>) value(%get3A_290 : vector<16xi32>) : vector<16xi1>, vector<16xi32>
      %shift_right_logical3A_295 = arith.constant 7 : i32
      %shift_right_logical3A_296 = vector.broadcast %shift_right_logical3A_295 : i32 to vector<16xi32>
      %shift_right_logical3A_297 = arith.shrui %get3A_290, %shift_right_logical3A_296 : vector<16xi32>
      %and3A_298 = arith.constant 127 : i32
      %and3A_299 = vector.broadcast %and3A_298 : i32 to vector<16xi32>
      %and3A_300 = arith.andi %get3A_290, %and3A_299 : vector<16xi32>
      %convert_element_type3A_301 = arith.sitofp %unique3A_294 : vector<16xi32> to vector<16xf32>
      tpu.vector_store_idx %arg9[%shift_right_logical3A_297, %and3A_300], %convert_element_type3A_301 masked %unique3A_293 {add = true} : memref<80x128xf32, #tpu.memory_space<vmem>>[vector<16xi32>, vector<16xi32>], vector<16xf32>, vector<16xi1>
      %get3A_302 = arith.index_cast %add3A_252 : i32 to index
      %get3A_303 = arith.constant 48 : index
      %get3A_304 = tpu.vector_load %arg6[%get3A_302, %get3A_303] {strides = array<i32>} : memref<16x128xi32, #tpu.memory_space<vmem>>, vector<16xi32>,
      %broadcast_in_dim3A_305 = arith.constant true
      %broadcast_in_dim3A_306 = vector.broadcast %broadcast_in_dim3A_305 : i1 to vector<16xi1>
      %unique3A_307, %unique3A_308 = tpu.scan_count mask(%broadcast_in_dim3A_306 : vector<16xi1>) value(%get3A_304 : vector<16xi32>) : vector<16xi1>, vector<16xi32>
      %shift_right_logical3A_309 = arith.constant 7 : i32
      %shift_right_logical3A_310 = vector.broadcast %shift_right_logical3A_309 : i32 to vector<16xi32>
      %shift_right_logical3A_311 = arith.shrui %get3A_304, %shift_right_logical3A_310 : vector<16xi32>
      %and3A_312 = arith.constant 127 : i32
      %and3A_313 = vector.broadcast %and3A_312 : i32 to vector<16xi32>
      %and3A_314 = arith.andi %get3A_304, %and3A_313 : vector<16xi32>
      %convert_element_type3A_315 = arith.sitofp %unique3A_308 : vector<16xi32> to vector<16xf32>
      tpu.vector_store_idx %arg9[%shift_right_logical3A_311, %and3A_314], %convert_element_type3A_315 masked %unique3A_307 {add = true} : memref<80x128xf32, #tpu.memory_space<vmem>>[vector<16xi32>, vector<16xi32>], vector<16xf32>, vector<16xi1>
      %get3A_316 = arith.index_cast %add3A_252 : i32 to index
      %get3A_317 = arith.constant 64 : index
      %get3A_318 = tpu.vector_load %arg6[%get3A_316, %get3A_317] {strides = array<i32>} : memref<16x128xi32, #tpu.memory_space<vmem>>, vector<16xi32>,
      %broadcast_in_dim3A_319 = arith.constant true
      %broadcast_in_dim3A_320 = vector.broadcast %broadcast_in_dim3A_319 : i1 to vector<16xi1>
      %unique3A_321, %unique3A_322 = tpu.scan_count mask(%broadcast_in_dim3A_320 : vector<16xi1>) value(%get3A_318 : vector<16xi32>) : vector<16xi1>, vector<16xi32>
      %shift_right_logical3A_323 = arith.constant 7 : i32
      %shift_right_logical3A_324 = vector.broadcast %shift_right_logical3A_323 : i32 to vector<16xi32>
      %shift_right_logical3A_325 = arith.shrui %get3A_318, %shift_right_logical3A_324 : vector<16xi32>
      %and3A_326 = arith.constant 127 : i32
      %and3A_327 = vector.broadcast %and3A_326 : i32 to vector<16xi32>
      %and3A_328 = arith.andi %get3A_318, %and3A_327 : vector<16xi32>
      %convert_element_type3A_329 = arith.sitofp %unique3A_322 : vector<16xi32> to vector<16xf32>
      tpu.vector_store_idx %arg9[%shift_right_logical3A_325, %and3A_328], %convert_element_type3A_329 masked %unique3A_321 {add = true} : memref<80x128xf32, #tpu.memory_space<vmem>>[vector<16xi32>, vector<16xi32>], vector<16xf32>, vector<16xi1>
      %get3A_330 = arith.index_cast %add3A_252 : i32 to index
      %get3A_331 = arith.constant 80 : index
      %get3A_332 = tpu.vector_load %arg6[%get3A_330, %get3A_331] {strides = array<i32>} : memref<16x128xi32, #tpu.memory_space<vmem>>, vector<16xi32>,
      %broadcast_in_dim3A_333 = arith.constant true
      %broadcast_in_dim3A_334 = vector.broadcast %broadcast_in_dim3A_333 : i1 to vector<16xi1>
      %unique3A_335, %unique3A_336 = tpu.scan_count mask(%broadcast_in_dim3A_334 : vector<16xi1>) value(%get3A_332 : vector<16xi32>) : vector<16xi1>, vector<16xi32>
      %shift_right_logical3A_337 = arith.constant 7 : i32
      %shift_right_logical3A_338 = vector.broadcast %shift_right_logical3A_337 : i32 to vector<16xi32>
      %shift_right_logical3A_339 = arith.shrui %get3A_332, %shift_right_logical3A_338 : vector<16xi32>
      %and3A_340 = arith.constant 127 : i32
      %and3A_341 = vector.broadcast %and3A_340 : i32 to vector<16xi32>
      %and3A_342 = arith.andi %get3A_332, %and3A_341 : vector<16xi32>
      %convert_element_type3A_343 = arith.sitofp %unique3A_336 : vector<16xi32> to vector<16xf32>
      tpu.vector_store_idx %arg9[%shift_right_logical3A_339, %and3A_342], %convert_element_type3A_343 masked %unique3A_335 {add = true} : memref<80x128xf32, #tpu.memory_space<vmem>>[vector<16xi32>, vector<16xi32>], vector<16xf32>, vector<16xi1>
      %get3A_344 = arith.index_cast %add3A_252 : i32 to index
      %get3A_345 = arith.constant 96 : index
      %get3A_346 = tpu.vector_load %arg6[%get3A_344, %get3A_345] {strides = array<i32>} : memref<16x128xi32, #tpu.memory_space<vmem>>, vector<16xi32>,
      %broadcast_in_dim3A_347 = arith.constant true
      %broadcast_in_dim3A_348 = vector.broadcast %broadcast_in_dim3A_347 : i1 to vector<16xi1>
      %unique3A_349, %unique3A_350 = tpu.scan_count mask(%broadcast_in_dim3A_348 : vector<16xi1>) value(%get3A_346 : vector<16xi32>) : vector<16xi1>, vector<16xi32>
      %shift_right_logical3A_351 = arith.constant 7 : i32
      %shift_right_logical3A_352 = vector.broadcast %shift_right_logical3A_351 : i32 to vector<16xi32>
      %shift_right_logical3A_353 = arith.shrui %get3A_346, %shift_right_logical3A_352 : vector<16xi32>
      %and3A_354 = arith.constant 127 : i32
      %and3A_355 = vector.broadcast %and3A_354 : i32 to vector<16xi32>
      %and3A_356 = arith.andi %get3A_346, %and3A_355 : vector<16xi32>
      %convert_element_type3A_357 = arith.sitofp %unique3A_350 : vector<16xi32> to vector<16xf32>
      tpu.vector_store_idx %arg9[%shift_right_logical3A_353, %and3A_356], %convert_element_type3A_357 masked %unique3A_349 {add = true} : memref<80x128xf32, #tpu.memory_space<vmem>>[vector<16xi32>, vector<16xi32>], vector<16xf32>, vector<16xi1>
      %get3A_358 = arith.index_cast %add3A_252 : i32 to index
      %get3A_359 = arith.constant 112 : index
      %get3A_360 = tpu.vector_load %arg6[%get3A_358, %get3A_359] {strides = array<i32>} : memref<16x128xi32, #tpu.memory_space<vmem>>, vector<16xi32>,
      %broadcast_in_dim3A_361 = arith.constant true
      %broadcast_in_dim3A_362 = vector.broadcast %broadcast_in_dim3A_361 : i1 to vector<16xi1>
      %unique3A_363, %unique3A_364 = tpu.scan_count mask(%broadcast_in_dim3A_362 : vector<16xi1>) value(%get3A_360 : vector<16xi32>) : vector<16xi1>, vector<16xi32>
      %shift_right_logical3A_365 = arith.constant 7 : i32
      %shift_right_logical3A_366 = vector.broadcast %shift_right_logical3A_365 : i32 to vector<16xi32>
      %shift_right_logical3A_367 = arith.shrui %get3A_360, %shift_right_logical3A_366 : vector<16xi32>
      %and3A_368 = arith.constant 127 : i32
      %and3A_369 = vector.broadcast %and3A_368 : i32 to vector<16xi32>
      %and3A_370 = arith.andi %get3A_360, %and3A_369 : vector<16xi32>
      %convert_element_type3A_371 = arith.sitofp %unique3A_364 : vector<16xi32> to vector<16xf32>
      tpu.vector_store_idx %arg9[%shift_right_logical3A_367, %and3A_370], %convert_element_type3A_371 masked %unique3A_363 {add = true} : memref<80x128xf32, #tpu.memory_space<vmem>>[vector<16xi32>, vector<16xi32>], vector<16xf32>, vector<16xi1>
      %dma_wait3A_372 = arith.constant 0 : i32
      %dma_wait3A_373 = tpu.memref_slice %arg6[%add3A_252, %dma_wait3A_372] : memref<16x128xi32, #tpu.memory_space<vmem>> -> memref<1x128xi32, #tpu.memory_space<vmem>>
      %dma_wait3A_374 = tpu.memref_squeeze %dma_wait3A_373 : memref<1x128xi32, #tpu.memory_space<vmem>> -> memref<128xi32, #tpu.memory_space<vmem>>
      %dma_wait3A_375 = arith.constant 0 : i32
      %dma_wait3A_376 = arith.constant 0 : i32
      %dma_wait3A_377 = tpu.memref_slice %arg10[%dma_wait3A_375, %dma_wait3A_376] : memref<10240x128xf32, #tpu.memory_space<vmem_shared>> -> memref<10240x128xf32, #tpu.memory_space<vmem_shared>>
      tpu.wait_indirect_dma semaphore(%arg13 : memref<!tpu.dma_semaphore, #tpu.memory_space<semaphore_mem>>) src(%arg7 : memref<128x128xf32, #tpu.memory_space<vmem>>) dst(%dma_wait3A_377 : memref<10240x128xf32, #tpu.memory_space<vmem_shared>>)
      %add3A_378 = arith.constant 2 : i32
      %add3A_379 = arith.addi %add3A_252, %add3A_378 : i32
      %min3A = arith.constant 15 : i32
      %min3A_380 = arith.minsi %add3A_379, %min3A : i32
      %dma_start3A_381 = arith.constant 0 : i32
      %dma_start3A_382 = tpu.memref_slice %arg5[%min3A_380, %dma_start3A_381] : memref<16x128xi32, #tpu.memory_space<vmem>> -> memref<1x128xi32, #tpu.memory_space<vmem>>
      %dma_start3A_383 = tpu.memref_squeeze %dma_start3A_382 : memref<1x128xi32, #tpu.memory_space<vmem>> -> memref<128xi32, #tpu.memory_space<vmem>>
      %dma_start3A_384 = arith.constant 0 : i32
      %dma_start3A_385 = arith.constant 0 : i32
      %dma_start3A_386 = tpu.memref_slice %arg2[%dma_start3A_384, %dma_start3A_385] : memref<10000x128xf32, #tpu.memory_space<hbm>> -> memref<10000x128xf32, #tpu.memory_space<hbm>>
      tpu.enqueue_indirect_dma source(%dma_start3A_386 : memref<10000x128xf32, #tpu.memory_space<hbm>>) target(%arg7 : memref<128x128xf32, #tpu.memory_space<vmem>>) offsets(%dma_start3A_383 : memref<128xi32, #tpu.memory_space<vmem>>) semaphore(%arg11 : memref<!tpu.dma_semaphore, #tpu.memory_space<semaphore_mem>>)
      %add3A_387 = arith.constant 1 : i32
      %add3A_388 = arith.addi %mul3A_250, %add3A_387 : i32
      %dma_wait3A_389 = arith.constant 0 : i32
      %dma_wait3A_390 = tpu.memref_slice %arg5[%add3A_388, %dma_wait3A_389] : memref<16x128xi32, #tpu.memory_space<vmem>> -> memref<1x128xi32, #tpu.memory_space<vmem>>
      %dma_wait3A_391 = tpu.memref_squeeze %dma_wait3A_390 : memref<1x128xi32, #tpu.memory_space<vmem>> -> memref<128xi32, #tpu.memory_space<vmem>>
      %dma_wait3A_392 = arith.constant 0 : i32
      %dma_wait3A_393 = arith.constant 0 : i32
      %dma_wait3A_394 = tpu.memref_slice %arg2[%dma_wait3A_392, %dma_wait3A_393] : memref<10000x128xf32, #tpu.memory_space<hbm>> -> memref<10000x128xf32, #tpu.memory_space<hbm>>
      tpu.wait_indirect_dma semaphore(%arg12 : memref<!tpu.dma_semaphore, #tpu.memory_space<semaphore_mem>>) src(%dma_wait3A_394 : memref<10000x128xf32, #tpu.memory_space<hbm>>) dst(%arg8 : memref<128x128xf32, #tpu.memory_space<vmem>>)
      %dma_start3A_395 = arith.constant 0 : i32
      %dma_start3A_396 = tpu.memref_slice %arg6[%add3A_388, %dma_start3A_395] : memref<16x128xi32, #tpu.memory_space<vmem>> -> memref<1x128xi32, #tpu.memory_space<vmem>>
      %dma_start3A_397 = tpu.memref_squeeze %dma_start3A_396 : memref<1x128xi32, #tpu.memory_space<vmem>> -> memref<128xi32, #tpu.memory_space<vmem>>
      %dma_start3A_398 = arith.constant 0 : i32
      %dma_start3A_399 = arith.constant 0 : i32
      %dma_start3A_400 = tpu.memref_slice %arg10[%dma_start3A_398, %dma_start3A_399] : memref<10240x128xf32, #tpu.memory_space<vmem_shared>> -> memref<10240x128xf32, #tpu.memory_space<vmem_shared>>
      tpu.enqueue_indirect_dma source(%arg8 : memref<128x128xf32, #tpu.memory_space<vmem>>) target(%dma_start3A_400 : memref<10240x128xf32, #tpu.memory_space<vmem_shared>>) offsets(%dma_start3A_397 : memref<128xi32, #tpu.memory_space<vmem>>) semaphore(%arg14 : memref<!tpu.dma_semaphore, #tpu.memory_space<semaphore_mem>>) {add = true}
      %get3A_401 = arith.index_cast %add3A_388 : i32 to index
      %get3A_402 = arith.constant 0 : index
      %get3A_403 = tpu.vector_load %arg6[%get3A_401, %get3A_402] {strides = array<i32>} : memref<16x128xi32, #tpu.memory_space<vmem>>, vector<16xi32>,
      %broadcast_in_dim3A_404 = arith.constant true
      %broadcast_in_dim3A_405 = vector.broadcast %broadcast_in_dim3A_404 : i1 to vector<16xi1>
      %unique3A_406, %unique3A_407 = tpu.scan_count mask(%broadcast_in_dim3A_405 : vector<16xi1>) value(%get3A_403 : vector<16xi32>) : vector<16xi1>, vector<16xi32>
      %shift_right_logical3A_408 = arith.constant 7 : i32
      %shift_right_logical3A_409 = vector.broadcast %shift_right_logical3A_408 : i32 to vector<16xi32>
      %shift_right_logical3A_410 = arith.shrui %get3A_403, %shift_right_logical3A_409 : vector<16xi32>
      %and3A_411 = arith.constant 127 : i32
      %and3A_412 = vector.broadcast %and3A_411 : i32 to vector<16xi32>
      %and3A_413 = arith.andi %get3A_403, %and3A_412 : vector<16xi32>
      %convert_element_type3A_414 = arith.sitofp %unique3A_407 : vector<16xi32> to vector<16xf32>
      tpu.vector_store_idx %arg9[%shift_right_logical3A_410, %and3A_413], %convert_element_type3A_414 masked %unique3A_406 {add = true} : memref<80x128xf32, #tpu.memory_space<vmem>>[vector<16xi32>, vector<16xi32>], vector<16xf32>, vector<16xi1>
      %get3A_415 = arith.index_cast %add3A_388 : i32 to index
      %get3A_416 = arith.constant 16 : index
      %get3A_417 = tpu.vector_load %arg6[%get3A_415, %get3A_416] {strides = array<i32>} : memref<16x128xi32, #tpu.memory_space<vmem>>, vector<16xi32>,
      %broadcast_in_dim3A_418 = arith.constant true
      %broadcast_in_dim3A_419 = vector.broadcast %broadcast_in_dim3A_418 : i1 to vector<16xi1>
      %unique3A_420, %unique3A_421 = tpu.scan_count mask(%broadcast_in_dim3A_419 : vector<16xi1>) value(%get3A_417 : vector<16xi32>) : vector<16xi1>, vector<16xi32>
      %shift_right_logical3A_422 = arith.constant 7 : i32
      %shift_right_logical3A_423 = vector.broadcast %shift_right_logical3A_422 : i32 to vector<16xi32>
      %shift_right_logical3A_424 = arith.shrui %get3A_417, %shift_right_logical3A_423 : vector<16xi32>
      %and3A_425 = arith.constant 127 : i32
      %and3A_426 = vector.broadcast %and3A_425 : i32 to vector<16xi32>
      %and3A_427 = arith.andi %get3A_417, %and3A_426 : vector<16xi32>
      %convert_element_type3A_428 = arith.sitofp %unique3A_421 : vector<16xi32> to vector<16xf32>
      tpu.vector_store_idx %arg9[%shift_right_logical3A_424, %and3A_427], %convert_element_type3A_428 masked %unique3A_420 {add = true} : memref<80x128xf32, #tpu.memory_space<vmem>>[vector<16xi32>, vector<16xi32>], vector<16xf32>, vector<16xi1>
      %get3A_429 = arith.index_cast %add3A_388 : i32 to index
      %get3A_430 = arith.constant 32 : index
      %get3A_431 = tpu.vector_load %arg6[%get3A_429, %get3A_430] {strides = array<i32>} : memref<16x128xi32, #tpu.memory_space<vmem>>, vector<16xi32>,
      %broadcast_in_dim3A_432 = arith.constant true
      %broadcast_in_dim3A_433 = vector.broadcast %broadcast_in_dim3A_432 : i1 to vector<16xi1>
      %unique3A_434, %unique3A_435 = tpu.scan_count mask(%broadcast_in_dim3A_433 : vector<16xi1>) value(%get3A_431 : vector<16xi32>) : vector<16xi1>, vector<16xi32>
      %shift_right_logical3A_436 = arith.constant 7 : i32
      %shift_right_logical3A_437 = vector.broadcast %shift_right_logical3A_436 : i32 to vector<16xi32>
      %shift_right_logical3A_438 = arith.shrui %get3A_431, %shift_right_logical3A_437 : vector<16xi32>
      %and3A_439 = arith.constant 127 : i32
      %and3A_440 = vector.broadcast %and3A_439 : i32 to vector<16xi32>
      %and3A_441 = arith.andi %get3A_431, %and3A_440 : vector<16xi32>
      %convert_element_type3A_442 = arith.sitofp %unique3A_435 : vector<16xi32> to vector<16xf32>
      tpu.vector_store_idx %arg9[%shift_right_logical3A_438, %and3A_441], %convert_element_type3A_442 masked %unique3A_434 {add = true} : memref<80x128xf32, #tpu.memory_space<vmem>>[vector<16xi32>, vector<16xi32>], vector<16xf32>, vector<16xi1>
      %get3A_443 = arith.index_cast %add3A_388 : i32 to index
      %get3A_444 = arith.constant 48 : index
      %get3A_445 = tpu.vector_load %arg6[%get3A_443, %get3A_444] {strides = array<i32>} : memref<16x128xi32, #tpu.memory_space<vmem>>, vector<16xi32>,
      %broadcast_in_dim3A_446 = arith.constant true
      %broadcast_in_dim3A_447 = vector.broadcast %broadcast_in_dim3A_446 : i1 to vector<16xi1>
      %unique3A_448, %unique3A_449 = tpu.scan_count mask(%broadcast_in_dim3A_447 : vector<16xi1>) value(%get3A_445 : vector<16xi32>) : vector<16xi1>, vector<16xi32>
      %shift_right_logical3A_450 = arith.constant 7 : i32
      %shift_right_logical3A_451 = vector.broadcast %shift_right_logical3A_450 : i32 to vector<16xi32>
      %shift_right_logical3A_452 = arith.shrui %get3A_445, %shift_right_logical3A_451 : vector<16xi32>
      %and3A_453 = arith.constant 127 : i32
      %and3A_454 = vector.broadcast %and3A_453 : i32 to vector<16xi32>
      %and3A_455 = arith.andi %get3A_445, %and3A_454 : vector<16xi32>
      %convert_element_type3A_456 = arith.sitofp %unique3A_449 : vector<16xi32> to vector<16xf32>
      tpu.vector_store_idx %arg9[%shift_right_logical3A_452, %and3A_455], %convert_element_type3A_456 masked %unique3A_448 {add = true} : memref<80x128xf32, #tpu.memory_space<vmem>>[vector<16xi32>, vector<16xi32>], vector<16xf32>, vector<16xi1>
      %get3A_457 = arith.index_cast %add3A_388 : i32 to index
      %get3A_458 = arith.constant 64 : index
      %get3A_459 = tpu.vector_load %arg6[%get3A_457, %get3A_458] {strides = array<i32>} : memref<16x128xi32, #tpu.memory_space<vmem>>, vector<16xi32>,
      %broadcast_in_dim3A_460 = arith.constant true
      %broadcast_in_dim3A_461 = vector.broadcast %broadcast_in_dim3A_460 : i1 to vector<16xi1>
      %unique3A_462, %unique3A_463 = tpu.scan_count mask(%broadcast_in_dim3A_461 : vector<16xi1>) value(%get3A_459 : vector<16xi32>) : vector<16xi1>, vector<16xi32>
      %shift_right_logical3A_464 = arith.constant 7 : i32
      %shift_right_logical3A_465 = vector.broadcast %shift_right_logical3A_464 : i32 to vector<16xi32>
      %shift_right_logical3A_466 = arith.shrui %get3A_459, %shift_right_logical3A_465 : vector<16xi32>
      %and3A_467 = arith.constant 127 : i32
      %and3A_468 = vector.broadcast %and3A_467 : i32 to vector<16xi32>
      %and3A_469 = arith.andi %get3A_459, %and3A_468 : vector<16xi32>
      %convert_element_type3A_470 = arith.sitofp %unique3A_463 : vector<16xi32> to vector<16xf32>
      tpu.vector_store_idx %arg9[%shift_right_logical3A_466, %and3A_469], %convert_element_type3A_470 masked %unique3A_462 {add = true} : memref<80x128xf32, #tpu.memory_space<vmem>>[vector<16xi32>, vector<16xi32>], vector<16xf32>, vector<16xi1>
      %get3A_471 = arith.index_cast %add3A_388 : i32 to index
      %get3A_472 = arith.constant 80 : index
      %get3A_473 = tpu.vector_load %arg6[%get3A_471, %get3A_472] {strides = array<i32>} : memref<16x128xi32, #tpu.memory_space<vmem>>, vector<16xi32>,
      %broadcast_in_dim3A_474 = arith.constant true
      %broadcast_in_dim3A_475 = vector.broadcast %broadcast_in_dim3A_474 : i1 to vector<16xi1>
      %unique3A_476, %unique3A_477 = tpu.scan_count mask(%broadcast_in_dim3A_475 : vector<16xi1>) value(%get3A_473 : vector<16xi32>) : vector<16xi1>, vector<16xi32>
      %shift_right_logical3A_478 = arith.constant 7 : i32
      %shift_right_logical3A_479 = vector.broadcast %shift_right_logical3A_478 : i32 to vector<16xi32>
      %shift_right_logical3A_480 = arith.shrui %get3A_473, %shift_right_logical3A_479 : vector<16xi32>
      %and3A_481 = arith.constant 127 : i32
      %and3A_482 = vector.broadcast %and3A_481 : i32 to vector<16xi32>
      %and3A_483 = arith.andi %get3A_473, %and3A_482 : vector<16xi32>
      %convert_element_type3A_484 = arith.sitofp %unique3A_477 : vector<16xi32> to vector<16xf32>
      tpu.vector_store_idx %arg9[%shift_right_logical3A_480, %and3A_483], %convert_element_type3A_484 masked %unique3A_476 {add = true} : memref<80x128xf32, #tpu.memory_space<vmem>>[vector<16xi32>, vector<16xi32>], vector<16xf32>, vector<16xi1>
      %get3A_485 = arith.index_cast %add3A_388 : i32 to index
      %get3A_486 = arith.constant 96 : index
      %get3A_487 = tpu.vector_load %arg6[%get3A_485, %get3A_486] {strides = array<i32>} : memref<16x128xi32, #tpu.memory_space<vmem>>, vector<16xi32>,
      %broadcast_in_dim3A_488 = arith.constant true
      %broadcast_in_dim3A_489 = vector.broadcast %broadcast_in_dim3A_488 : i1 to vector<16xi1>
      %unique3A_490, %unique3A_491 = tpu.scan_count mask(%broadcast_in_dim3A_489 : vector<16xi1>) value(%get3A_487 : vector<16xi32>) : vector<16xi1>, vector<16xi32>
      %shift_right_logical3A_492 = arith.constant 7 : i32
      %shift_right_logical3A_493 = vector.broadcast %shift_right_logical3A_492 : i32 to vector<16xi32>
      %shift_right_logical3A_494 = arith.shrui %get3A_487, %shift_right_logical3A_493 : vector<16xi32>
      %and3A_495 = arith.constant 127 : i32
      %and3A_496 = vector.broadcast %and3A_495 : i32 to vector<16xi32>
      %and3A_497 = arith.andi %get3A_487, %and3A_496 : vector<16xi32>
      %convert_element_type3A_498 = arith.sitofp %unique3A_491 : vector<16xi32> to vector<16xf32>
      tpu.vector_store_idx %arg9[%shift_right_logical3A_494, %and3A_497], %convert_element_type3A_498 masked %unique3A_490 {add = true} : memref<80x128xf32, #tpu.memory_space<vmem>>[vector<16xi32>, vector<16xi32>], vector<16xf32>, vector<16xi1>
      %get3A_499 = arith.index_cast %add3A_388 : i32 to index
      %get3A_500 = arith.constant 112 : index
      %get3A_501 = tpu.vector_load %arg6[%get3A_499, %get3A_500] {strides = array<i32>} : memref<16x128xi32, #tpu.memory_space<vmem>>, vector<16xi32>,
      %broadcast_in_dim3A_502 = arith.constant true
      %broadcast_in_dim3A_503 = vector.broadcast %broadcast_in_dim3A_502 : i1 to vector<16xi1>
      %unique3A_504, %unique3A_505 = tpu.scan_count mask(%broadcast_in_dim3A_503 : vector<16xi1>) value(%get3A_501 : vector<16xi32>) : vector<16xi1>, vector<16xi32>
      %shift_right_logical3A_506 = arith.constant 7 : i32
      %shift_right_logical3A_507 = vector.broadcast %shift_right_logical3A_506 : i32 to vector<16xi32>
      %shift_right_logical3A_508 = arith.shrui %get3A_501, %shift_right_logical3A_507 : vector<16xi32>
      %and3A_509 = arith.constant 127 : i32
      %and3A_510 = vector.broadcast %and3A_509 : i32 to vector<16xi32>
      %and3A_511 = arith.andi %get3A_501, %and3A_510 : vector<16xi32>
      %convert_element_type3A_512 = arith.sitofp %unique3A_505 : vector<16xi32> to vector<16xf32>
      tpu.vector_store_idx %arg9[%shift_right_logical3A_508, %and3A_511], %convert_element_type3A_512 masked %unique3A_504 {add = true} : memref<80x128xf32, #tpu.memory_space<vmem>>[vector<16xi32>, vector<16xi32>], vector<16xf32>, vector<16xi1>
      %dma_wait3A_513 = arith.constant 0 : i32
      %dma_wait3A_514 = tpu.memref_slice %arg6[%add3A_388, %dma_wait3A_513] : memref<16x128xi32, #tpu.memory_space<vmem>> -> memref<1x128xi32, #tpu.memory_space<vmem>>
      %dma_wait3A_515 = tpu.memref_squeeze %dma_wait3A_514 : memref<1x128xi32, #tpu.memory_space<vmem>> -> memref<128xi32, #tpu.memory_space<vmem>>
      %dma_wait3A_516 = arith.constant 0 : i32
      %dma_wait3A_517 = arith.constant 0 : i32
      %dma_wait3A_518 = tpu.memref_slice %arg10[%dma_wait3A_516, %dma_wait3A_517] : memref<10240x128xf32, #tpu.memory_space<vmem_shared>> -> memref<10240x128xf32, #tpu.memory_space<vmem_shared>>
      tpu.wait_indirect_dma semaphore(%arg14 : memref<!tpu.dma_semaphore, #tpu.memory_space<semaphore_mem>>) src(%arg8 : memref<128x128xf32, #tpu.memory_space<vmem>>) dst(%dma_wait3A_518 : memref<10240x128xf32, #tpu.memory_space<vmem_shared>>)
      %add3A_519 = arith.constant 2 : i32
      %add3A_520 = arith.addi %add3A_388, %add3A_519 : i32
      %min3A_521 = arith.constant 15 : i32
      %min3A_522 = arith.minsi %add3A_520, %min3A_521 : i32
      %dma_start3A_523 = arith.constant 0 : i32
      %dma_start3A_524 = tpu.memref_slice %arg5[%min3A_522, %dma_start3A_523] : memref<16x128xi32, #tpu.memory_space<vmem>> -> memref<1x128xi32, #tpu.memory_space<vmem>>
      %dma_start3A_525 = tpu.memref_squeeze %dma_start3A_524 : memref<1x128xi32, #tpu.memory_space<vmem>> -> memref<128xi32, #tpu.memory_space<vmem>>
      %dma_start3A_526 = arith.constant 0 : i32
      %dma_start3A_527 = arith.constant 0 : i32
      %dma_start3A_528 = tpu.memref_slice %arg2[%dma_start3A_526, %dma_start3A_527] : memref<10000x128xf32, #tpu.memory_space<hbm>> -> memref<10000x128xf32, #tpu.memory_space<hbm>>
      tpu.enqueue_indirect_dma source(%dma_start3A_528 : memref<10000x128xf32, #tpu.memory_space<hbm>>) target(%arg8 : memref<128x128xf32, #tpu.memory_space<vmem>>) offsets(%dma_start3A_525 : memref<128xi32, #tpu.memory_space<vmem>>) semaphore(%arg12 : memref<!tpu.dma_semaphore, #tpu.memory_space<semaphore_mem>>)
    }
    %scan3A_221 = arith.constant 8 : i32
    %dma_wait3A_222 = arith.constant 15 : i32
    %dma_wait3A_223 = arith.constant 0 : i32
    %dma_wait3A_224 = tpu.memref_slice %arg5[%dma_wait3A_222, %dma_wait3A_223] : memref<16x128xi32, #tpu.memory_space<vmem>> -> memref<1x128xi32, #tpu.memory_space<vmem>>
    %dma_wait3A_225 = tpu.memref_squeeze %dma_wait3A_224 : memref<1x128xi32, #tpu.memory_space<vmem>> -> memref<128xi32, #tpu.memory_space<vmem>>
    %dma_wait3A_226 = arith.constant 0 : i32
    %dma_wait3A_227 = arith.constant 0 : i32
    %dma_wait3A_228 = tpu.memref_slice %arg2[%dma_wait3A_226, %dma_wait3A_227] : memref<10000x128xf32, #tpu.memory_space<hbm>> -> memref<10000x128xf32, #tpu.memory_space<hbm>>
    tpu.wait_indirect_dma semaphore(%arg11 : memref<!tpu.dma_semaphore, #tpu.memory_space<semaphore_mem>>) src(%dma_wait3A_228 : memref<10000x128xf32, #tpu.memory_space<hbm>>) dst(%arg7 : memref<128x128xf32, #tpu.memory_space<vmem>>)
    %dma_wait3A_229 = arith.constant 15 : i32
    %dma_wait3A_230 = arith.constant 0 : i32
    %dma_wait3A_231 = tpu.memref_slice %arg5[%dma_wait3A_229, %dma_wait3A_230] : memref<16x128xi32, #tpu.memory_space<vmem>> -> memref<1x128xi32, #tpu.memory_space<vmem>>
    %dma_wait3A_232 = tpu.memref_squeeze %dma_wait3A_231 : memref<1x128xi32, #tpu.memory_space<vmem>> -> memref<128xi32, #tpu.memory_space<vmem>>
    %dma_wait3A_233 = arith.constant 0 : i32
    %dma_wait3A_234 = arith.constant 0 : i32
    %dma_wait3A_235 = tpu.memref_slice %arg2[%dma_wait3A_233, %dma_wait3A_234] : memref<10000x128xf32, #tpu.memory_space<hbm>> -> memref<10000x128xf32, #tpu.memory_space<hbm>>
    tpu.wait_indirect_dma semaphore(%arg12 : memref<!tpu.dma_semaphore, #tpu.memory_space<semaphore_mem>>) src(%dma_wait3A_235 : memref<10000x128xf32, #tpu.memory_space<hbm>>) dst(%arg8 : memref<128x128xf32, #tpu.memory_space<vmem>>)
    %mul3A_236 = arith.constant 80 : i32
    %mul3A_237 = arith.muli %add3A, %mul3A_236 : i32
    %add3A_238 = arith.constant 20480 : i32
    %add3A_239 = arith.addi %add3A_238, %mul3A_237 : i32
    "tpu.region"() ({
      %run_scoped3A = tpu.sem_alloc : memref<!tpu.dma_semaphore, #tpu.memory_space<semaphore_mem>>
      %dma_start3A_244 = arith.constant 0 : i32
      %dma_start3A_245 = tpu.memref_slice %arg4[%add3A_239, %dma_start3A_244] : memref<23040x128xf32, #tpu.memory_space<hbm>> -> memref<80x128xf32, #tpu.memory_space<hbm>>
      %dma_start3A_246 = arith.constant 0 : i32
      %dma_start3A_247 = tpu.memref_slice %arg4[%add3A_239, %dma_start3A_246] : memref<23040x128xf32, #tpu.memory_space<hbm>> -> memref<80x128xf32, #tpu.memory_space<hbm>>
      tpu.enqueue_dma source(%arg9 : memref<80x128xf32, #tpu.memory_space<vmem>>) target(%dma_start3A_247 : memref<80x128xf32, #tpu.memory_space<hbm>>) target_semaphore(%run_scoped3A : memref<!tpu.dma_semaphore, #tpu.memory_space<semaphore_mem>>)
      %dma_wait3A_248 = arith.constant 0 : i32
      %dma_wait3A_249 = tpu.memref_slice %arg4[%add3A_239, %dma_wait3A_248] : memref<23040x128xf32, #tpu.memory_space<hbm>> -> memref<80x128xf32, #tpu.memory_space<hbm>>
      %dma_wait3A_250 = arith.constant 0 : i32
      %dma_wait3A_251 = tpu.memref_slice %arg4[%add3A_239, %dma_wait3A_250] : memref<23040x128xf32, #tpu.memory_space<hbm>> -> memref<80x128xf32, #tpu.memory_space<hbm>>
      tpu.wait_dma2 semaphore(%run_scoped3A : memref<!tpu.dma_semaphore, #tpu.memory_space<semaphore_mem>>) src(%arg9 : memref<80x128xf32, #tpu.memory_space<vmem>>) dst(%dma_wait3A_251 : memref<80x128xf32, #tpu.memory_space<hbm>>)
      tpu.yield
    }) : () -> ()
    %barrier3A_240 = arith.constant 0 : index
    tpu.barrier barrier_id(%barrier3A_240)
    %mul3A_241 = arith.constant 10240 : i32
    %mul3A_242 = arith.muli %arg0, %mul3A_241 : i32
    %add3A_243 = arith.addi %mul3A_242, %mul3A_2 : i32
    "tpu.region"() ({
      %run_scoped3A = tpu.sem_alloc : memref<!tpu.dma_semaphore, #tpu.memory_space<semaphore_mem>>
      %dma_start3A_244 = arith.constant 0 : i32
      %dma_start3A_245 = tpu.memref_slice %arg4[%add3A_243, %dma_start3A_244] : memref<23040x128xf32, #tpu.memory_space<hbm>> -> memref<640x128xf32, #tpu.memory_space<hbm>>
      %dma_start3A_246 = arith.constant 0 : i32
      %dma_start3A_247 = tpu.memref_slice %arg10[%mul3A_2, %dma_start3A_246] : memref<10240x128xf32, #tpu.memory_space<vmem_shared>> -> memref<640x128xf32, #tpu.memory_space<vmem_shared>>
      tpu.enqueue_dma source(%dma_start3A_247 : memref<640x128xf32, #tpu.memory_space<vmem_shared>>) target(%dma_start3A_245 : memref<640x128xf32, #tpu.memory_space<hbm>>) target_semaphore(%run_scoped3A : memref<!tpu.dma_semaphore, #tpu.memory_space<semaphore_mem>>)
      %dma_wait3A_248 = arith.constant 0 : i32
      %dma_wait3A_249 = tpu.memref_slice %arg4[%add3A_243, %dma_wait3A_248] : memref<23040x128xf32, #tpu.memory_space<hbm>> -> memref<640x128xf32, #tpu.memory_space<hbm>>
      %dma_wait3A_250 = arith.constant 0 : i32
      %dma_wait3A_251 = tpu.memref_slice %arg10[%mul3A_2, %dma_wait3A_250] : memref<10240x128xf32, #tpu.memory_space<vmem_shared>> -> memref<640x128xf32, #tpu.memory_space<vmem_shared>>
      tpu.wait_dma2 semaphore(%run_scoped3A : memref<!tpu.dma_semaphore, #tpu.memory_space<semaphore_mem>>) src(%dma_wait3A_251 : memref<640x128xf32, #tpu.memory_space<vmem_shared>>) dst(%dma_wait3A_249 : memref<640x128xf32, #tpu.memory_space<hbm>>)
      tpu.yield
    }) : () -> ()
    return
  }
}

module attributes {stable_mosaic.version = 14 : i64} {
  func.func @_prep_body(%arg0: i32, %arg1: memref<2x320000xi32, #tpu.memory_space<vmem>>, %arg2: memref<2x60x128xi32, #tpu.memory_space<vmem>>, %arg3: memref<5120x128xi32, #tpu.memory_space<vmem>>) attributes {dimension_semantics = [#tpu.dimension_semantics<arbitrary>], iteration_bounds = array<i64: 1>, scalar_prefetch = 0 : i64, scratch_operands = 0 : i64, tpu.core_type = #tpu.core_type<tc>, window_params = [{pipeline_mode = #tpu.pipeline_mode<synchronous>, transform_indices = @transform_0, window_bounds = array<i64: 2, 320000>}, {pipeline_mode = #tpu.pipeline_mode<synchronous>, transform_indices = @transform_1, window_bounds = array<i64: 2, 60, 128>}, {pipeline_mode = #tpu.pipeline_mode<synchronous>, transform_indices = @transform_2, window_bounds = array<i64: 5120, 128>}]} {
    %get3A = arith.constant 0 : index
    %get3A_0 = arith.constant 0 : index
    %get3A_1 = vector.load %arg1[%get3A, %get3A_0] : memref<2x320000xi32, #tpu.memory_space<vmem>>, vector<1x320000xi32>
    %get3A_2 = vector.shape_cast %get3A_1 : vector<1x320000xi32> to vector<320000xi32>
    %reshape3A = vector.shape_cast %get3A_2 : vector<320000xi32> to vector<2500x128xi32>
    %get3A_3 = arith.constant 1 : index
    %get3A_4 = arith.constant 0 : index
    %get3A_5 = vector.load %arg1[%get3A_3, %get3A_4] : memref<2x320000xi32, #tpu.memory_space<vmem>>, vector<1x320000xi32>
    %get3A_6 = vector.shape_cast %get3A_5 : vector<1x320000xi32> to vector<320000xi32>
    %reshape3A_7 = vector.shape_cast %get3A_6 : vector<320000xi32> to vector<2500x128xi32>
    %get3A_8 = arith.constant 0 : index
    %get3A_9 = arith.constant 0 : index
    %get3A_10 = arith.constant 0 : index
    %get3A_11 = vector.load %arg2[%get3A_8, %get3A_9, %get3A_10] : memref<2x60x128xi32, #tpu.memory_space<vmem>>, vector<1x60x128xi32>
    %get3A_12 = vector.shape_cast %get3A_11 : vector<1x60x128xi32> to vector<60x128xi32>
    %get3A_13 = arith.constant 1 : index
    %get3A_14 = arith.constant 0 : index
    %get3A_15 = arith.constant 0 : index
    %get3A_16 = vector.load %arg2[%get3A_13, %get3A_14, %get3A_15] : memref<2x60x128xi32, #tpu.memory_space<vmem>>, vector<1x60x128xi32>
    %get3A_17 = vector.shape_cast %get3A_16 : vector<1x60x128xi32> to vector<60x128xi32>
    %concatenate3A = tpu.concatenate %reshape3A, %get3A_12, %reshape3A_7, %get3A_17 in 0 : vector<2500x128xi32>, vector<60x128xi32>, vector<2500x128xi32>, vector<60x128xi32> -> vector<5120x128xi32>
    %swap3A = arith.constant 0 : index
    %swap3A_18 = arith.constant 0 : index
    %swap3A_19 = vector.load %arg3[%swap3A, %swap3A_18] : memref<5120x128xi32, #tpu.memory_space<vmem>>, vector<5120x128xi32>
    tpu.vector_store %arg3[%swap3A, %swap3A_18], %concatenate3A {strides = array<i32>} : memref<5120x128xi32, #tpu.memory_space<vmem>>, vector<5120x128xi32>,
    return
  }
  func.func @transform_0(%arg0: i32) -> (i32, i32) {
    %c0_i32 = arith.constant 0 : i32
    %c0_i32_0 = arith.constant 0 : i32
    %c0_i32_1 = arith.constant 0 : i32
    return %c0_i32, %c0_i32_0 : i32, i32
  }
  func.func @transform_1(%arg0: i32) -> (i32, i32, i32) {
    %c0_i32 = arith.constant 0 : i32
    %c0_i32_0 = arith.constant 0 : i32
    %c0_i32_1 = arith.constant 0 : i32
    %c0_i32_2 = arith.constant 0 : i32
    return %c0_i32, %c0_i32_0, %c0_i32_1 : i32, i32, i32
  }
  func.func @transform_2(%arg0: i32) -> (i32, i32) {
    %c0_i32 = arith.constant 0 : i32
    %c0_i32_0 = arith.constant 0 : i32
    %c0_i32_1 = arith.constant 0 : i32
    return %c0_i32, %c0_i32_0 : i32, i32
  }
}

module attributes {stable_mosaic.version = 14 : i64} {
  func.func @_mlp_body(%arg0: i32, %arg1: memref<1024x128xf32, #tpu.memory_space<vmem>>, %arg2: memref<1024x128xf32, #tpu.memory_space<vmem>>, %arg3: memref<32x1024xf32, #tpu.memory_space<vmem>>, %arg4: memref<128x128xf32, #tpu.memory_space<vmem>>, %arg5: memref<1x128xf32, #tpu.memory_space<vmem>>, %arg6: memref<128x128xf32, #tpu.memory_space<vmem>>, %arg7: memref<1x128xf32, #tpu.memory_space<vmem>>, %arg8: memref<1024x128xf32, #tpu.memory_space<vmem>>) attributes {dimension_semantics = [#tpu.dimension_semantics<arbitrary>], iteration_bounds = array<i64: 10>, scalar_prefetch = 0 : i64, scratch_operands = 0 : i64, tpu.core_type = #tpu.core_type<tc>, window_params = [{transform_indices = @transform_0, window_bounds = array<i64: 1024, 128>}, {transform_indices = @transform_1, window_bounds = array<i64: 1024, 128>}, {transform_indices = @transform_2, window_bounds = array<i64: 32, 1024>}, {pipeline_mode = #tpu.pipeline_mode<synchronous>, transform_indices = @transform_3, window_bounds = array<i64: 128, 128>}, {pipeline_mode = #tpu.pipeline_mode<synchronous>, transform_indices = @transform_4, window_bounds = array<i64: 1, 128>}, {pipeline_mode = #tpu.pipeline_mode<synchronous>, transform_indices = @transform_5, window_bounds = array<i64: 128, 128>}, {pipeline_mode = #tpu.pipeline_mode<synchronous>, transform_indices = @transform_6, window_bounds = array<i64: 1, 128>}, {transform_indices = @transform_7, window_bounds = array<i64: 1024, 128>}]} {
    %get3A = arith.constant 0 : index
    %get3A_0 = arith.constant 0 : index
    %get3A_1 = vector.load %arg1[%get3A, %get3A_0] : memref<1024x128xf32, #tpu.memory_space<vmem>>, vector<1024x128xf32>
    %get3A_2 = arith.constant 0 : index
    %get3A_3 = arith.constant 0 : index
    %get3A_4 = vector.load %arg2[%get3A_2, %get3A_3] : memref<1024x128xf32, #tpu.memory_space<vmem>>, vector<1024x128xf32>
    %add3A = arith.addf %get3A_1, %get3A_4 : vector<1024x128xf32>
    %get3A_5 = arith.constant 0 : index
    %get3A_6 = arith.constant 0 : index
    %get3A_7 = vector.load %arg3[%get3A_5, %get3A_6] : memref<32x1024xf32, #tpu.memory_space<vmem>>, vector<32x1024xf32>
    %reduce_sum3A = arith.constant dense<0.000000e+00> : vector<1024xf32>
    %reduce_sum3A_8 = vector.multi_reduction <add>, %get3A_7, %reduce_sum3A [0] : vector<32x1024xf32> to vector<1024xf32>
    %broadcast_in_dim3A = vector.shape_cast %reduce_sum3A_8 : vector<1024xf32> to vector<1024x1xf32>
    %add3A_9 = arith.constant 9.99999993E-9 : f32
    %add3A_10 = vector.broadcast %add3A_9 : f32 to vector<1024x1xf32>
    %add3A_11 = arith.addf %broadcast_in_dim3A, %add3A_10 : vector<1024x1xf32>
    %div3A = vector.broadcast %add3A_11 : vector<1024x1xf32> to vector<1024x128xf32>
    %div3A_12 = arith.divf %add3A, %div3A : vector<1024x128xf32>
    %get3A_13 = arith.constant 0 : index
    %get3A_14 = arith.constant 0 : index
    %get3A_15 = vector.load %arg4[%get3A_13, %get3A_14] : memref<128x128xf32, #tpu.memory_space<vmem>>, vector<128x128xf32>
    %dot_general3A = arith.constant dense<0.000000e+00> : vector<1024x128xf32>
    %dot_general3A_16 = tpu.matmul %div3A_12, %get3A_15, %dot_general3A {dimension_numbers = #tpu.dot_dimension_numbers<[1], [0], [0], [1], [0, 0, 1, 1], [], []>, transpose_lhs_hint = false} : vector<1024x128xf32>, vector<128x128xf32>, vector<1024x128xf32> -> vector<1024x128xf32>
    %get3A_17 = arith.constant 0 : index
    %get3A_18 = arith.constant 0 : index
    %get3A_19 = vector.load %arg5[%get3A_17, %get3A_18] : memref<1x128xf32, #tpu.memory_space<vmem>>, vector<1x128xf32>
    %add3A_20 = vector.broadcast %get3A_19 : vector<1x128xf32> to vector<1024x128xf32>
    %add3A_21 = arith.addf %dot_general3A_16, %add3A_20 : vector<1024x128xf32>
    %tanh3A = math.tanh %add3A_21 : vector<1024x128xf32>
    %get3A_22 = arith.constant 0 : index
    %get3A_23 = arith.constant 0 : index
    %get3A_24 = vector.load %arg6[%get3A_22, %get3A_23] : memref<128x128xf32, #tpu.memory_space<vmem>>, vector<128x128xf32>
    %dot_general3A_25 = arith.constant dense<0.000000e+00> : vector<1024x128xf32>
    %dot_general3A_26 = tpu.matmul %tanh3A, %get3A_24, %dot_general3A_25 {dimension_numbers = #tpu.dot_dimension_numbers<[1], [0], [0], [1], [0, 0, 1, 1], [], []>, transpose_lhs_hint = false} : vector<1024x128xf32>, vector<128x128xf32>, vector<1024x128xf32> -> vector<1024x128xf32>
    %get3A_27 = arith.constant 0 : index
    %get3A_28 = arith.constant 0 : index
    %get3A_29 = vector.load %arg7[%get3A_27, %get3A_28] : memref<1x128xf32, #tpu.memory_space<vmem>>, vector<1x128xf32>
    %add3A_30 = vector.broadcast %get3A_29 : vector<1x128xf32> to vector<1024x128xf32>
    %add3A_31 = arith.addf %dot_general3A_26, %add3A_30 : vector<1024x128xf32>
    %swap3A = arith.constant 0 : index
    %swap3A_32 = arith.constant 0 : index
    %swap3A_33 = vector.load %arg8[%swap3A, %swap3A_32] : memref<1024x128xf32, #tpu.memory_space<vmem>>, vector<1024x128xf32>
    tpu.vector_store %arg8[%swap3A, %swap3A_32], %add3A_31 {strides = array<i32>} : memref<1024x128xf32, #tpu.memory_space<vmem>>, vector<1024x128xf32>,
    return
  }
  func.func @transform_0(%arg0: i32) -> (i32, i32) {
    %c0_i32 = arith.constant 0 : i32
    %c0_i32_0 = arith.constant 0 : i32
    return %arg0, %c0_i32 : i32, i32
  }
  func.func @transform_1(%arg0: i32) -> (i32, i32) {
    %add3A = arith.constant 10 : i32
    %add3A_0 = arith.addi %add3A, %arg0 : i32
    %c0_i32 = arith.constant 0 : i32
    %c0_i32_1 = arith.constant 0 : i32
    return %add3A_0, %c0_i32 : i32, i32
  }
  func.func @transform_2(%arg0: i32) -> (i32, i32) {
    %c0_i32 = arith.constant 0 : i32
    %c0_i32_0 = arith.constant 0 : i32
    return %c0_i32, %arg0 : i32, i32
  }
  func.func @transform_3(%arg0: i32) -> (i32, i32) {
    %c0_i32 = arith.constant 0 : i32
    %c0_i32_0 = arith.constant 0 : i32
    %c0_i32_1 = arith.constant 0 : i32
    return %c0_i32, %c0_i32_0 : i32, i32
  }
  func.func @transform_4(%arg0: i32) -> (i32, i32) {
    %c0_i32 = arith.constant 0 : i32
    %c0_i32_0 = arith.constant 0 : i32
    %c0_i32_1 = arith.constant 0 : i32
    return %c0_i32, %c0_i32_0 : i32, i32
  }
  func.func @transform_5(%arg0: i32) -> (i32, i32) {
    %c0_i32 = arith.constant 0 : i32
    %c0_i32_0 = arith.constant 0 : i32
    %c0_i32_1 = arith.constant 0 : i32
    return %c0_i32, %c0_i32_0 : i32, i32
  }
  func.func @transform_6(%arg0: i32) -> (i32, i32) {
    %c0_i32 = arith.constant 0 : i32
    %c0_i32_0 = arith.constant 0 : i32
    %c0_i32_1 = arith.constant 0 : i32
    return %c0_i32, %c0_i32_0 : i32, i32
  }
  func.func @transform_7(%arg0: i32) -> (i32, i32) {
    %c0_i32 = arith.constant 0 : i32
    %c0_i32_0 = arith.constant 0 : i32
    return %arg0, %c0_i32 : i32, i32
  }
}

</mosaic_0001>

<sc_bundles>
// kernel: kernel.5.cloned.1.call-start
scs
__scs_entry_jumppad:
0x0: {  	(pc) =	sbr.rel $0x88, $3  }
0x1: {  	(tag) =	ssettag $0x0;
	lr =	simm.s32 $0x1  }
0x2: {  	[smem:$0x3F9B] =	sst lr;
	_ =	strace $0xD0000000  }
0x3: {  	_ = 	snop  }
0x4: {  	_ = 	snop  }
0x5: {  	_ = 	snop  }
0x6: {  	_ = 	snop  }
0x7: {  	_ = 	snop  }
__scs_overlays_trampoline_lowered:
0x8: {  	[smem:$0x3FAA] =	sst s0  }
0x9: {  	[smem:$0x3FAB] =	sst s1  }
0xa: {  	[smem:$0x3FAC] =	sst s2  }
0xb: {  	[smem:$0x3FAD] =	sst s3  }
0xc: {  	[smem:$0x3FAE] =	sst s4  }
0xd: {  	[smem:$0x3FAF] =	sst s5  }
0xe: {  	[smem:$0x3FB0] =	sst s6  }
0xf: {  	[smem:$0x3FB1] =	sst s7  }
0x10: {  	[smem:$0x3FB2] =	sst s8  }
0x11: {  	[smem:$0x3FB3] =	sst s9;
	s0 =	simm.s32 @!p0 $0x0  }
0x12: {  	s1 =	sld [smem:$0x3F99];
	s0 =	simm.s32 @p0 $0x1  }
0x13: {  	[smem:$0x3FB4] =	sst s0;
	s0 =	simm.s32 @!p1 $0x0  }
0x14: {  	s2 =	sld [smem:$0x3F98];
	s0 =	simm.s32 @p1 $0x1  }
0x15: {  	[smem:$0x3FB5] =	sst s0;
	s0 =	simm.s32 @!p2 $0x0  }
0x16: {  	s3 =	sld [smem:$0x3FDB];
	s0 =	simm.s32 @p2 $0x1  }
0x17: {  	s4 =	simm.s32 $0x1BF5;
	[smem:$0x3FB7] =	sst s0  }
0x18: {  	s0 =	sld [smem:$0x3F9A];
	_ =	swait.ge [sflag:s4], $0x0  }
0x19: {  	s7 =	sld [smem:$0x3F9B]  }
0x1a: {  	s8 =	sadd.s32 $0xFFFFE003, lr  }
0x1b: {  	s9 =	sadd.s32 $0xFFFFFEF7, lr;
	s5 =	simm.s32 $0xFFFFFFFF;
	p2 =	slt.u32 s8, $0xFFFFF086  }
0x1c: {  	p1 =	slt.u32 s9, $0xF7A;
	s5 =	simm.s32 @!p2 $0x0  }
0x1d: {  	s5 =	simm.s32 @p1 $0x1;
	p0 =	seq.s32 s7, s2  }
0x1e: {  	s7 =	smul.u32 @!p0 $0xF7A, s2;
	p2 =	seq.s32 @!p0 s5, $0x0  }
0x1f: {  	s9 =	smul.u32 $0xF7A, s1;
	s8 =	simm.s32 @!p0 $0x1BF5;
	p2 =	por !p2, p0  }
0x20: {  	[sflag:s8] =	ssyncset.s32 @!p0 $0xFFFFF086;
	s6 =	sadd.s32 @!p0 s3, s7;
	s7 =	simm.s32 @!p0 $0x108  }
0x21: {  	s3 =	sadd.s32 s3, s9;
	s6 =	sadd.s32 @!p0 $0x88, s6;
	s7 =	simm.s32 @p2 $0x1082  }
0x22: {  	[simem:s7], [sflag:s8] =	dma.local @!p0 [hbm:s6], $0xF7A  }
0x23: {  	s9 =	sor.u32 $0xD0000000, s2;
	s6 =	simm.s32 $0x108;
	_ =	swait.ge @!p0 [sflag:s8], $0x0  }
0x24: {  	s3 =	sadd.s32 $0x88, s3;
	s6 =	simm.s32 @!p1 $0x1082;
	[sflag:s4] =	ssyncset.s32 $0xFFFFF086  }
0x25: {  	[simem:s6], [sflag:s4] =	dma.local [hbm:s3], $0xF7A  }
0x26: {  	[smem:$0x3F9B] =	sst s1;
	(tag) =	ssettag s2;
	_ =	strace s9  }
0x27: {  	s1 =	sld [smem:$0x3FAB]  }
0x28: {  	s2 =	sld [smem:$0x3FAC]  }
0x29: {  	s4 =	sld [smem:$0x3FAE]  }
0x2a: {  	p0 =	seq.s32 s5, $0x0;
	s5 =	sld [smem:$0x3FAF]  }
0x2b: {  	s6 =	sld [smem:$0x3FB0]  }
0x2c: {  	s7 =	sld [smem:$0x3FB1]  }
0x2d: {  	s3 =	simm.s32 $0x108;
	s8 =	sld [smem:$0x3FB2]  }
0x2e: {  	s3 =	simm.s32 @!p0 $0x1082;
	s9 =	sld [smem:$0x3FB3]  }
0x2f: {  	lr =	sadd.s32 s0, s3;
	s0 =	sld [smem:$0x3FAA]  }
0x30: {  	s3 =	sld [smem:$0x3FAD]  }
0x31: {  	[smem:$0x3FB6] =	sst s10  }
0x32: {  	s10 =	sld [smem:$0x3FB4];
	_ =	sdelay $0x3  }
0x33: {  	p0 =	seq.s32 s10, $0x1;
	s10 =	sld [smem:$0x3FB6];
	_ =	sdelay $0x3  }
0x34: {  	[smem:$0x3FB6] =	sst s10  }
0x35: {  	s10 =	sld [smem:$0x3FB5];
	_ =	sdelay $0x3  }
0x36: {  	p1 =	seq.s32 s10, $0x1;
	s10 =	sld [smem:$0x3FB6];
	_ =	sdelay $0x3  }
0x37: {  	[smem:$0x3FB6] =	sst s10  }
0x38: {  	s10 =	sld [smem:$0x3FB7]  }
0x39: {  	_ = 	snop;
	(pc) =	sbr.ind lr, $3  }
0x3a: {  	_ = 	snop  }
0x3b: {  	_ = 	snop  }
0x3c: {  	p2 =	seq.s32 s10, $0x1;
	s10 =	sld [smem:$0x3FB6]  }
0x3d: {  	_ =	shalt  }
0x3e: {  	_ =	shalt  }
0x3f: {  	_ =	shalt  }
0x40: {  	_ =	shalt  }
0x41: {  	_ =	shalt  }
0x42: {  	_ =	shalt  }
0x43: {  	_ =	shalt  }
0x44: {  	_ =	shalt  }
0x45: {  	_ =	shalt  }
0x46: {  	_ =	shalt  }
0x47: {  	_ =	shalt  }
0x48: {  	_ =	shalt  }
0x49: {  	_ =	shalt  }
0x4a: {  	_ =	shalt  }
0x4b: {  	_ =	shalt  }
0x4c: {  	_ =	shalt  }
0x4d: {  	_ =	shalt  }
0x4e: {  	_ =	shalt  }
0x4f: {  	_ =	shalt  }
0x50: {  	_ =	shalt  }
0x51: {  	_ =	shalt  }
0x52: {  	_ =	shalt  }
0x53: {  	_ =	shalt  }
0x54: {  	_ =	shalt  }
0x55: {  	_ =	shalt  }
0x56: {  	_ =	shalt  }
0x57: {  	_ =	shalt  }
0x58: {  	_ =	shalt  }
0x59: {  	_ =	shalt  }
0x5a: {  	_ =	shalt  }
0x5b: {  	_ =	shalt  }
0x5c: {  	_ =	shalt  }
0x5d: {  	_ =	shalt  }
0x5e: {  	_ =	shalt  }
0x5f: {  	_ =	shalt  }
0x60: {  	_ =	shalt  }
0x61: {  	_ =	shalt  }
0x62: {  	_ =	shalt  }
0x63: {  	_ =	shalt  }
0x64: {  	_ =	shalt  }
0x65: {  	_ =	shalt  }
0x66: {  	_ =	shalt  }
0x67: {  	_ =	shalt  }
0x68: {  	_ =	shalt  }
0x69: {  	_ =	shalt  }
0x6a: {  	_ =	shalt  }
0x6b: {  	_ =	shalt  }
0x6c: {  	_ =	shalt  }
0x6d: {  	_ =	shalt  }
0x6e: {  	_ =	shalt  }
0x6f: {  	_ =	shalt  }
0x70: {  	_ =	shalt  }
0x71: {  	_ =	shalt  }
0x72: {  	_ =	shalt  }
0x73: {  	_ =	shalt  }
0x74: {  	_ =	shalt  }
0x75: {  	_ =	shalt  }
0x76: {  	_ =	shalt  }
0x77: {  	_ =	shalt  }
0x78: {  	_ =	shalt  }
0x79: {  	_ =	shalt  }
0x7a: {  	_ =	shalt  }
0x7b: {  	_ =	shalt  }
0x7c: {  	_ =	shalt  }
0x7d: {  	_ =	shalt  }
0x7e: {  	_ =	shalt  }
0x7f: {  	_ =	shalt  }
0x80: {  	_ =	shalt  }
0x81: {  	_ =	shalt  }
0x82: {  	_ =	shalt  }
0x83: {  	_ =	shalt  }
0x84: {  	_ =	shalt  }
0x85: {  	_ =	shalt  }
0x86: {  	_ =	shalt  }
0x87: {  	_ =	shalt  }
.Lfunc_end0:
.L_simem_size_0:
called_computation_lowered:
.L_overlay_start_0:
0x88: {  	s2 =	sld [smem:$0x3FD9]  }
0x89: {  	s3 =	sld [smem:$0x3FFE];
	_ =	sdelay $0x1  }
0x8a: {  	s1 =	srdreg.scid  }
0x8b: {  	s0 =	sand.u32 $0x1, s1  }
0x8c: {  	s17 =	sshll.u32 s0, $0xA;
	s2 =	sadd.s32 s3, s2  }
0x8d: {  	s2 =	sadd.s32 s2, s17  }
0x8e: {  	[smem:$0x3FC2] =	sst s2  }
0x8f: {  	_ = 	snop  }
0x90: {  	s2 =	sld [smem:$0x3FC9]  }
0x91: {  	s18 =	sld [smem:$0x3FD0];
	(tm) =	ssettm $0x1  }
0x92: {  	s4 =	sld [smem:$0x3FFB];
	_ =	sdelay $0x3  }
0x93: {  	_ =	strace s4  }
0x94: {  	s4 =	sld [smem:$0x3FFC];
	_ =	sdelay $0x3  }
0x95: {  	_ =	strace s4  }
0x96: {  	s4 =	sld [smem:$0x3FFD];
	_ =	sdelay $0x3  }
0x97: {  	_ =	strace s4  }
0x98: {  	_ =	strace $0x8FFFFFFF  }
0x99: {  	s19 =	sld [smem:$0x3FDB];
	_ =	sdelay $0x1  }
0x9a: {  	s5 =	simm.s32 $_scs_section_size  }
0x9b: {  	s6 =	simm.s32 $_size__tile_overlayer_lowered;
	s7 =	simm.s32 $_tile_overlayer_lowered  }
0x9c: {  	s22 =	simm.s32 $0x1BFF;
	s21 =	sshll.u32 s7, $0x1;
	s4 =	sadd.s32 s5, s19  }
0x9d: {  	s8 =	simm.s32 $0x0;
	s20 =	sshll.u32 s6, $0x1;
	s6 =	sadd.s32 s21, s4  }
0x9e: {  	[timem:s8], [sflag:s22] =	dma.local [hbm:s6], s20  }
0x9f: {  	_ =	swait.ge [sflag:s22], s20  }
0xa0: {  	s5 =	ssub.s32 $0x0, s20;
	[sflag:s22] =	ssyncset.done $0x0  }
0xa1: {  	[sflag:s22] =	ssyncadd.s32 s5;
	_ =	sdelay $0x1  }
0xa2: {  	s23 =	simm.s32 $0x1B8B  }
0xa3: {  	_ =	swait.ge [sflag:s23], $0x1  }
0xa4: {  	[sflag:s23] =	ssyncset.done $0x0  }
0xa5: {  	s25 =	simm.s32 $0x1B8E;
	s24 =	sld [smem:$0x3FFE];
	[sflag:s23] =	ssyncadd.s32 $0xFFFFFFFF  }
0xa6: {  	s26 =	simm.s32 $execute0_lowered;
	[smem:$0x3FD2] =	sst s25  }
0xa7: {  	s6 =	sshll.u32 s26, $0x1;
	_ =	strace $0x80000046;
	[dreg:$0x1] =	wrdreg $0xFFFFFFFF  }
0xa8: {  	s28 =	simm.s32 $_size_execute0_lowered;
	s4 =	sadd.s32 s4, s6;
	[dreg:$0x0] =	wrdreg $0x0  }
0xa9: {  	s6 =	sshll.u32 s28, $0x1;
	[dreg:$0x2] =	wrdreg s4  }
0xaa: {  	[dreg:$0x3] =	wrdreg s6  }
0xab: {  	[dreg:$0x4] =	wrdreg $0xC0  }
0xac: {  	_ =	task [dreg:s8], $0x5FFFF  }
0xad: {  	[dreg:$0x1] =	wrdreg $0xFFFFFFFF  }
0xae: {  	[dreg:$0x0] =	wrdreg $0x60  }
0xaf: {  	[dreg:$0x2] =	wrdreg s2  }
0xb0: {  	[dreg:$0x3] =	wrdreg s18  }
0xb1: {  	[dreg:$0x4] =	wrdreg s24  }
0xb2: {  	[dreg:$0x5] =	wrdreg $0xB8000  }
0xb3: {  	[dreg:$0x6] =	wrdreg $0x9  }
0xb4: {  	_ =	task.clear_ibuf [dreg:s8], $0x7FFFF;
	_ =	strace $0x90000046  }
0xb5: {  	s29 =	simm.s32 $0x9;
	_ =	strace $0x80000048  }
0xb6: {  	_ =	swait.ge [sflag:s29], $0x1  }
0xb7: {  	[sflag:s29] =	ssyncadd.s32 $0xFFFFFFFF  }
0xb8: {  	_ =	strace $0x90000048  }
0xb9: {  	_ =	sfence  }
0xba: {  	s30 =	sld [smem:$0x0];
	_ =	sdelay $0x2  }
0xbb: {  	s31 =	sshll.u32 s1, $0xD;
	s1 =	sshrl.u32 s1, $0x2  }
0xbc: {  	s3 =	sand.u32 $0x4000, s31;
	s1 =	sadd.s32 s1, s30  }
0xbd: {  	s0 =	sor.u32 s3, s0;
	s1 =	sshll.u32 s1, $0x11  }
0xbe: {  	s0 =	sor.u32 s1, s0  }
0xbf: {  	s0 =	sadd.s32 $0x8F2B, s0  }
0xc0: {  	[sflag:s0] =	ssyncadd.remote.s32 $0x1  }
0xc1: {  	_ =	sfence.sel $0xFFFF  }
0xc2: {  	[dreg:$0x0] =	wrdreg $0xFFFFFFFF;
	(pc) =	sbr.abs _section_cstart, $3  }
0xc3: {  	[dreg:$0x1] =	wrdreg $0xFFFFFFFF  }
0xc4: {  	_ =	task.clear_ibuf [dreg:s8], $0x2FFFF;
	_ =	strace $0x9FFFFFFF  }
0xc5: {  	(tm) =	ssettm $0x7FFFFFFF  }
tec
execute0_lowered:
.L_overlay_start_1:
0x0: {  	(tag) =	ssettag $0x1  }
0x1: {  	s1 =	rddreg [dreg:$0x0]  }
0x2: {  	s0 =	rddreg [dreg:$0x1]  }
0x3: {  	s2 =	rddreg [dreg:$0x2]  }
0x4: {  	s3 =	rddreg [dreg:$0x3]  }
0x5: {  	s5 =	simm.s32 $0x0;
	s4 =	srdreg.scid;
	s10 =	stileid.u32  }
0x6: {  	s28 =	simm.s32 $0x5000;
	s29 =	simm.s32 $0x1;
	s30 =	simm.s32 $0x9000  }
0x7: {  	s31 =	simm.s32 $0x3;
	[smem:$0x7FF] =	sst s5;
	s21 =	smul.u32 $0x50000, s10  }
0x8: {  	s4 =	sand.u32 $0x1, s4;
	s2 =	sadd.s32 $0x1400, s2;
	s19 =	smul.u32 $0x2800, s10  }
0x9: {  	_ =	strace $0x80000047;
	s6 =	sshll.u32 s4, $0x4;
	s7 =	ssub.s32 $0x2, s4  }
0xa: {  	s25 =	smul.u32 $0x28000, s4;
	s4 =	simm.s32 $0x4;
	s5 =	sshrl.u32 s21, $0x2  }
0xb: {  	s6 =	sor.u32 s10, s6;
	s8 =	sshrl.u32 s7, $0x1;
	s5 =	sadd.s32 s5, s3  }
0xc: {  	s9 =	smul.u32 $0x2800, s6;
	s7 =	ssub.s32 s7, s8;
	s22 =	sadd.s32 $0x4000, s5  }
0xd: {  	s6 =	smul.u32 $0x500, s6;
	s23 =	sadd.s32 $0x8000, s5;
	[dreg:$0x5] =	wrdreg s22  }
0xe: {  	s24 =	sadd.s32 $0xC000, s5;
	[dreg:$0x6] =	wrdreg s23;
	s20 =	sshrl.u32 s9, $0x3  }
0xf: {  	[dreg:$0x7] =	wrdreg s24;
	s9 =	sadd.s32 $0x10000, s5;
	s10 =	sadd.s32 s0, s6  }
0x10: {  	s22 =	smax.u32 s7, $0x1;
	s23 =	simm.s32 $0x1000;
	s24 =	simm.s32 $0x5  }
0x11: {  	s21 =	sadd.s32 s0, s20;
	s26 =	sadd.s32 s20, s2;
	s0 =	sadd.s32 s19, s25  }
0x12: {  	s25 =	simm.s32 $0x800;
	s11 =	sadd.s32 $0xA000, s21;
	s12 =	sadd.s32 $0x100, s21  }
0x13: {  	s13 =	sadd.s32 $0xA100, s21;
	s14 =	sadd.s32 $0x200, s21;
	s15 =	sadd.s32 $0xA200, s21  }
0x14: {  	s16 =	sadd.s32 $0x300, s21;
	s17 =	sadd.s32 $0xA300, s21;
	s18 =	sadd.s32 $0x400, s21  }
0x15: {  	s19 =	sadd.s32 $0xA400, s21;
	s20 =	sadd.s32 $0x50000, s26;
	s21 =	sadd.s32 s2, s0  }
0x16: {  	v0 =	vimm.f32 $0.0e+00;
	s26 =	simm.s32 $0x80;
	s0 =	simm.s32 $0x2;
	s2 =	simm.s32 $0x0  }
.LBB2_1:
0x17: {  	s6 =	simm.s32 $0x0;
	s7 =	simm.s32 $0x200  }
.LBB2_2:
0x18: {  	p0 =	sne.s32 s7, $0xFE00;
	[tilespmem:s6+$0x1070] =	vst v0  }
0x19: {  	[tilespmem:s6+$0x1000] =	vst v0  }
0x1a: {  	[tilespmem:s6+$0x1010] =	vst v0  }
.Ltmp0:
0x1b: {  	[tilespmem:s6+$0x1020] =	vst v0;
	(pc) =	sbr.rel @p0 .LBB2_2-.Ltmp0, $4  }
0x1c: {  	[tilespmem:s6+$0x1030] =	vst v0  }
0x1d: {  	[tilespmem:s6+$0x1040] =	vst v0  }
0x1e: {  	[tilespmem:s6+$0x1050] =	vst v0  }
0x1f: {  	[tilespmem:s6+$0x1060] =	vst v0;
	s6 =	sshra.s32 s7, $0x2;
	s7 =	sadd.s32 $0x200, s7  }
0x20: {  	[tilespmem:s6+$0x1070] =	vst v0  }
0x21: {  	[tilespmem:s6+$0x1000] =	vst v0  }
0x22: {  	[tilespmem:s6+$0x1010] =	vst v0  }
0x23: {  	[tilespmem:s6+$0x1020] =	vst v0  }
0x24: {  	[tilespmem:s6+$0x1030] =	vst v0  }
0x25: {  	[tilespmem:s6+$0x1040] =	vst v0  }
0x26: {  	[tilespmem:s6+$0x1050] =	vst v0  }
0x27: {  	[tilespmem:s6+$0x1060] =	vst v0;
	s6 =	simm.s32 $0x0;
	s7 =	simm.s32 $0x200  }
.LBB2_4:
0x28: {  	p0 =	sne.s32 s7, $0x9E00;
	[tilespmem:s6+$0x9070] =	vst v0  }
0x29: {  	[tilespmem:s6+$0x9000] =	vst v0  }
0x2a: {  	[tilespmem:s6+$0x9010] =	vst v0  }
.Ltmp1:
0x2b: {  	[tilespmem:s6+$0x9020] =	vst v0;
	(pc) =	sbr.rel @p0 .LBB2_4-.Ltmp1, $4  }
0x2c: {  	[tilespmem:s6+$0x9030] =	vst v0  }
0x2d: {  	[tilespmem:s6+$0x9040] =	vst v0  }
0x2e: {  	[tilespmem:s6+$0x9050] =	vst v0  }
0x2f: {  	[tilespmem:s6+$0x9060] =	vst v0;
	s6 =	sshra.s32 s7, $0x2;
	s7 =	sadd.s32 $0x200, s7  }
0x30: {  	[tilespmem:s6+$0x9070] =	vst v0  }
0x31: {  	[tilespmem:s6+$0x9000] =	vst v0  }
0x32: {  	[tilespmem:s6+$0x9010] =	vst v0  }
0x33: {  	[tilespmem:s6+$0x9020] =	vst v0  }
0x34: {  	[tilespmem:s6+$0x9030] =	vst v0  }
0x35: {  	[tilespmem:s6+$0x9040] =	vst v0  }
0x36: {  	[tilespmem:s6+$0x9050] =	vst v0  }
0x37: {  	[tilespmem:s6+$0x9060] =	vst v0  }
0x38: {  	[spmem:s5] =	stream.linear.scatter [tilespmem:s23], [sflag:$0x5], $0x4000, $0x38;
	[tilespmem:$0x1F800] =	vst v63  }
0x39: {  	_ =	swait.ge [sflag:s24], $0x4000  }
0x3a: {  	[sflag:s24] =	ssyncset.done $0x0  }
0x3b: {  	s8 =	rddreg [dreg:$0x5];
	[sflag:s24] =	ssyncadd.s32 $0xFFFFC000  }
0x3c: {  	[spmem:s8] =	stream.linear.scatter [tilespmem:s23], [sflag:$0x5], $0x4000, $0x38;
	[tilespmem:$0x1F800] =	vst v63  }
0x3d: {  	_ =	swait.ge [sflag:s24], $0x4000  }
0x3e: {  	[sflag:s24] =	ssyncset.done $0x0  }
0x3f: {  	s7 =	rddreg [dreg:$0x6];
	[sflag:s24] =	ssyncadd.s32 $0xFFFFC000  }
0x40: {  	[spmem:s7] =	stream.linear.scatter [tilespmem:s23], [sflag:$0x5], $0x4000, $0x38;
	[tilespmem:$0x1F800] =	vst v63  }
0x41: {  	_ =	swait.ge [sflag:s24], $0x4000  }
0x42: {  	[sflag:s24] =	ssyncset.done $0x0  }
0x43: {  	s8 =	rddreg [dreg:$0x7];
	[sflag:s24] =	ssyncadd.s32 $0xFFFFC000  }
0x44: {  	[spmem:s8] =	stream.linear.scatter [tilespmem:s23], [sflag:$0x5], $0x4000, $0x38;
	[tilespmem:$0x1F800] =	vst v63  }
0x45: {  	_ =	swait.ge [sflag:s24], $0x4000  }
0x46: {  	[sflag:s24] =	ssyncset.done $0x0  }
0x47: {  	[sflag:s24] =	ssyncadd.s32 $0xFFFFC000  }
0x48: {  	[spmem:s9] =	stream.linear.scatter [tilespmem:s23], [sflag:$0x5], $0x4000, $0x38;
	[tilespmem:$0x1F800] =	vst v63  }
0x49: {  	_ =	swait.ge [sflag:s24], $0x4000  }
0x4a: {  	[sflag:s24] =	ssyncset.done $0x0  }
0x4b: {  	[sflag:s24] =	ssyncadd.s32 $0xFFFFC000  }
0x4c: {  	s6 =	simm.s32 $0x0;
	[bflag:$0x0] =	sbarrier.arrive $0xFFFF  }
0x4d: {  	[tilespmem:s6], [sflag:$0x5] =	stream.linear.gather [hbm4b:s10+s6], $0x800, $0x38;
	[tilespmem:$0x1F800] =	vst v63  }
0x4e: {  	_ =	swait.ge [sflag:s24], $0x800  }
0x4f: {  	[sflag:s24] =	ssyncset.done $0x0  }
0x50: {  	[sflag:s24] =	ssyncadd.s32 $0xFFFFF800  }
0x51: {  	[tilespmem:s25], [sflag:$0x5] =	stream.linear.gather [hbm4b:s11+s6], $0x800, $0x38;
	[tilespmem:$0x1F800] =	vst v63  }
0x52: {  	_ =	swait.ge [sflag:s24], $0x800  }
0x53: {  	[sflag:s24] =	ssyncset.done $0x0  }
0x54: {  	[sflag:s24] =	ssyncadd.s32 $0xFFFFF800  }
0x55: {  	[tilespmem:s23], [sflag:$0x1] =	stream.indirect.gather [hbm4b:s1+s26], $0x80, s6, s26, $0xb8;
	[tilespmem:$0x1F800] =	vst v63  }
0x56: {  	s7 =	simm.s32 $0x880  }
0x57: {  	[tilespmem:s28], [sflag:$0x2] =	stream.indirect.gather [hbm4b:s1+s26], $0x80, s26, s26, $0xb8;
	[tilespmem:$0x1F800] =	vst v63  }
.LBB2_6:
0x58: {  	_ =	swait.ge [sflag:s29], $0x4000  }
0x59: {  	[sflag:s29] =	ssyncset.done $0x0  }
0x5a: {  	s8 =	sadd.s32 $0xFFFFFF80, s7;
	[sflag:s29] =	ssyncadd.s32 $0xFFFFC000  }
0x5b: {  	[spmem:s3] =	stream.indirect.scatter.add.f32 [tilespmem:s23], [sflag:$0x3], $0x80, s8, s26, $0xb8;
	[tilespmem:$0x1F800] =	vst v63  }
0x5c: {  	v1 =	vld [tilespmem:s7+$0xFFFFFF80];
	_ =	sdelay $0x4  }
0x5d: {  	(xrf1) =	vunique.msk.u32 $0xffff, v1;
	_ =	sdelay $0xd  }
0x5e: {  	_, v2, vm0 =	vpop (xrf1);
	_ =	sdelay $0x3  }
0x5f: {  	v2 =	vcvt.s32.f32 v2;
	_ =	sdelay $0x1  }
0x60: {  	[tilespmem:v1+s30+$0x0] =	vst.idx.add.f32.msk vm0, v2  }
0x61: {  	v1 =	vld [tilespmem:s7+$0xFFFFFF90];
	_ =	sdelay $0x4  }
0x62: {  	(xrf1) =	vunique.msk.u32 $0xffff, v1;
	_ =	sdelay $0xd  }
0x63: {  	_, v2, vm0 =	vpop (xrf1);
	_ =	sdelay $0x3  }
0x64: {  	v2 =	vcvt.s32.f32 v2;
	_ =	sdelay $0x1  }
0x65: {  	[tilespmem:v1+s30+$0x0] =	vst.idx.add.f32.msk vm0, v2  }
0x66: {  	v1 =	vld [tilespmem:s7+$0xFFFFFFA0];
	_ =	sdelay $0x4  }
0x67: {  	(xrf1) =	vunique.msk.u32 $0xffff, v1;
	_ =	sdelay $0xd  }
0x68: {  	_, v2, vm0 =	vpop (xrf1);
	_ =	sdelay $0x3  }
0x69: {  	v2 =	vcvt.s32.f32 v2;
	_ =	sdelay $0x1  }
0x6a: {  	[tilespmem:v1+s30+$0x0] =	vst.idx.add.f32.msk vm0, v2  }
0x6b: {  	v1 =	vld [tilespmem:s7+$0xFFFFFFB0];
	_ =	sdelay $0x4  }
0x6c: {  	(xrf1) =	vunique.msk.u32 $0xffff, v1;
	_ =	sdelay $0xd  }
0x6d: {  	_, v2, vm0 =	vpop (xrf1);
	_ =	sdelay $0x3  }
0x6e: {  	v2 =	vcvt.s32.f32 v2;
	_ =	sdelay $0x1  }
0x6f: {  	[tilespmem:v1+s30+$0x0] =	vst.idx.add.f32.msk vm0, v2  }
0x70: {  	v1 =	vld [tilespmem:s7+$0xFFFFFFC0];
	_ =	sdelay $0x4  }
0x71: {  	(xrf1) =	vunique.msk.u32 $0xffff, v1;
	_ =	sdelay $0xd  }
0x72: {  	_, v2, vm0 =	vpop (xrf1);
	_ =	sdelay $0x3  }
0x73: {  	v2 =	vcvt.s32.f32 v2;
	_ =	sdelay $0x1  }
0x74: {  	[tilespmem:v1+s30+$0x0] =	vst.idx.add.f32.msk vm0, v2  }
0x75: {  	v1 =	vld [tilespmem:s7+$0xFFFFFFD0];
	_ =	sdelay $0x4  }
0x76: {  	(xrf1) =	vunique.msk.u32 $0xffff, v1;
	_ =	sdelay $0xd  }
0x77: {  	_, v2, vm0 =	vpop (xrf1);
	_ =	sdelay $0x3  }
0x78: {  	v2 =	vcvt.s32.f32 v2;
	_ =	sdelay $0x1  }
0x79: {  	[tilespmem:v1+s30+$0x0] =	vst.idx.add.f32.msk vm0, v2  }
0x7a: {  	v1 =	vld [tilespmem:s7+$0xFFFFFFE0];
	_ =	sdelay $0x4  }
0x7b: {  	(xrf1) =	vunique.msk.u32 $0xffff, v1;
	_ =	sdelay $0xd  }
0x7c: {  	_, v2, vm0 =	vpop (xrf1);
	_ =	sdelay $0x3  }
0x7d: {  	v2 =	vcvt.s32.f32 v2;
	_ =	sdelay $0x1  }
0x7e: {  	[tilespmem:v1+s30+$0x0] =	vst.idx.add.f32.msk vm0, v2  }
0x7f: {  	v1 =	vld [tilespmem:s7+$0xFFFFFFF0];
	_ =	sdelay $0x4  }
0x80: {  	(xrf1) =	vunique.msk.u32 $0xffff, v1;
	_ =	sdelay $0xd  }
0x81: {  	_, v2, vm0 =	vpop (xrf1);
	_ =	sdelay $0x3  }
0x82: {  	v2 =	vcvt.s32.f32 v2;
	_ =	sdelay $0x1  }
0x83: {  	[tilespmem:v1+s30+$0x0] =	vst.idx.add.f32.msk vm0, v2  }
0x84: {  	s8 =	smin.u32 s6, $0xD;
	_ =	swait.ge [sflag:s31], $0x4000  }
0x85: {  	s8 =	sshll.u32 s8, $0x7;
	[sflag:s31] =	ssyncset.done $0x0  }
0x86: {  	s8 =	sadd.s32 $0x100, s8;
	[sflag:s31] =	ssyncadd.s32 $0xFFFFC000  }
0x87: {  	[tilespmem:s23], [sflag:$0x1] =	stream.indirect.gather [hbm4b:s1+s26], $0x80, s8, s26, $0xb8;
	[tilespmem:$0x1F800] =	vst v63  }
0x88: {  	_ =	swait.ge [sflag:s0], $0x4000  }
0x89: {  	[sflag:s0] =	ssyncset.done $0x0  }
0x8a: {  	[sflag:s0] =	ssyncadd.s32 $0xFFFFC000  }
0x8b: {  	[spmem:s3] =	stream.indirect.scatter.add.f32 [tilespmem:s28], [sflag:$0x4], $0x80, s7, s26, $0xb8;
	[tilespmem:$0x1F800] =	vst v63  }
0x8c: {  	v1 =	vld [tilespmem:s7+$0x0];
	_ =	sdelay $0x4  }
0x8d: {  	(xrf1) =	vunique.msk.u32 $0xffff, v1;
	_ =	sdelay $0xd  }
0x8e: {  	_, v2, vm0 =	vpop (xrf1);
	_ =	sdelay $0x3  }
0x8f: {  	v2 =	vcvt.s32.f32 v2;
	_ =	sdelay $0x1  }
0x90: {  	[tilespmem:v1+s30+$0x0] =	vst.idx.add.f32.msk vm0, v2  }
0x91: {  	v1 =	vld [tilespmem:s7+$0x10];
	_ =	sdelay $0x4  }
0x92: {  	(xrf1) =	vunique.msk.u32 $0xffff, v1;
	_ =	sdelay $0xd  }
0x93: {  	_, v2, vm0 =	vpop (xrf1);
	_ =	sdelay $0x3  }
0x94: {  	v2 =	vcvt.s32.f32 v2;
	_ =	sdelay $0x1  }
0x95: {  	[tilespmem:v1+s30+$0x0] =	vst.idx.add.f32.msk vm0, v2  }
0x96: {  	v1 =	vld [tilespmem:s7+$0x20];
	_ =	sdelay $0x4  }
0x97: {  	(xrf1) =	vunique.msk.u32 $0xffff, v1;
	_ =	sdelay $0xd  }
0x98: {  	_, v2, vm0 =	vpop (xrf1);
	_ =	sdelay $0x3  }
0x99: {  	v2 =	vcvt.s32.f32 v2;
	_ =	sdelay $0x1  }
0x9a: {  	[tilespmem:v1+s30+$0x0] =	vst.idx.add.f32.msk vm0, v2  }
0x9b: {  	v1 =	vld [tilespmem:s7+$0x30];
	_ =	sdelay $0x4  }
0x9c: {  	(xrf1) =	vunique.msk.u32 $0xffff, v1;
	_ =	sdelay $0xd  }
0x9d: {  	_, v2, vm0 =	vpop (xrf1);
	_ =	sdelay $0x3  }
0x9e: {  	v2 =	vcvt.s32.f32 v2;
	_ =	sdelay $0x1  }
0x9f: {  	[tilespmem:v1+s30+$0x0] =	vst.idx.add.f32.msk vm0, v2  }
0xa0: {  	v1 =	vld [tilespmem:s7+$0x40];
	_ =	sdelay $0x4  }
0xa1: {  	(xrf1) =	vunique.msk.u32 $0xffff, v1;
	_ =	sdelay $0xd  }
0xa2: {  	_, v2, vm0 =	vpop (xrf1);
	_ =	sdelay $0x3  }
0xa3: {  	v2 =	vcvt.s32.f32 v2;
	_ =	sdelay $0x1  }
0xa4: {  	[tilespmem:v1+s30+$0x0] =	vst.idx.add.f32.msk vm0, v2  }
0xa5: {  	v1 =	vld [tilespmem:s7+$0x50];
	_ =	sdelay $0x4  }
0xa6: {  	(xrf1) =	vunique.msk.u32 $0xffff, v1;
	_ =	sdelay $0xd  }
0xa7: {  	_, v2, vm0 =	vpop (xrf1);
	_ =	sdelay $0x3  }
0xa8: {  	v2 =	vcvt.s32.f32 v2;
	_ =	sdelay $0x1  }
0xa9: {  	[tilespmem:v1+s30+$0x0] =	vst.idx.add.f32.msk vm0, v2  }
0xaa: {  	v1 =	vld [tilespmem:s7+$0x60];
	_ =	sdelay $0x4  }
0xab: {  	(xrf1) =	vunique.msk.u32 $0xffff, v1;
	_ =	sdelay $0xd  }
0xac: {  	_, v2, vm0 =	vpop (xrf1);
	_ =	sdelay $0x3  }
0xad: {  	v2 =	vcvt.s32.f32 v2;
	_ =	sdelay $0x1  }
0xae: {  	[tilespmem:v1+s30+$0x0] =	vst.idx.add.f32.msk vm0, v2  }
0xaf: {  	v1 =	vld [tilespmem:s7+$0x70];
	_ =	sdelay $0x4  }
0xb0: {  	(xrf1) =	vunique.msk.u32 $0xffff, v1;
	_ =	sdelay $0xd  }
0xb1: {  	_, v2, vm0 =	vpop (xrf1);
	_ =	sdelay $0x3  }
0xb2: {  	v2 =	vcvt.s32.f32 v2  }
0xb3: {  	p0 =	sne.s32 s6, $0xE  }
.Ltmp2:
0xb4: {  	[tilespmem:v1+s30+$0x0] =	vst.idx.add.f32.msk vm0, v2;
	(pc) =	sbr.rel @p0 .LBB2_6-.Ltmp2, $4  }
0xb5: {  	s8 =	smin.u32 s6, $0xC;
	_ =	swait.ge [sflag:s4], $0x4000  }
0xb6: {  	s6 =	sadd.s32 $0x2, s6;
	s8 =	sshll.u32 s8, $0x7;
	[sflag:s4] =	ssyncset.done $0x0  }
0xb7: {  	s8 =	sadd.s32 $0x180, s8;
	s7 =	sadd.s32 $0x100, s7;
	[sflag:s4] =	ssyncadd.s32 $0xFFFFC000  }
0xb8: {  	[tilespmem:s28], [sflag:$0x2] =	stream.indirect.gather [hbm4b:s1+s26], $0x80, s8, s26, $0xb8;
	[tilespmem:$0x1F800] =	vst v63  }
0xb9: {  	_ =	swait.ge [sflag:s29], $0x4000  }
0xba: {  	[sflag:s29] =	ssyncset.done $0x0  }
0xbb: {  	[sflag:s29] =	ssyncadd.s32 $0xFFFFC000  }
0xbc: {  	_ =	swait.ge [sflag:s0], $0x4000  }
0xbd: {  	[sflag:s0] =	ssyncset.done $0x0  }
0xbe: {  	s6 =	simm.s32 $0x0;
	[sflag:s0] =	ssyncadd.s32 $0xFFFFC000  }
0xbf: {  	[tilespmem:s6], [sflag:$0x5] =	stream.linear.gather [hbm4b:s12+s6], $0x800, $0x38;
	[tilespmem:$0x1F800] =	vst v63  }
0xc0: {  	_ =	swait.ge [sflag:s24], $0x800  }
0xc1: {  	[sflag:s24] =	ssyncset.done $0x0  }
0xc2: {  	[sflag:s24] =	ssyncadd.s32 $0xFFFFF800  }
0xc3: {  	[tilespmem:s25], [sflag:$0x5] =	stream.linear.gather [hbm4b:s13+s6], $0x800, $0x38;
	[tilespmem:$0x1F800] =	vst v63  }
0xc4: {  	_ =	swait.ge [sflag:s24], $0x800  }
0xc5: {  	[sflag:s24] =	ssyncset.done $0x0  }
0xc6: {  	[sflag:s24] =	ssyncadd.s32 $0xFFFFF800  }
0xc7: {  	[tilespmem:s23], [sflag:$0x1] =	stream.indirect.gather [hbm4b:s1+s26], $0x80, s6, s26, $0xb8;
	[tilespmem:$0x1F800] =	vst v63  }
0xc8: {  	s7 =	simm.s32 $0x880  }
0xc9: {  	[tilespmem:s28], [sflag:$0x2] =	stream.indirect.gather [hbm4b:s1+s26], $0x80, s26, s26, $0xb8;
	[tilespmem:$0x1F800] =	vst v63  }
.LBB2_8:
0xca: {  	_ =	swait.ge [sflag:s29], $0x4000  }
0xcb: {  	[sflag:s29] =	ssyncset.done $0x0  }
0xcc: {  	s8 =	sadd.s32 $0xFFFFFF80, s7;
	[sflag:s29] =	ssyncadd.s32 $0xFFFFC000  }
0xcd: {  	[spmem:s3] =	stream.indirect.scatter.add.f32 [tilespmem:s23], [sflag:$0x3], $0x80, s8, s26, $0xb8;
	[tilespmem:$0x1F800] =	vst v63  }
0xce: {  	v1 =	vld [tilespmem:s7+$0xFFFFFF80];
	_ =	sdelay $0x4  }
0xcf: {  	(xrf1) =	vunique.msk.u32 $0xffff, v1;
	_ =	sdelay $0xd  }
0xd0: {  	_, v2, vm0 =	vpop (xrf1);
	_ =	sdelay $0x3  }
0xd1: {  	v2 =	vcvt.s32.f32 v2;
	_ =	sdelay $0x1  }
0xd2: {  	[tilespmem:v1+s30+$0x0] =	vst.idx.add.f32.msk vm0, v2  }
0xd3: {  	v1 =	vld [tilespmem:s7+$0xFFFFFF90];
	_ =	sdelay $0x4  }
0xd4: {  	(xrf1) =	vunique.msk.u32 $0xffff, v1;
	_ =	sdelay $0xd  }
0xd5: {  	_, v2, vm0 =	vpop (xrf1);
	_ =	sdelay $0x3  }
0xd6: {  	v2 =	vcvt.s32.f32 v2;
	_ =	sdelay $0x1  }
0xd7: {  	[tilespmem:v1+s30+$0x0] =	vst.idx.add.f32.msk vm0, v2  }
0xd8: {  	v1 =	vld [tilespmem:s7+$0xFFFFFFA0];
	_ =	sdelay $0x4  }
0xd9: {  	(xrf1) =	vunique.msk.u32 $0xffff, v1;
	_ =	sdelay $0xd  }
0xda: {  	_, v2, vm0 =	vpop (xrf1);
	_ =	sdelay $0x3  }
0xdb: {  	v2 =	vcvt.s32.f32 v2;
	_ =	sdelay $0x1  }
0xdc: {  	[tilespmem:v1+s30+$0x0] =	vst.idx.add.f32.msk vm0, v2  }
0xdd: {  	v1 =	vld [tilespmem:s7+$0xFFFFFFB0];
	_ =	sdelay $0x4  }
0xde: {  	(xrf1) =	vunique.msk.u32 $0xffff, v1;
	_ =	sdelay $0xd  }
0xdf: {  	_, v2, vm0 =	vpop (xrf1);
	_ =	sdelay $0x3  }
0xe0: {  	v2 =	vcvt.s32.f32 v2;
	_ =	sdelay $0x1  }
0xe1: {  	[tilespmem:v1+s30+$0x0] =	vst.idx.add.f32.msk vm0, v2  }
0xe2: {  	v1 =	vld [tilespmem:s7+$0xFFFFFFC0];
	_ =	sdelay $0x4  }
0xe3: {  	(xrf1) =	vunique.msk.u32 $0xffff, v1;
	_ =	sdelay $0xd  }
0xe4: {  	_, v2, vm0 =	vpop (xrf1);
	_ =	sdelay $0x3  }
0xe5: {  	v2 =	vcvt.s32.f32 v2;
	_ =	sdelay $0x1  }
0xe6: {  	[tilespmem:v1+s30+$0x0] =	vst.idx.add.f32.msk vm0, v2  }
0xe7: {  	v1 =	vld [tilespmem:s7+$0xFFFFFFD0];
	_ =	sdelay $0x4  }
0xe8: {  	(xrf1) =	vunique.msk.u32 $0xffff, v1;
	_ =	sdelay $0xd  }
0xe9: {  	_, v2, vm0 =	vpop (xrf1);
	_ =	sdelay $0x3  }
0xea: {  	v2 =	vcvt.s32.f32 v2;
	_ =	sdelay $0x1  }
0xeb: {  	[tilespmem:v1+s30+$0x0] =	vst.idx.add.f32.msk vm0, v2  }
0xec: {  	v1 =	vld [tilespmem:s7+$0xFFFFFFE0];
	_ =	sdelay $0x4  }
0xed: {  	(xrf1) =	vunique.msk.u32 $0xffff, v1;
	_ =	sdelay $0xd  }
0xee: {  	_, v2, vm0 =	vpop (xrf1);
	_ =	sdelay $0x3  }
0xef: {  	v2 =	vcvt.s32.f32 v2;
	_ =	sdelay $0x1  }
0xf0: {  	[tilespmem:v1+s30+$0x0] =	vst.idx.add.f32.msk vm0, v2  }
0xf1: {  	v1 =	vld [tilespmem:s7+$0xFFFFFFF0];
	_ =	sdelay $0x4  }
0xf2: {  	(xrf1) =	vunique.msk.u32 $0xffff, v1;
	_ =	sdelay $0xd  }
0xf3: {  	_, v2, vm0 =	vpop (xrf1);
	_ =	sdelay $0x3  }
0xf4: {  	v2 =	vcvt.s32.f32 v2;
	_ =	sdelay $0x1  }
0xf5: {  	[tilespmem:v1+s30+$0x0] =	vst.idx.add.f32.msk vm0, v2  }
0xf6: {  	s8 =	smin.u32 s6, $0xD;
	_ =	swait.ge [sflag:s31], $0x4000  }
0xf7: {  	s8 =	sshll.u32 s8, $0x7;
	[sflag:s31] =	ssyncset.done $0x0  }
0xf8: {  	s8 =	sadd.s32 $0x100, s8;
	[sflag:s31] =	ssyncadd.s32 $0xFFFFC000  }
0xf9: {  	[tilespmem:s23], [sflag:$0x1] =	stream.indirect.gather [hbm4b:s1+s26], $0x80, s8, s26, $0xb8;
	[tilespmem:$0x1F800] =	vst v63  }
0xfa: {  	_ =	swait.ge [sflag:s0], $0x4000  }
0xfb: {  	[sflag:s0] =	ssyncset.done $0x0  }
0xfc: {  	[sflag:s0] =	ssyncadd.s32 $0xFFFFC000  }
0xfd: {  	[spmem:s3] =	stream.indirect.scatter.add.f32 [tilespmem:s28], [sflag:$0x4], $0x80, s7, s26, $0xb8;
	[tilespmem:$0x1F800] =	vst v63  }
0xfe: {  	v1 =	vld [tilespmem:s7+$0x0];
	_ =	sdelay $0x4  }
0xff: {  	(xrf1) =	vunique.msk.u32 $0xffff, v1;
	_ =	sdelay $0xd  }
0x100: {  	_, v2, vm0 =	vpop (xrf1);
	_ =	sdelay $0x3  }
0x101: {  	v2 =	vcvt.s32.f32 v2;
	_ =	sdelay $0x1  }
0x102: {  	[tilespmem:v1+s30+$0x0] =	vst.idx.add.f32.msk vm0, v2  }
0x103: {  	v1 =	vld [tilespmem:s7+$0x10];
	_ =	sdelay $0x4  }
0x104: {  	(xrf1) =	vunique.msk.u32 $0xffff, v1;
	_ =	sdelay $0xd  }
0x105: {  	_, v2, vm0 =	vpop (xrf1);
	_ =	sdelay $0x3  }
0x106: {  	v2 =	vcvt.s32.f32 v2;
	_ =	sdelay $0x1  }
0x107: {  	[tilespmem:v1+s30+$0x0] =	vst.idx.add.f32.msk vm0, v2  }
0x108: {  	v1 =	vld [tilespmem:s7+$0x20];
	_ =	sdelay $0x4  }
0x109: {  	(xrf1) =	vunique.msk.u32 $0xffff, v1;
	_ =	sdelay $0xd  }
0x10a: {  	_, v2, vm0 =	vpop (xrf1);
	_ =	sdelay $0x3  }
0x10b: {  	v2 =	vcvt.s32.f32 v2;
	_ =	sdelay $0x1  }
0x10c: {  	[tilespmem:v1+s30+$0x0] =	vst.idx.add.f32.msk vm0, v2  }
0x10d: {  	v1 =	vld [tilespmem:s7+$0x30];
	_ =	sdelay $0x4  }
0x10e: {  	(xrf1) =	vunique.msk.u32 $0xffff, v1;
	_ =	sdelay $0xd  }
0x10f: {  	_, v2, vm0 =	vpop (xrf1);
	_ =	sdelay $0x3  }
0x110: {  	v2 =	vcvt.s32.f32 v2;
	_ =	sdelay $0x1  }
0x111: {  	[tilespmem:v1+s30+$0x0] =	vst.idx.add.f32.msk vm0, v2  }
0x112: {  	v1 =	vld [tilespmem:s7+$0x40];
	_ =	sdelay $0x4  }
0x113: {  	(xrf1) =	vunique.msk.u32 $0xffff, v1;
	_ =	sdelay $0xd  }
0x114: {  	_, v2, vm0 =	vpop (xrf1);
	_ =	sdelay $0x3  }
0x115: {  	v2 =	vcvt.s32.f32 v2;
	_ =	sdelay $0x1  }
0x116: {  	[tilespmem:v1+s30+$0x0] =	vst.idx.add.f32.msk vm0, v2  }
0x117: {  	v1 =	vld [tilespmem:s7+$0x50];
	_ =	sdelay $0x4  }
0x118: {  	(xrf1) =	vunique.msk.u32 $0xffff, v1;
	_ =	sdelay $0xd  }
0x119: {  	_, v2, vm0 =	vpop (xrf1);
	_ =	sdelay $0x3  }
0x11a: {  	v2 =	vcvt.s32.f32 v2;
	_ =	sdelay $0x1  }
0x11b: {  	[tilespmem:v1+s30+$0x0] =	vst.idx.add.f32.msk vm0, v2  }
0x11c: {  	v1 =	vld [tilespmem:s7+$0x60];
	_ =	sdelay $0x4  }
0x11d: {  	(xrf1) =	vunique.msk.u32 $0xffff, v1;
	_ =	sdelay $0xd  }
0x11e: {  	_, v2, vm0 =	vpop (xrf1);
	_ =	sdelay $0x3  }
0x11f: {  	v2 =	vcvt.s32.f32 v2;
	_ =	sdelay $0x1  }
0x120: {  	[tilespmem:v1+s30+$0x0] =	vst.idx.add.f32.msk vm0, v2  }
0x121: {  	v1 =	vld [tilespmem:s7+$0x70];
	_ =	sdelay $0x4  }
0x122: {  	(xrf1) =	vunique.msk.u32 $0xffff, v1;
	_ =	sdelay $0xd  }
0x123: {  	_, v2, vm0 =	vpop (xrf1);
	_ =	sdelay $0x3  }
0x124: {  	v2 =	vcvt.s32.f32 v2  }
0x125: {  	p0 =	sne.s32 s6, $0xE  }
.Ltmp3:
0x126: {  	[tilespmem:v1+s30+$0x0] =	vst.idx.add.f32.msk vm0, v2;
	(pc) =	sbr.rel @p0 .LBB2_8-.Ltmp3, $4  }
0x127: {  	s8 =	smin.u32 s6, $0xC;
	_ =	swait.ge [sflag:s4], $0x4000  }
0x128: {  	s6 =	sadd.s32 $0x2, s6;
	s8 =	sshll.u32 s8, $0x7;
	[sflag:s4] =	ssyncset.done $0x0  }
0x129: {  	s8 =	sadd.s32 $0x180, s8;
	s7 =	sadd.s32 $0x100, s7;
	[sflag:s4] =	ssyncadd.s32 $0xFFFFC000  }
0x12a: {  	[tilespmem:s28], [sflag:$0x2] =	stream.indirect.gather [hbm4b:s1+s26], $0x80, s8, s26, $0xb8;
	[tilespmem:$0x1F800] =	vst v63  }
0x12b: {  	_ =	swait.ge [sflag:s29], $0x4000  }
0x12c: {  	[sflag:s29] =	ssyncset.done $0x0  }
0x12d: {  	[sflag:s29] =	ssyncadd.s32 $0xFFFFC000  }
0x12e: {  	_ =	swait.ge [sflag:s0], $0x4000  }
0x12f: {  	[sflag:s0] =	ssyncset.done $0x0  }
0x130: {  	s6 =	simm.s32 $0x0;
	[sflag:s0] =	ssyncadd.s32 $0xFFFFC000  }
0x131: {  	[tilespmem:s6], [sflag:$0x5] =	stream.linear.gather [hbm4b:s14+s6], $0x800, $0x38;
	[tilespmem:$0x1F800] =	vst v63  }
0x132: {  	_ =	swait.ge [sflag:s24], $0x800  }
0x133: {  	[sflag:s24] =	ssyncset.done $0x0  }
0x134: {  	[sflag:s24] =	ssyncadd.s32 $0xFFFFF800  }
0x135: {  	[tilespmem:s25], [sflag:$0x5] =	stream.linear.gather [hbm4b:s15+s6], $0x800, $0x38;
	[tilespmem:$0x1F800] =	vst v63  }
0x136: {  	_ =	swait.ge [sflag:s24], $0x800  }
0x137: {  	[sflag:s24] =	ssyncset.done $0x0  }
0x138: {  	[sflag:s24] =	ssyncadd.s32 $0xFFFFF800  }
0x139: {  	[tilespmem:s23], [sflag:$0x1] =	stream.indirect.gather [hbm4b:s1+s26], $0x80, s6, s26, $0xb8;
	[tilespmem:$0x1F800] =	vst v63  }
0x13a: {  	s7 =	simm.s32 $0x880  }
0x13b: {  	[tilespmem:s28], [sflag:$0x2] =	stream.indirect.gather [hbm4b:s1+s26], $0x80, s26, s26, $0xb8;
	[tilespmem:$0x1F800] =	vst v63  }
.LBB2_10:
0x13c: {  	_ =	swait.ge [sflag:s29], $0x4000  }
0x13d: {  	[sflag:s29] =	ssyncset.done $0x0  }
0x13e: {  	s8 =	sadd.s32 $0xFFFFFF80, s7;
	[sflag:s29] =	ssyncadd.s32 $0xFFFFC000  }
0x13f: {  	[spmem:s3] =	stream.indirect.scatter.add.f32 [tilespmem:s23], [sflag:$0x3], $0x80, s8, s26, $0xb8;
	[tilespmem:$0x1F800] =	vst v63  }
0x140: {  	v1 =	vld [tilespmem:s7+$0xFFFFFF80];
	_ =	sdelay $0x4  }
0x141: {  	(xrf1) =	vunique.msk.u32 $0xffff, v1;
	_ =	sdelay $0xd  }
0x142: {  	_, v2, vm0 =	vpop (xrf1);
	_ =	sdelay $0x3  }
0x143: {  	v2 =	vcvt.s32.f32 v2;
	_ =	sdelay $0x1  }
0x144: {  	[tilespmem:v1+s30+$0x0] =	vst.idx.add.f32.msk vm0, v2  }
0x145: {  	v1 =	vld [tilespmem:s7+$0xFFFFFF90];
	_ =	sdelay $0x4  }
0x146: {  	(xrf1) =	vunique.msk.u32 $0xffff, v1;
	_ =	sdelay $0xd  }
0x147: {  	_, v2, vm0 =	vpop (xrf1);
	_ =	sdelay $0x3  }
0x148: {  	v2 =	vcvt.s32.f32 v2;
	_ =	sdelay $0x1  }
0x149: {  	[tilespmem:v1+s30+$0x0] =	vst.idx.add.f32.msk vm0, v2  }
0x14a: {  	v1 =	vld [tilespmem:s7+$0xFFFFFFA0];
	_ =	sdelay $0x4  }
0x14b: {  	(xrf1) =	vunique.msk.u32 $0xffff, v1;
	_ =	sdelay $0xd  }
0x14c: {  	_, v2, vm0 =	vpop (xrf1);
	_ =	sdelay $0x3  }
0x14d: {  	v2 =	vcvt.s32.f32 v2;
	_ =	sdelay $0x1  }
0x14e: {  	[tilespmem:v1+s30+$0x0] =	vst.idx.add.f32.msk vm0, v2  }
0x14f: {  	v1 =	vld [tilespmem:s7+$0xFFFFFFB0];
	_ =	sdelay $0x4  }
0x150: {  	(xrf1) =	vunique.msk.u32 $0xffff, v1;
	_ =	sdelay $0xd  }
0x151: {  	_, v2, vm0 =	vpop (xrf1);
	_ =	sdelay $0x3  }
0x152: {  	v2 =	vcvt.s32.f32 v2;
	_ =	sdelay $0x1  }
0x153: {  	[tilespmem:v1+s30+$0x0] =	vst.idx.add.f32.msk vm0, v2  }
0x154: {  	v1 =	vld [tilespmem:s7+$0xFFFFFFC0];
	_ =	sdelay $0x4  }
0x155: {  	(xrf1) =	vunique.msk.u32 $0xffff, v1;
	_ =	sdelay $0xd  }
0x156: {  	_, v2, vm0 =	vpop (xrf1);
	_ =	sdelay $0x3  }
0x157: {  	v2 =	vcvt.s32.f32 v2;
	_ =	sdelay $0x1  }
0x158: {  	[tilespmem:v1+s30+$0x0] =	vst.idx.add.f32.msk vm0, v2  }
0x159: {  	v1 =	vld [tilespmem:s7+$0xFFFFFFD0];
	_ =	sdelay $0x4  }
0x15a: {  	(xrf1) =	vunique.msk.u32 $0xffff, v1;
	_ =	sdelay $0xd  }
0x15b: {  	_, v2, vm0 =	vpop (xrf1);
	_ =	sdelay $0x3  }
0x15c: {  	v2 =	vcvt.s32.f32 v2;
	_ =	sdelay $0x1  }
0x15d: {  	[tilespmem:v1+s30+$0x0] =	vst.idx.add.f32.msk vm0, v2  }
0x15e: {  	v1 =	vld [tilespmem:s7+$0xFFFFFFE0];
	_ =	sdelay $0x4  }
0x15f: {  	(xrf1) =	vunique.msk.u32 $0xffff, v1;
	_ =	sdelay $0xd  }
0x160: {  	_, v2, vm0 =	vpop (xrf1);
	_ =	sdelay $0x3  }
0x161: {  	v2 =	vcvt.s32.f32 v2;
	_ =	sdelay $0x1  }
0x162: {  	[tilespmem:v1+s30+$0x0] =	vst.idx.add.f32.msk vm0, v2  }
0x163: {  	v1 =	vld [tilespmem:s7+$0xFFFFFFF0];
	_ =	sdelay $0x4  }
0x164: {  	(xrf1) =	vunique.msk.u32 $0xffff, v1;
	_ =	sdelay $0xd  }
0x165: {  	_, v2, vm0 =	vpop (xrf1);
	_ =	sdelay $0x3  }
0x166: {  	v2 =	vcvt.s32.f32 v2;
	_ =	sdelay $0x1  }
0x167: {  	[tilespmem:v1+s30+$0x0] =	vst.idx.add.f32.msk vm0, v2  }
0x168: {  	s8 =	smin.u32 s6, $0xD;
	_ =	swait.ge [sflag:s31], $0x4000  }
0x169: {  	s8 =	sshll.u32 s8, $0x7;
	[sflag:s31] =	ssyncset.done $0x0  }
0x16a: {  	s8 =	sadd.s32 $0x100, s8;
	[sflag:s31] =	ssyncadd.s32 $0xFFFFC000  }
0x16b: {  	[tilespmem:s23], [sflag:$0x1] =	stream.indirect.gather [hbm4b:s1+s26], $0x80, s8, s26, $0xb8;
	[tilespmem:$0x1F800] =	vst v63  }
0x16c: {  	_ =	swait.ge [sflag:s0], $0x4000  }
0x16d: {  	[sflag:s0] =	ssyncset.done $0x0  }
0x16e: {  	[sflag:s0] =	ssyncadd.s32 $0xFFFFC000  }
0x16f: {  	[spmem:s3] =	stream.indirect.scatter.add.f32 [tilespmem:s28], [sflag:$0x4], $0x80, s7, s26, $0xb8;
	[tilespmem:$0x1F800] =	vst v63  }
0x170: {  	v1 =	vld [tilespmem:s7+$0x0];
	_ =	sdelay $0x4  }
0x171: {  	(xrf1) =	vunique.msk.u32 $0xffff, v1;
	_ =	sdelay $0xd  }
0x172: {  	_, v2, vm0 =	vpop (xrf1);
	_ =	sdelay $0x3  }
0x173: {  	v2 =	vcvt.s32.f32 v2;
	_ =	sdelay $0x1  }
0x174: {  	[tilespmem:v1+s30+$0x0] =	vst.idx.add.f32.msk vm0, v2  }
0x175: {  	v1 =	vld [tilespmem:s7+$0x10];
	_ =	sdelay $0x4  }
0x176: {  	(xrf1) =	vunique.msk.u32 $0xffff, v1;
	_ =	sdelay $0xd  }
0x177: {  	_, v2, vm0 =	vpop (xrf1);
	_ =	sdelay $0x3  }
0x178: {  	v2 =	vcvt.s32.f32 v2;
	_ =	sdelay $0x1  }
0x179: {  	[tilespmem:v1+s30+$0x0] =	vst.idx.add.f32.msk vm0, v2  }
0x17a: {  	v1 =	vld [tilespmem:s7+$0x20];
	_ =	sdelay $0x4  }
0x17b: {  	(xrf1) =	vunique.msk.u32 $0xffff, v1;
	_ =	sdelay $0xd  }
0x17c: {  	_, v2, vm0 =	vpop (xrf1);
	_ =	sdelay $0x3  }
0x17d: {  	v2 =	vcvt.s32.f32 v2;
	_ =	sdelay $0x1  }
0x17e: {  	[tilespmem:v1+s30+$0x0] =	vst.idx.add.f32.msk vm0, v2  }
0x17f: {  	v1 =	vld [tilespmem:s7+$0x30];
	_ =	sdelay $0x4  }
0x180: {  	(xrf1) =	vunique.msk.u32 $0xffff, v1;
	_ =	sdelay $0xd  }
0x181: {  	_, v2, vm0 =	vpop (xrf1);
	_ =	sdelay $0x3  }
0x182: {  	v2 =	vcvt.s32.f32 v2;
	_ =	sdelay $0x1  }
0x183: {  	[tilespmem:v1+s30+$0x0] =	vst.idx.add.f32.msk vm0, v2  }
0x184: {  	v1 =	vld [tilespmem:s7+$0x40];
	_ =	sdelay $0x4  }
0x185: {  	(xrf1) =	vunique.msk.u32 $0xffff, v1;
	_ =	sdelay $0xd  }
0x186: {  	_, v2, vm0 =	vpop (xrf1);
	_ =	sdelay $0x3  }
0x187: {  	v2 =	vcvt.s32.f32 v2;
	_ =	sdelay $0x1  }
0x188: {  	[tilespmem:v1+s30+$0x0] =	vst.idx.add.f32.msk vm0, v2  }
0x189: {  	v1 =	vld [tilespmem:s7+$0x50];
	_ =	sdelay $0x4  }
0x18a: {  	(xrf1) =	vunique.msk.u32 $0xffff, v1;
	_ =	sdelay $0xd  }
0x18b: {  	_, v2, vm0 =	vpop (xrf1);
	_ =	sdelay $0x3  }
0x18c: {  	v2 =	vcvt.s32.f32 v2;
	_ =	sdelay $0x1  }
0x18d: {  	[tilespmem:v1+s30+$0x0] =	vst.idx.add.f32.msk vm0, v2  }
0x18e: {  	v1 =	vld [tilespmem:s7+$0x60];
	_ =	sdelay $0x4  }
0x18f: {  	(xrf1) =	vunique.msk.u32 $0xffff, v1;
	_ =	sdelay $0xd  }
0x190: {  	_, v2, vm0 =	vpop (xrf1);
	_ =	sdelay $0x3  }
0x191: {  	v2 =	vcvt.s32.f32 v2;
	_ =	sdelay $0x1  }
0x192: {  	[tilespmem:v1+s30+$0x0] =	vst.idx.add.f32.msk vm0, v2  }
0x193: {  	v1 =	vld [tilespmem:s7+$0x70];
	_ =	sdelay $0x4  }
0x194: {  	(xrf1) =	vunique.msk.u32 $0xffff, v1;
	_ =	sdelay $0xd  }
0x195: {  	_, v2, vm0 =	vpop (xrf1);
	_ =	sdelay $0x3  }
0x196: {  	v2 =	vcvt.s32.f32 v2  }
0x197: {  	p0 =	sne.s32 s6, $0xE  }
.Ltmp4:
0x198: {  	[tilespmem:v1+s30+$0x0] =	vst.idx.add.f32.msk vm0, v2;
	(pc) =	sbr.rel @p0 .LBB2_10-.Ltmp4, $4  }
0x199: {  	s8 =	smin.u32 s6, $0xC;
	_ =	swait.ge [sflag:s4], $0x4000  }
0x19a: {  	s6 =	sadd.s32 $0x2, s6;
	s8 =	sshll.u32 s8, $0x7;
	[sflag:s4] =	ssyncset.done $0x0  }
0x19b: {  	s8 =	sadd.s32 $0x180, s8;
	s7 =	sadd.s32 $0x100, s7;
	[sflag:s4] =	ssyncadd.s32 $0xFFFFC000  }
0x19c: {  	[tilespmem:s28], [sflag:$0x2] =	stream.indirect.gather [hbm4b:s1+s26], $0x80, s8, s26, $0xb8;
	[tilespmem:$0x1F800] =	vst v63  }
0x19d: {  	_ =	swait.ge [sflag:s29], $0x4000  }
0x19e: {  	[sflag:s29] =	ssyncset.done $0x0  }
0x19f: {  	[sflag:s29] =	ssyncadd.s32 $0xFFFFC000  }
0x1a0: {  	_ =	swait.ge [sflag:s0], $0x4000  }
0x1a1: {  	[sflag:s0] =	ssyncset.done $0x0  }
0x1a2: {  	s6 =	simm.s32 $0x0;
	[sflag:s0] =	ssyncadd.s32 $0xFFFFC000  }
0x1a3: {  	[tilespmem:s6], [sflag:$0x5] =	stream.linear.gather [hbm4b:s16+s6], $0x800, $0x38;
	[tilespmem:$0x1F800] =	vst v63  }
0x1a4: {  	_ =	swait.ge [sflag:s24], $0x800  }
0x1a5: {  	[sflag:s24] =	ssyncset.done $0x0  }
0x1a6: {  	[sflag:s24] =	ssyncadd.s32 $0xFFFFF800  }
0x1a7: {  	[tilespmem:s25], [sflag:$0x5] =	stream.linear.gather [hbm4b:s17+s6], $0x800, $0x38;
	[tilespmem:$0x1F800] =	vst v63  }
0x1a8: {  	_ =	swait.ge [sflag:s24], $0x800  }
0x1a9: {  	[sflag:s24] =	ssyncset.done $0x0  }
0x1aa: {  	[sflag:s24] =	ssyncadd.s32 $0xFFFFF800  }
0x1ab: {  	[tilespmem:s23], [sflag:$0x1] =	stream.indirect.gather [hbm4b:s1+s26], $0x80, s6, s26, $0xb8;
	[tilespmem:$0x1F800] =	vst v63  }
0x1ac: {  	s7 =	simm.s32 $0x880  }
0x1ad: {  	[tilespmem:s28], [sflag:$0x2] =	stream.indirect.gather [hbm4b:s1+s26], $0x80, s26, s26, $0xb8;
	[tilespmem:$0x1F800] =	vst v63  }
.LBB2_12:
0x1ae: {  	_ =	swait.ge [sflag:s29], $0x4000  }
0x1af: {  	[sflag:s29] =	ssyncset.done $0x0  }
0x1b0: {  	s8 =	sadd.s32 $0xFFFFFF80, s7;
	[sflag:s29] =	ssyncadd.s32 $0xFFFFC000  }
0x1b1: {  	[spmem:s3] =	stream.indirect.scatter.add.f32 [tilespmem:s23], [sflag:$0x3], $0x80, s8, s26, $0xb8;
	[tilespmem:$0x1F800] =	vst v63  }
0x1b2: {  	v1 =	vld [tilespmem:s7+$0xFFFFFF80];
	_ =	sdelay $0x4  }
0x1b3: {  	(xrf1) =	vunique.msk.u32 $0xffff, v1;
	_ =	sdelay $0xd  }
0x1b4: {  	_, v2, vm0 =	vpop (xrf1);
	_ =	sdelay $0x3  }
0x1b5: {  	v2 =	vcvt.s32.f32 v2;
	_ =	sdelay $0x1  }
0x1b6: {  	[tilespmem:v1+s30+$0x0] =	vst.idx.add.f32.msk vm0, v2  }
0x1b7: {  	v1 =	vld [tilespmem:s7+$0xFFFFFF90];
	_ =	sdelay $0x4  }
0x1b8: {  	(xrf1) =	vunique.msk.u32 $0xffff, v1;
	_ =	sdelay $0xd  }
0x1b9: {  	_, v2, vm0 =	vpop (xrf1);
	_ =	sdelay $0x3  }
0x1ba: {  	v2 =	vcvt.s32.f32 v2;
	_ =	sdelay $0x1  }
0x1bb: {  	[tilespmem:v1+s30+$0x0] =	vst.idx.add.f32.msk vm0, v2  }
0x1bc: {  	v1 =	vld [tilespmem:s7+$0xFFFFFFA0];
	_ =	sdelay $0x4  }
0x1bd: {  	(xrf1) =	vunique.msk.u32 $0xffff, v1;
	_ =	sdelay $0xd  }
0x1be: {  	_, v2, vm0 =	vpop (xrf1);
	_ =	sdelay $0x3  }
0x1bf: {  	v2 =	vcvt.s32.f32 v2;
	_ =	sdelay $0x1  }
0x1c0: {  	[tilespmem:v1+s30+$0x0] =	vst.idx.add.f32.msk vm0, v2  }
0x1c1: {  	v1 =	vld [tilespmem:s7+$0xFFFFFFB0];
	_ =	sdelay $0x4  }
0x1c2: {  	(xrf1) =	vunique.msk.u32 $0xffff, v1;
	_ =	sdelay $0xd  }
0x1c3: {  	_, v2, vm0 =	vpop (xrf1);
	_ =	sdelay $0x3  }
0x1c4: {  	v2 =	vcvt.s32.f32 v2;
	_ =	sdelay $0x1  }
0x1c5: {  	[tilespmem:v1+s30+$0x0] =	vst.idx.add.f32.msk vm0, v2  }
0x1c6: {  	v1 =	vld [tilespmem:s7+$0xFFFFFFC0];
	_ =	sdelay $0x4  }
0x1c7: {  	(xrf1) =	vunique.msk.u32 $0xffff, v1;
	_ =	sdelay $0xd  }
0x1c8: {  	_, v2, vm0 =	vpop (xrf1);
	_ =	sdelay $0x3  }
0x1c9: {  	v2 =	vcvt.s32.f32 v2;
	_ =	sdelay $0x1  }
0x1ca: {  	[tilespmem:v1+s30+$0x0] =	vst.idx.add.f32.msk vm0, v2  }
0x1cb: {  	v1 =	vld [tilespmem:s7+$0xFFFFFFD0];
	_ =	sdelay $0x4  }
0x1cc: {  	(xrf1) =	vunique.msk.u32 $0xffff, v1;
	_ =	sdelay $0xd  }
0x1cd: {  	_, v2, vm0 =	vpop (xrf1);
	_ =	sdelay $0x3  }
0x1ce: {  	v2 =	vcvt.s32.f32 v2;
	_ =	sdelay $0x1  }
0x1cf: {  	[tilespmem:v1+s30+$0x0] =	vst.idx.add.f32.msk vm0, v2  }
0x1d0: {  	v1 =	vld [tilespmem:s7+$0xFFFFFFE0];
	_ =	sdelay $0x4  }
0x1d1: {  	(xrf1) =	vunique.msk.u32 $0xffff, v1;
	_ =	sdelay $0xd  }
0x1d2: {  	_, v2, vm0 =	vpop (xrf1);
	_ =	sdelay $0x3  }
0x1d3: {  	v2 =	vcvt.s32.f32 v2;
	_ =	sdelay $0x1  }
0x1d4: {  	[tilespmem:v1+s30+$0x0] =	vst.idx.add.f32.msk vm0, v2  }
0x1d5: {  	v1 =	vld [tilespmem:s7+$0xFFFFFFF0];
	_ =	sdelay $0x4  }
0x1d6: {  	(xrf1) =	vunique.msk.u32 $0xffff, v1;
	_ =	sdelay $0xd  }
0x1d7: {  	_, v2, vm0 =	vpop (xrf1);
	_ =	sdelay $0x3  }
0x1d8: {  	v2 =	vcvt.s32.f32 v2;
	_ =	sdelay $0x1  }
0x1d9: {  	[tilespmem:v1+s30+$0x0] =	vst.idx.add.f32.msk vm0, v2  }
0x1da: {  	s8 =	smin.u32 s6, $0xD;
	_ =	swait.ge [sflag:s31], $0x4000  }
0x1db: {  	s8 =	sshll.u32 s8, $0x7;
	[sflag:s31] =	ssyncset.done $0x0  }
0x1dc: {  	s8 =	sadd.s32 $0x100, s8;
	[sflag:s31] =	ssyncadd.s32 $0xFFFFC000  }
0x1dd: {  	[tilespmem:s23], [sflag:$0x1] =	stream.indirect.gather [hbm4b:s1+s26], $0x80, s8, s26, $0xb8;
	[tilespmem:$0x1F800] =	vst v63  }
0x1de: {  	_ =	swait.ge [sflag:s0], $0x4000  }
0x1df: {  	[sflag:s0] =	ssyncset.done $0x0  }
0x1e0: {  	[sflag:s0] =	ssyncadd.s32 $0xFFFFC000  }
0x1e1: {  	[spmem:s3] =	stream.indirect.scatter.add.f32 [tilespmem:s28], [sflag:$0x4], $0x80, s7, s26, $0xb8;
	[tilespmem:$0x1F800] =	vst v63  }
0x1e2: {  	v1 =	vld [tilespmem:s7+$0x0];
	_ =	sdelay $0x4  }
0x1e3: {  	(xrf1) =	vunique.msk.u32 $0xffff, v1;
	_ =	sdelay $0xd  }
0x1e4: {  	_, v2, vm0 =	vpop (xrf1);
	_ =	sdelay $0x3  }
0x1e5: {  	v2 =	vcvt.s32.f32 v2;
	_ =	sdelay $0x1  }
0x1e6: {  	[tilespmem:v1+s30+$0x0] =	vst.idx.add.f32.msk vm0, v2  }
0x1e7: {  	v1 =	vld [tilespmem:s7+$0x10];
	_ =	sdelay $0x4  }
0x1e8: {  	(xrf1) =	vunique.msk.u32 $0xffff, v1;
	_ =	sdelay $0xd  }
0x1e9: {  	_, v2, vm0 =	vpop (xrf1);
	_ =	sdelay $0x3  }
0x1ea: {  	v2 =	vcvt.s32.f32 v2;
	_ =	sdelay $0x1  }
0x1eb: {  	[tilespmem:v1+s30+$0x0] =	vst.idx.add.f32.msk vm0, v2  }
0x1ec: {  	v1 =	vld [tilespmem:s7+$0x20];
	_ =	sdelay $0x4  }
0x1ed: {  	(xrf1) =	vunique.msk.u32 $0xffff, v1;
	_ =	sdelay $0xd  }
0x1ee: {  	_, v2, vm0 =	vpop (xrf1);
	_ =	sdelay $0x3  }
0x1ef: {  	v2 =	vcvt.s32.f32 v2;
	_ =	sdelay $0x1  }
0x1f0: {  	[tilespmem:v1+s30+$0x0] =	vst.idx.add.f32.msk vm0, v2  }
0x1f1: {  	v1 =	vld [tilespmem:s7+$0x30];
	_ =	sdelay $0x4  }
0x1f2: {  	(xrf1) =	vunique.msk.u32 $0xffff, v1;
	_ =	sdelay $0xd  }
0x1f3: {  	_, v2, vm0 =	vpop (xrf1);
	_ =	sdelay $0x3  }
0x1f4: {  	v2 =	vcvt.s32.f32 v2;
	_ =	sdelay $0x1  }
0x1f5: {  	[tilespmem:v1+s30+$0x0] =	vst.idx.add.f32.msk vm0, v2  }
0x1f6: {  	v1 =	vld [tilespmem:s7+$0x40];
	_ =	sdelay $0x4  }
0x1f7: {  	(xrf1) =	vunique.msk.u32 $0xffff, v1;
	_ =	sdelay $0xd  }
0x1f8: {  	_, v2, vm0 =	vpop (xrf1);
	_ =	sdelay $0x3  }
0x1f9: {  	v2 =	vcvt.s32.f32 v2;
	_ =	sdelay $0x1  }
0x1fa: {  	[tilespmem:v1+s30+$0x0] =	vst.idx.add.f32.msk vm0, v2  }
0x1fb: {  	v1 =	vld [tilespmem:s7+$0x50];
	_ =	sdelay $0x4  }
0x1fc: {  	(xrf1) =	vunique.msk.u32 $0xffff, v1;
	_ =	sdelay $0xd  }
0x1fd: {  	_, v2, vm0 =	vpop (xrf1);
	_ =	sdelay $0x3  }
0x1fe: {  	v2 =	vcvt.s32.f32 v2;
	_ =	sdelay $0x1  }
0x1ff: {  	[tilespmem:v1+s30+$0x0] =	vst.idx.add.f32.msk vm0, v2  }
0x200: {  	v1 =	vld [tilespmem:s7+$0x60];
	_ =	sdelay $0x4  }
0x201: {  	(xrf1) =	vunique.msk.u32 $0xffff, v1;
	_ =	sdelay $0xd  }
0x202: {  	_, v2, vm0 =	vpop (xrf1);
	_ =	sdelay $0x3  }
0x203: {  	v2 =	vcvt.s32.f32 v2;
	_ =	sdelay $0x1  }
0x204: {  	[tilespmem:v1+s30+$0x0] =	vst.idx.add.f32.msk vm0, v2  }
0x205: {  	v1 =	vld [tilespmem:s7+$0x70];
	_ =	sdelay $0x4  }
0x206: {  	(xrf1) =	vunique.msk.u32 $0xffff, v1;
	_ =	sdelay $0xd  }
0x207: {  	_, v2, vm0 =	vpop (xrf1);
	_ =	sdelay $0x3  }
0x208: {  	v2 =	vcvt.s32.f32 v2  }
0x209: {  	p0 =	sne.s32 s6, $0xE  }
.Ltmp5:
0x20a: {  	[tilespmem:v1+s30+$0x0] =	vst.idx.add.f32.msk vm0, v2;
	(pc) =	sbr.rel @p0 .LBB2_12-.Ltmp5, $4  }
0x20b: {  	s8 =	smin.u32 s6, $0xC;
	_ =	swait.ge [sflag:s4], $0x4000  }
0x20c: {  	s6 =	sadd.s32 $0x2, s6;
	s8 =	sshll.u32 s8, $0x7;
	[sflag:s4] =	ssyncset.done $0x0  }
0x20d: {  	s8 =	sadd.s32 $0x180, s8;
	s7 =	sadd.s32 $0x100, s7;
	[sflag:s4] =	ssyncadd.s32 $0xFFFFC000  }
0x20e: {  	[tilespmem:s28], [sflag:$0x2] =	stream.indirect.gather [hbm4b:s1+s26], $0x80, s8, s26, $0xb8;
	[tilespmem:$0x1F800] =	vst v63  }
0x20f: {  	_ =	swait.ge [sflag:s29], $0x4000  }
0x210: {  	[sflag:s29] =	ssyncset.done $0x0  }
0x211: {  	[sflag:s29] =	ssyncadd.s32 $0xFFFFC000  }
0x212: {  	_ =	swait.ge [sflag:s0], $0x4000  }
0x213: {  	[sflag:s0] =	ssyncset.done $0x0  }
0x214: {  	s6 =	simm.s32 $0x0;
	[sflag:s0] =	ssyncadd.s32 $0xFFFFC000  }
0x215: {  	[tilespmem:s6], [sflag:$0x5] =	stream.linear.gather [hbm4b:s18+s6], $0x800, $0x38;
	[tilespmem:$0x1F800] =	vst v63  }
0x216: {  	_ =	swait.ge [sflag:s24], $0x800  }
0x217: {  	[sflag:s24] =	ssyncset.done $0x0  }
0x218: {  	[sflag:s24] =	ssyncadd.s32 $0xFFFFF800  }
0x219: {  	[tilespmem:s25], [sflag:$0x5] =	stream.linear.gather [hbm4b:s19+s6], $0x800, $0x38;
	[tilespmem:$0x1F800] =	vst v63  }
0x21a: {  	_ =	swait.ge [sflag:s24], $0x800  }
0x21b: {  	[sflag:s24] =	ssyncset.done $0x0  }
0x21c: {  	[sflag:s24] =	ssyncadd.s32 $0xFFFFF800  }
0x21d: {  	[tilespmem:s23], [sflag:$0x1] =	stream.indirect.gather [hbm4b:s1+s26], $0x80, s6, s26, $0xb8;
	[tilespmem:$0x1F800] =	vst v63  }
0x21e: {  	s7 =	simm.s32 $0x880  }
0x21f: {  	[tilespmem:s28], [sflag:$0x2] =	stream.indirect.gather [hbm4b:s1+s26], $0x80, s26, s26, $0xb8;
	[tilespmem:$0x1F800] =	vst v63  }
.LBB2_14:
0x220: {  	_ =	swait.ge [sflag:s29], $0x4000  }
0x221: {  	[sflag:s29] =	ssyncset.done $0x0  }
0x222: {  	s8 =	sadd.s32 $0xFFFFFF80, s7;
	[sflag:s29] =	ssyncadd.s32 $0xFFFFC000  }
0x223: {  	[spmem:s3] =	stream.indirect.scatter.add.f32 [tilespmem:s23], [sflag:$0x3], $0x80, s8, s26, $0xb8;
	[tilespmem:$0x1F800] =	vst v63  }
0x224: {  	v1 =	vld [tilespmem:s7+$0xFFFFFF80];
	_ =	sdelay $0x4  }
0x225: {  	(xrf1) =	vunique.msk.u32 $0xffff, v1;
	_ =	sdelay $0xd  }
0x226: {  	_, v2, vm0 =	vpop (xrf1);
	_ =	sdelay $0x3  }
0x227: {  	v2 =	vcvt.s32.f32 v2;
	_ =	sdelay $0x1  }
0x228: {  	[tilespmem:v1+s30+$0x0] =	vst.idx.add.f32.msk vm0, v2  }
0x229: {  	v1 =	vld [tilespmem:s7+$0xFFFFFF90];
	_ =	sdelay $0x4  }
0x22a: {  	(xrf1) =	vunique.msk.u32 $0xffff, v1;
	_ =	sdelay $0xd  }
0x22b: {  	_, v2, vm0 =	vpop (xrf1);
	_ =	sdelay $0x3  }
0x22c: {  	v2 =	vcvt.s32.f32 v2;
	_ =	sdelay $0x1  }
0x22d: {  	[tilespmem:v1+s30+$0x0] =	vst.idx.add.f32.msk vm0, v2  }
0x22e: {  	v1 =	vld [tilespmem:s7+$0xFFFFFFA0];
	_ =	sdelay $0x4  }
0x22f: {  	(xrf1) =	vunique.msk.u32 $0xffff, v1;
	_ =	sdelay $0xd  }
0x230: {  	_, v2, vm0 =	vpop (xrf1);
	_ =	sdelay $0x3  }
0x231: {  	v2 =	vcvt.s32.f32 v2;
	_ =	sdelay $0x1  }
0x232: {  	[tilespmem:v1+s30+$0x0] =	vst.idx.add.f32.msk vm0, v2  }
0x233: {  	v1 =	vld [tilespmem:s7+$0xFFFFFFB0];
	_ =	sdelay $0x4  }
0x234: {  	(xrf1) =	vunique.msk.u32 $0xffff, v1;
	_ =	sdelay $0xd  }
0x235: {  	_, v2, vm0 =	vpop (xrf1);
	_ =	sdelay $0x3  }
0x236: {  	v2 =	vcvt.s32.f32 v2;
	_ =	sdelay $0x1  }
0x237: {  	[tilespmem:v1+s30+$0x0] =	vst.idx.add.f32.msk vm0, v2  }
0x238: {  	v1 =	vld [tilespmem:s7+$0xFFFFFFC0];
	_ =	sdelay $0x4  }
0x239: {  	(xrf1) =	vunique.msk.u32 $0xffff, v1;
	_ =	sdelay $0xd  }
0x23a: {  	_, v2, vm0 =	vpop (xrf1);
	_ =	sdelay $0x3  }
0x23b: {  	v2 =	vcvt.s32.f32 v2;
	_ =	sdelay $0x1  }
0x23c: {  	[tilespmem:v1+s30+$0x0] =	vst.idx.add.f32.msk vm0, v2  }
0x23d: {  	v1 =	vld [tilespmem:s7+$0xFFFFFFD0];
	_ =	sdelay $0x4  }
0x23e: {  	(xrf1) =	vunique.msk.u32 $0xffff, v1;
	_ =	sdelay $0xd  }
0x23f: {  	_, v2, vm0 =	vpop (xrf1);
	_ =	sdelay $0x3  }
0x240: {  	v2 =	vcvt.s32.f32 v2;
	_ =	sdelay $0x1  }
0x241: {  	[tilespmem:v1+s30+$0x0] =	vst.idx.add.f32.msk vm0, v2  }
0x242: {  	v1 =	vld [tilespmem:s7+$0xFFFFFFE0];
	_ =	sdelay $0x4  }
0x243: {  	(xrf1) =	vunique.msk.u32 $0xffff, v1;
	_ =	sdelay $0xd  }
0x244: {  	_, v2, vm0 =	vpop (xrf1);
	_ =	sdelay $0x3  }
0x245: {  	v2 =	vcvt.s32.f32 v2;
	_ =	sdelay $0x1  }
0x246: {  	[tilespmem:v1+s30+$0x0] =	vst.idx.add.f32.msk vm0, v2  }
0x247: {  	v1 =	vld [tilespmem:s7+$0xFFFFFFF0];
	_ =	sdelay $0x4  }
0x248: {  	(xrf1) =	vunique.msk.u32 $0xffff, v1;
	_ =	sdelay $0xd  }
0x249: {  	_, v2, vm0 =	vpop (xrf1);
	_ =	sdelay $0x3  }
0x24a: {  	v2 =	vcvt.s32.f32 v2;
	_ =	sdelay $0x1  }
0x24b: {  	[tilespmem:v1+s30+$0x0] =	vst.idx.add.f32.msk vm0, v2  }
0x24c: {  	s8 =	smin.u32 s6, $0xD;
	_ =	swait.ge [sflag:s31], $0x4000  }
0x24d: {  	s8 =	sshll.u32 s8, $0x7;
	[sflag:s31] =	ssyncset.done $0x0  }
0x24e: {  	s8 =	sadd.s32 $0x100, s8;
	[sflag:s31] =	ssyncadd.s32 $0xFFFFC000  }
0x24f: {  	[tilespmem:s23], [sflag:$0x1] =	stream.indirect.gather [hbm4b:s1+s26], $0x80, s8, s26, $0xb8;
	[tilespmem:$0x1F800] =	vst v63  }
0x250: {  	_ =	swait.ge [sflag:s0], $0x4000  }
0x251: {  	[sflag:s0] =	ssyncset.done $0x0  }
0x252: {  	[sflag:s0] =	ssyncadd.s32 $0xFFFFC000  }
0x253: {  	[spmem:s3] =	stream.indirect.scatter.add.f32 [tilespmem:s28], [sflag:$0x4], $0x80, s7, s26, $0xb8;
	[tilespmem:$0x1F800] =	vst v63  }
0x254: {  	v1 =	vld [tilespmem:s7+$0x0];
	_ =	sdelay $0x4  }
0x255: {  	(xrf1) =	vunique.msk.u32 $0xffff, v1;
	_ =	sdelay $0xd  }
0x256: {  	_, v2, vm0 =	vpop (xrf1);
	_ =	sdelay $0x3  }
0x257: {  	v2 =	vcvt.s32.f32 v2;
	_ =	sdelay $0x1  }
0x258: {  	[tilespmem:v1+s30+$0x0] =	vst.idx.add.f32.msk vm0, v2  }
0x259: {  	v1 =	vld [tilespmem:s7+$0x10];
	_ =	sdelay $0x4  }
0x25a: {  	(xrf1) =	vunique.msk.u32 $0xffff, v1;
	_ =	sdelay $0xd  }
0x25b: {  	_, v2, vm0 =	vpop (xrf1);
	_ =	sdelay $0x3  }
0x25c: {  	v2 =	vcvt.s32.f32 v2;
	_ =	sdelay $0x1  }
0x25d: {  	[tilespmem:v1+s30+$0x0] =	vst.idx.add.f32.msk vm0, v2  }
0x25e: {  	v1 =	vld [tilespmem:s7+$0x20];
	_ =	sdelay $0x4  }
0x25f: {  	(xrf1) =	vunique.msk.u32 $0xffff, v1;
	_ =	sdelay $0xd  }
0x260: {  	_, v2, vm0 =	vpop (xrf1);
	_ =	sdelay $0x3  }
0x261: {  	v2 =	vcvt.s32.f32 v2;
	_ =	sdelay $0x1  }
0x262: {  	[tilespmem:v1+s30+$0x0] =	vst.idx.add.f32.msk vm0, v2  }
0x263: {  	v1 =	vld [tilespmem:s7+$0x30];
	_ =	sdelay $0x4  }
0x264: {  	(xrf1) =	vunique.msk.u32 $0xffff, v1;
	_ =	sdelay $0xd  }
0x265: {  	_, v2, vm0 =	vpop (xrf1);
	_ =	sdelay $0x3  }
0x266: {  	v2 =	vcvt.s32.f32 v2;
	_ =	sdelay $0x1  }
0x267: {  	[tilespmem:v1+s30+$0x0] =	vst.idx.add.f32.msk vm0, v2  }
0x268: {  	v1 =	vld [tilespmem:s7+$0x40];
	_ =	sdelay $0x4  }
0x269: {  	(xrf1) =	vunique.msk.u32 $0xffff, v1;
	_ =	sdelay $0xd  }
0x26a: {  	_, v2, vm0 =	vpop (xrf1);
	_ =	sdelay $0x3  }
0x26b: {  	v2 =	vcvt.s32.f32 v2;
	_ =	sdelay $0x1  }
0x26c: {  	[tilespmem:v1+s30+$0x0] =	vst.idx.add.f32.msk vm0, v2  }
0x26d: {  	v1 =	vld [tilespmem:s7+$0x50];
	_ =	sdelay $0x4  }
0x26e: {  	(xrf1) =	vunique.msk.u32 $0xffff, v1;
	_ =	sdelay $0xd  }
0x26f: {  	_, v2, vm0 =	vpop (xrf1);
	_ =	sdelay $0x3  }
0x270: {  	v2 =	vcvt.s32.f32 v2;
	_ =	sdelay $0x1  }
0x271: {  	[tilespmem:v1+s30+$0x0] =	vst.idx.add.f32.msk vm0, v2  }
0x272: {  	v1 =	vld [tilespmem:s7+$0x60];
	_ =	sdelay $0x4  }
0x273: {  	(xrf1) =	vunique.msk.u32 $0xffff, v1;
	_ =	sdelay $0xd  }
0x274: {  	_, v2, vm0 =	vpop (xrf1);
	_ =	sdelay $0x3  }
0x275: {  	v2 =	vcvt.s32.f32 v2;
	_ =	sdelay $0x1  }
0x276: {  	[tilespmem:v1+s30+$0x0] =	vst.idx.add.f32.msk vm0, v2  }
0x277: {  	v1 =	vld [tilespmem:s7+$0x70];
	_ =	sdelay $0x4  }
0x278: {  	(xrf1) =	vunique.msk.u32 $0xffff, v1;
	_ =	sdelay $0xd  }
0x279: {  	_, v2, vm0 =	vpop (xrf1);
	_ =	sdelay $0x3  }
0x27a: {  	v2 =	vcvt.s32.f32 v2  }
0x27b: {  	p0 =	sne.s32 s6, $0xE  }
.Ltmp6:
0x27c: {  	[tilespmem:v1+s30+$0x0] =	vst.idx.add.f32.msk vm0, v2;
	(pc) =	sbr.rel @p0 .LBB2_14-.Ltmp6, $4  }
0x27d: {  	s8 =	smin.u32 s6, $0xC;
	_ =	swait.ge [sflag:s4], $0x4000  }
0x27e: {  	s6 =	sadd.s32 $0x2, s6;
	s8 =	sshll.u32 s8, $0x7;
	[sflag:s4] =	ssyncset.done $0x0  }
0x27f: {  	s8 =	sadd.s32 $0x180, s8;
	s7 =	sadd.s32 $0x100, s7;
	[sflag:s4] =	ssyncadd.s32 $0xFFFFC000  }
0x280: {  	[tilespmem:s28], [sflag:$0x2] =	stream.indirect.gather [hbm4b:s1+s26], $0x80, s8, s26, $0xb8;
	[tilespmem:$0x1F800] =	vst v63  }
0x281: {  	_ =	swait.ge [sflag:s29], $0x4000  }
0x282: {  	[sflag:s29] =	ssyncset.done $0x0  }
0x283: {  	[sflag:s29] =	ssyncadd.s32 $0xFFFFC000  }
0x284: {  	_ =	swait.ge [sflag:s0], $0x4000  }
0x285: {  	[sflag:s0] =	ssyncset.done $0x0  }
0x286: {  	s6 =	simm.s32 $0x0;
	[sflag:s0] =	ssyncadd.s32 $0xFFFFC000  }
0x287: {  	[hbm4b:s20+s6] =	stream.linear.scatter [tilespmem:s30], [sflag:$0x5], $0x2800, $0x38;
	[tilespmem:$0x1F800] =	vst v63  }
0x288: {  	s8 =	stileid.u32;
	_ =	swait.ge [sflag:s24], $0x2800  }
0x289: {  	s7 =	sshrl.u32 s5, $0x3;
	s2 =	sadd.s32 $0x1, s2;
	[sflag:s24] =	ssyncset.done $0x0  }
0x28a: {  	p0 =	sne.s32 s2, s22;
	s6 =	sshll.u32 s8, $0x6;
	[sflag:s24] =	ssyncadd.s32 $0xFFFFD800  }
.Ltmp7:
0x28b: {  	s6 =	sor.u32 $0x1C05, s6;
	[bflag:$0x0] =	sbarrier.arrive $0xFFFF;
	(pc) =	sbr.rel @p0 .LBB2_1-.Ltmp7, $4  }
0x28c: {  	[hbm:s21], [sflag:s6] =	dma.local [spmem:s7], $0x2800  }
0x28d: {  	_ =	swait.ge [sflag:s24], $0x2800  }
0x28e: {  	[sflag:s24] =	ssyncset.done $0x0  }
0x28f: {  	[sflag:s24] =	ssyncadd.s32 $0xFFFFD800  }
0x290: {  	_ =	sfence.sel $0x180000  }
0x291: {  	[bflag:$0x0] =	sbarrier.arrive $0xFFFF  }
0x292: {  	_ =	strace $0x90000047  }
0x293: {  	s0 =	stileid.u32;
	[bflag:$0x2] =	sbarrier.arrive $0xFFFF  }
0x294: {  	p0 =	sne.s32 s0, $0x0;
	s0 =	rddreg [dreg:$0x4]  }
0x295: {  	s0 =	sadd.s32 @!p0 $0x100000, s0  }
0x296: {  	[sflag:s0] =	ssyncadd.tile.s32 @!p0 $0x1;
	_ =	shalt  }
.Lfunc_end2:
_tile_overlayer_lowered:
.L_overlay_start_2:
0x297: {  	(tag) =	ssettag $0x2  }
0x298: {  	s0 =	rddreg [dreg:$0x0];
	s2 =	stileid.u32  }
0x299: {  	s1 =	rddreg [dreg:$0x1];
	p0 =	sne.s32 s2, $0x0  }
0x29a: {  	s3 =	rddreg [dreg:$0x2];
	[bflag:$0x3] =	sbarrier.arrive $0xFFFF;
	s2 =	simm.s32 @!p0 $0x1C05  }
0x29b: {  	[timem:s3], [sflag:s2] =	dma.local @!p0 [hbm:s0], s1  }
0x29c: {  	s0 =	simm.s32 @!p0 $0x5  }
0x29d: {  	_ =	swait.ge @!p0 [sflag:s0], s1  }
0x29e: {  	s1 =	ssub.s32 @!p0 $0x0, s1;
	[sflag:s0] =	ssyncset.done @!p0 $0x0  }
0x29f: {  	[sflag:s0] =	ssyncadd.s32 @!p0 s1  }
0x2a0: {  	[bflag:$0x3] =	sbarrier.arrive $0xFFFF  }
0x2a1: {  	_ =	shalt  }

</sc_bundles>
